<compile_context>
chip_gen: v7x
topology: tpu7x:2x2x1
jax: 0.10.2.dev20260603
libtpu: 0.0.44.dev20260713+nightly
codegen_flags: <defaults>
</compile_context>

<pallas_src>
import jax
import jax.numpy as jnp
from jax import lax
from jax.experimental import pallas as pl
from jax.experimental.pallas import tpu as pltpu
from jax.experimental.pallas import tpu_sc as plsc

_VOCAB = 1000000
_D = 64
_B = 16384
_S = 50
_SCALE = float(_D) ** 0.5

_SP = 56
_DP = 128

_NC = 2
_NSUB = 16
_NW = _NC * _NSUB
_ROWS_PER_W = _B // _NW
_NBUF = 8
_NGRP = _ROWS_PER_W // _NBUF


def _sc_body(idx_hbm, table_hbm, out_hbm, idx_v, *scratch):
    gbufs = scratch[:_NBUF]
    sbufs = scratch[_NBUF:2 * _NBUF]
    gsems = scratch[2 * _NBUF:3 * _NBUF]
    ssems = scratch[3 * _NBUF:]

    wid = lax.axis_index("s") * _NC + lax.axis_index("c")
    row0 = wid * _ROWS_PER_W

    pltpu.sync_copy(idx_hbm.at[pl.ds(row0, _ROWS_PER_W)], idx_v)

    for b in range(_NBUF):
        pltpu.async_copy(
            table_hbm.at[idx_v.at[b]], gbufs[b], gsems[b]
        )

    @pl.loop(0, _NGRP)
    def _group(g):
        for b in range(_NBUF):
            j = g * _NBUF + b

            pltpu.make_async_copy(
                table_hbm.at[pl.ds(0, _S)], gbufs[b], gsems[b]
            ).wait()

            @pl.when(g > 0)
            def _():
                pltpu.make_async_copy(
                    sbufs[b],
                    out_hbm.at[0, pl.ds(0, _S), pl.ds(0, _D)],
                    ssems[b],
                ).wait()

            @plsc.parallel_loop(0, _S, unroll=10)
            def _row(r):
                for c in range(_D // 16):
                    sbufs[b][r, pl.ds(c * 16, 16)] = (
                        gbufs[b][r, pl.ds(c * 16, 16)] * _SCALE
                    )

            pltpu.async_copy(
                sbufs[b],
                out_hbm.at[row0 + j, pl.ds(0, _S), pl.ds(0, _D)],
                ssems[b],
            )

            @pl.when(g < _NGRP - 1)
            def _():
                pltpu.async_copy(
                    table_hbm.at[idx_v.at[j + _NBUF]],
                    gbufs[b],
                    gsems[b],
                )

    for b in range(_NBUF):
        pltpu.make_async_copy(
            sbufs[b],
            out_hbm.at[0, pl.ds(0, _S), pl.ds(0, _D)],
            ssems[b],
        ).wait()


def kernel(inputs, embeddings):
    mesh = plsc.VectorSubcoreMesh(core_axis_name="c", subcore_axis_name="s")
    scratch = (
        [pltpu.VMEM((_ROWS_PER_W, _S), jnp.int32)]
        + [pltpu.VMEM((_S, _D), jnp.float32) for _ in range(_NBUF)]
        + [pltpu.VMEM((_S, _D), jnp.float32) for _ in range(_NBUF)]
        + [pltpu.SemaphoreType.DMA for _ in range(2 * _NBUF)]
    )
    f = pl.kernel(
        _sc_body,
        out_type=jax.ShapeDtypeStruct((_B, _SP, _DP), jnp.float32),
        mesh=mesh,
        scratch_types=scratch,
        compiler_params=pltpu.CompilerParams(use_tc_tiling_on_sc=False),
    )
    return f(inputs.astype(jnp.int32), embeddings)[:, :_S, :_D]

# --- scband reference (transcript-rebuilt; emitter-appended) ---
"""Pipeline reference for scband-embedding-75668733821323 (READ-ONLY COPY).

The authoritative reference and input builder live on the scoring server;
editing this copy changes nothing except your own understanding.
"""

import jax, jax.numpy as jnp
import numpy as np

VOCAB_SIZE = 1000000
MODEL_DIM = 64

def setup_inputs(seed: int = 0) -> dict:
    key = jax.random.key(seed)
    k1, k2 = jax.random.split(key)
    inputs = jax.random.randint(k1, (16384, 50), 0, VOCAB_SIZE, dtype=jnp.int64 if jax.config.jax_enable_x64 else jnp.int32)
    # glorot_uniform init for embeddings table
    limit = np.sqrt(6.0 / (VOCAB_SIZE + MODEL_DIM))
    embeddings = jax.random.uniform(k2, (VOCAB_SIZE, MODEL_DIM), dtype=jnp.float32, minval=-limit, maxval=limit)
    return {"inputs": inputs, "embeddings": embeddings}

def reference(inputs, embeddings):
    idx = inputs.astype(jnp.int32)
    emb = jnp.take(embeddings, idx, axis=0)
    emb = emb * (MODEL_DIM ** 0.5)
    return emb

if __name__ == "__main__":
    import jax
    _d = setup_inputs()
    print(jax.jit(kernel)(*tuple(_d.values())))

</pallas_src>

<mosaic_0001>
#map = affine_map<(d0, d1) -> (0, 0)>
#map1 = affine_map<(d0, d1) -> (0, 0, 0)>
module attributes {stable_mosaic.version = 14 : i64} {
  func.func @_sc_body(%arg0: i32, %arg1: i32, %arg2: memref<16384x50xi32, #tpu.memory_space<hbm>>, %arg3: memref<1000000x64xf32, #tpu.memory_space<hbm>>, %arg4: memref<16384x56x128xf32, #tpu.memory_space<hbm>>, %arg5: memref<512x50xi32, #tpu.memory_space<vmem>>, %arg6: memref<50x64xf32, #tpu.memory_space<vmem>>, %arg7: memref<50x64xf32, #tpu.memory_space<vmem>>, %arg8: memref<50x64xf32, #tpu.memory_space<vmem>>, %arg9: memref<50x64xf32, #tpu.memory_space<vmem>>, %arg10: memref<50x64xf32, #tpu.memory_space<vmem>>, %arg11: memref<50x64xf32, #tpu.memory_space<vmem>>, %arg12: memref<50x64xf32, #tpu.memory_space<vmem>>, %arg13: memref<50x64xf32, #tpu.memory_space<vmem>>, %arg14: memref<50x64xf32, #tpu.memory_space<vmem>>, %arg15: memref<50x64xf32, #tpu.memory_space<vmem>>, %arg16: memref<50x64xf32, #tpu.memory_space<vmem>>, %arg17: memref<50x64xf32, #tpu.memory_space<vmem>>, %arg18: memref<50x64xf32, #tpu.memory_space<vmem>>, %arg19: memref<50x64xf32, #tpu.memory_space<vmem>>, %arg20: memref<50x64xf32, #tpu.memory_space<vmem>>, %arg21: memref<50x64xf32, #tpu.memory_space<vmem>>, %arg22: memref<!tpu.dma_semaphore, #tpu.memory_space<semaphore_mem>>, %arg23: memref<!tpu.dma_semaphore, #tpu.memory_space<semaphore_mem>>, %arg24: memref<!tpu.dma_semaphore, #tpu.memory_space<semaphore_mem>>, %arg25: memref<!tpu.dma_semaphore, #tpu.memory_space<semaphore_mem>>, %arg26: memref<!tpu.dma_semaphore, #tpu.memory_space<semaphore_mem>>, %arg27: memref<!tpu.dma_semaphore, #tpu.memory_space<semaphore_mem>>, %arg28: memref<!tpu.dma_semaphore, #tpu.memory_space<semaphore_mem>>, %arg29: memref<!tpu.dma_semaphore, #tpu.memory_space<semaphore_mem>>, %arg30: memref<!tpu.dma_semaphore, #tpu.memory_space<semaphore_mem>>, %arg31: memref<!tpu.dma_semaphore, #tpu.memory_space<semaphore_mem>>, %arg32: memref<!tpu.dma_semaphore, #tpu.memory_space<semaphore_mem>>, %arg33: memref<!tpu.dma_semaphore, #tpu.memory_space<semaphore_mem>>, %arg34: memref<!tpu.dma_semaphore, #tpu.memory_space<semaphore_mem>>, %arg35: memref<!tpu.dma_semaphore, #tpu.memory_space<semaphore_mem>>, %arg36: memref<!tpu.dma_semaphore, #tpu.memory_space<semaphore_mem>>, %arg37: memref<!tpu.dma_semaphore, #tpu.memory_space<semaphore_mem>>) attributes {dimension_semantics = [#tpu.dimension_semantics<core_parallel>, #tpu.dimension_semantics<subcore_parallel>], iteration_bounds = array<i64: 2, 16>, scalar_prefetch = 0 : i64, scratch_operands = 33 : i64, tpu.core_type = #tpu.core_type<sc_vector_subcore>, window_params = [{transform_indices = #map}, {transform_indices = #map}, {transform_indices = #map1}]} {
    %mul3A = arith.constant 2 : i32
    %mul3A_0 = arith.muli %arg1, %mul3A : i32
    %add3A = arith.addi %mul3A_0, %arg0 : i32
    %mul3A_1 = arith.constant 512 : i32
    %mul3A_2 = arith.muli %add3A, %mul3A_1 : i32
    "tpu.region"() ({
      %run_scoped3A = tpu.sem_alloc : memref<!tpu.dma_semaphore, #tpu.memory_space<semaphore_mem>>
      %dma_start3A_133 = arith.constant 0 : i32
      %dma_start3A_134 = tpu.memref_slice %arg2[%mul3A_2, %dma_start3A_133] : memref<16384x50xi32, #tpu.memory_space<hbm>> -> memref<512x50xi32, #tpu.memory_space<hbm>>
      %dma_start3A_135 = arith.constant 0 : i32
      %dma_start3A_136 = tpu.memref_slice %arg2[%mul3A_2, %dma_start3A_135] : memref<16384x50xi32, #tpu.memory_space<hbm>> -> memref<512x50xi32, #tpu.memory_space<hbm>>
      tpu.enqueue_dma source(%dma_start3A_136 : memref<512x50xi32, #tpu.memory_space<hbm>>) target(%arg5 : memref<512x50xi32, #tpu.memory_space<vmem>>) target_semaphore(%run_scoped3A : memref<!tpu.dma_semaphore, #tpu.memory_space<semaphore_mem>>)
      %dma_wait3A_137 = arith.constant 0 : i32
      %dma_wait3A_138 = tpu.memref_slice %arg2[%mul3A_2, %dma_wait3A_137] : memref<16384x50xi32, #tpu.memory_space<hbm>> -> memref<512x50xi32, #tpu.memory_space<hbm>>
      %dma_wait3A_139 = arith.constant 0 : i32
      %dma_wait3A_140 = tpu.memref_slice %arg2[%mul3A_2, %dma_wait3A_139] : memref<16384x50xi32, #tpu.memory_space<hbm>> -> memref<512x50xi32, #tpu.memory_space<hbm>>
      tpu.wait_dma2 semaphore(%run_scoped3A : memref<!tpu.dma_semaphore, #tpu.memory_space<semaphore_mem>>) src(%dma_wait3A_140 : memref<512x50xi32, #tpu.memory_space<hbm>>) dst(%arg5 : memref<512x50xi32, #tpu.memory_space<vmem>>)
      tpu.yield
    }) : () -> ()
    %dma_start3A = arith.constant 0 : i32
    %dma_start3A_3 = arith.constant 0 : i32
    %dma_start3A_4 = tpu.memref_slice %arg5[%dma_start3A, %dma_start3A_3] : memref<512x50xi32, #tpu.memory_space<vmem>> -> memref<1x50xi32, #tpu.memory_space<vmem>>
    %dma_start3A_5 = tpu.memref_squeeze %dma_start3A_4 : memref<1x50xi32, #tpu.memory_space<vmem>> -> memref<50xi32, #tpu.memory_space<vmem>>
    %dma_start3A_6 = arith.constant 0 : i32
    %dma_start3A_7 = arith.constant 0 : i32
    %dma_start3A_8 = tpu.memref_slice %arg3[%dma_start3A_6, %dma_start3A_7] : memref<1000000x64xf32, #tpu.memory_space<hbm>> -> memref<1000000x64xf32, #tpu.memory_space<hbm>>
    tpu.enqueue_indirect_dma source(%dma_start3A_8 : memref<1000000x64xf32, #tpu.memory_space<hbm>>) target(%arg6 : memref<50x64xf32, #tpu.memory_space<vmem>>) offsets(%dma_start3A_5 : memref<50xi32, #tpu.memory_space<vmem>>) semaphore(%arg22 : memref<!tpu.dma_semaphore, #tpu.memory_space<semaphore_mem>>)
    %dma_start3A_9 = arith.constant 1 : i32
    %dma_start3A_10 = arith.constant 0 : i32
    %dma_start3A_11 = tpu.memref_slice %arg5[%dma_start3A_9, %dma_start3A_10] : memref<512x50xi32, #tpu.memory_space<vmem>> -> memref<1x50xi32, #tpu.memory_space<vmem>>
    %dma_start3A_12 = tpu.memref_squeeze %dma_start3A_11 : memref<1x50xi32, #tpu.memory_space<vmem>> -> memref<50xi32, #tpu.memory_space<vmem>>
    %dma_start3A_13 = arith.constant 0 : i32
    %dma_start3A_14 = arith.constant 0 : i32
    %dma_start3A_15 = tpu.memref_slice %arg3[%dma_start3A_13, %dma_start3A_14] : memref<1000000x64xf32, #tpu.memory_space<hbm>> -> memref<1000000x64xf32, #tpu.memory_space<hbm>>
    tpu.enqueue_indirect_dma source(%dma_start3A_15 : memref<1000000x64xf32, #tpu.memory_space<hbm>>) target(%arg7 : memref<50x64xf32, #tpu.memory_space<vmem>>) offsets(%dma_start3A_12 : memref<50xi32, #tpu.memory_space<vmem>>) semaphore(%arg23 : memref<!tpu.dma_semaphore, #tpu.memory_space<semaphore_mem>>)
    %dma_start3A_16 = arith.constant 2 : i32
    %dma_start3A_17 = arith.constant 0 : i32
    %dma_start3A_18 = tpu.memref_slice %arg5[%dma_start3A_16, %dma_start3A_17] : memref<512x50xi32, #tpu.memory_space<vmem>> -> memref<1x50xi32, #tpu.memory_space<vmem>>
    %dma_start3A_19 = tpu.memref_squeeze %dma_start3A_18 : memref<1x50xi32, #tpu.memory_space<vmem>> -> memref<50xi32, #tpu.memory_space<vmem>>
    %dma_start3A_20 = arith.constant 0 : i32
    %dma_start3A_21 = arith.constant 0 : i32
    %dma_start3A_22 = tpu.memref_slice %arg3[%dma_start3A_20, %dma_start3A_21] : memref<1000000x64xf32, #tpu.memory_space<hbm>> -> memref<1000000x64xf32, #tpu.memory_space<hbm>>
    tpu.enqueue_indirect_dma source(%dma_start3A_22 : memref<1000000x64xf32, #tpu.memory_space<hbm>>) target(%arg8 : memref<50x64xf32, #tpu.memory_space<vmem>>) offsets(%dma_start3A_19 : memref<50xi32, #tpu.memory_space<vmem>>) semaphore(%arg24 : memref<!tpu.dma_semaphore, #tpu.memory_space<semaphore_mem>>)
    %dma_start3A_23 = arith.constant 3 : i32
    %dma_start3A_24 = arith.constant 0 : i32
    %dma_start3A_25 = tpu.memref_slice %arg5[%dma_start3A_23, %dma_start3A_24] : memref<512x50xi32, #tpu.memory_space<vmem>> -> memref<1x50xi32, #tpu.memory_space<vmem>>
    %dma_start3A_26 = tpu.memref_squeeze %dma_start3A_25 : memref<1x50xi32, #tpu.memory_space<vmem>> -> memref<50xi32, #tpu.memory_space<vmem>>
    %dma_start3A_27 = arith.constant 0 : i32
    %dma_start3A_28 = arith.constant 0 : i32
    %dma_start3A_29 = tpu.memref_slice %arg3[%dma_start3A_27, %dma_start3A_28] : memref<1000000x64xf32, #tpu.memory_space<hbm>> -> memref<1000000x64xf32, #tpu.memory_space<hbm>>
    tpu.enqueue_indirect_dma source(%dma_start3A_29 : memref<1000000x64xf32, #tpu.memory_space<hbm>>) target(%arg9 : memref<50x64xf32, #tpu.memory_space<vmem>>) offsets(%dma_start3A_26 : memref<50xi32, #tpu.memory_space<vmem>>) semaphore(%arg25 : memref<!tpu.dma_semaphore, #tpu.memory_space<semaphore_mem>>)
    %dma_start3A_30 = arith.constant 4 : i32
    %dma_start3A_31 = arith.constant 0 : i32
    %dma_start3A_32 = tpu.memref_slice %arg5[%dma_start3A_30, %dma_start3A_31] : memref<512x50xi32, #tpu.memory_space<vmem>> -> memref<1x50xi32, #tpu.memory_space<vmem>>
    %dma_start3A_33 = tpu.memref_squeeze %dma_start3A_32 : memref<1x50xi32, #tpu.memory_space<vmem>> -> memref<50xi32, #tpu.memory_space<vmem>>
    %dma_start3A_34 = arith.constant 0 : i32
    %dma_start3A_35 = arith.constant 0 : i32
    %dma_start3A_36 = tpu.memref_slice %arg3[%dma_start3A_34, %dma_start3A_35] : memref<1000000x64xf32, #tpu.memory_space<hbm>> -> memref<1000000x64xf32, #tpu.memory_space<hbm>>
    tpu.enqueue_indirect_dma source(%dma_start3A_36 : memref<1000000x64xf32, #tpu.memory_space<hbm>>) target(%arg10 : memref<50x64xf32, #tpu.memory_space<vmem>>) offsets(%dma_start3A_33 : memref<50xi32, #tpu.memory_space<vmem>>) semaphore(%arg26 : memref<!tpu.dma_semaphore, #tpu.memory_space<semaphore_mem>>)
    %dma_start3A_37 = arith.constant 5 : i32
    %dma_start3A_38 = arith.constant 0 : i32
    %dma_start3A_39 = tpu.memref_slice %arg5[%dma_start3A_37, %dma_start3A_38] : memref<512x50xi32, #tpu.memory_space<vmem>> -> memref<1x50xi32, #tpu.memory_space<vmem>>
    %dma_start3A_40 = tpu.memref_squeeze %dma_start3A_39 : memref<1x50xi32, #tpu.memory_space<vmem>> -> memref<50xi32, #tpu.memory_space<vmem>>
    %dma_start3A_41 = arith.constant 0 : i32
    %dma_start3A_42 = arith.constant 0 : i32
    %dma_start3A_43 = tpu.memref_slice %arg3[%dma_start3A_41, %dma_start3A_42] : memref<1000000x64xf32, #tpu.memory_space<hbm>> -> memref<1000000x64xf32, #tpu.memory_space<hbm>>
    tpu.enqueue_indirect_dma source(%dma_start3A_43 : memref<1000000x64xf32, #tpu.memory_space<hbm>>) target(%arg11 : memref<50x64xf32, #tpu.memory_space<vmem>>) offsets(%dma_start3A_40 : memref<50xi32, #tpu.memory_space<vmem>>) semaphore(%arg27 : memref<!tpu.dma_semaphore, #tpu.memory_space<semaphore_mem>>)
    %dma_start3A_44 = arith.constant 6 : i32
    %dma_start3A_45 = arith.constant 0 : i32
    %dma_start3A_46 = tpu.memref_slice %arg5[%dma_start3A_44, %dma_start3A_45] : memref<512x50xi32, #tpu.memory_space<vmem>> -> memref<1x50xi32, #tpu.memory_space<vmem>>
    %dma_start3A_47 = tpu.memref_squeeze %dma_start3A_46 : memref<1x50xi32, #tpu.memory_space<vmem>> -> memref<50xi32, #tpu.memory_space<vmem>>
    %dma_start3A_48 = arith.constant 0 : i32
    %dma_start3A_49 = arith.constant 0 : i32
    %dma_start3A_50 = tpu.memref_slice %arg3[%dma_start3A_48, %dma_start3A_49] : memref<1000000x64xf32, #tpu.memory_space<hbm>> -> memref<1000000x64xf32, #tpu.memory_space<hbm>>
    tpu.enqueue_indirect_dma source(%dma_start3A_50 : memref<1000000x64xf32, #tpu.memory_space<hbm>>) target(%arg12 : memref<50x64xf32, #tpu.memory_space<vmem>>) offsets(%dma_start3A_47 : memref<50xi32, #tpu.memory_space<vmem>>) semaphore(%arg28 : memref<!tpu.dma_semaphore, #tpu.memory_space<semaphore_mem>>)
    %dma_start3A_51 = arith.constant 7 : i32
    %dma_start3A_52 = arith.constant 0 : i32
    %dma_start3A_53 = tpu.memref_slice %arg5[%dma_start3A_51, %dma_start3A_52] : memref<512x50xi32, #tpu.memory_space<vmem>> -> memref<1x50xi32, #tpu.memory_space<vmem>>
    %dma_start3A_54 = tpu.memref_squeeze %dma_start3A_53 : memref<1x50xi32, #tpu.memory_space<vmem>> -> memref<50xi32, #tpu.memory_space<vmem>>
    %dma_start3A_55 = arith.constant 0 : i32
    %dma_start3A_56 = arith.constant 0 : i32
    %dma_start3A_57 = tpu.memref_slice %arg3[%dma_start3A_55, %dma_start3A_56] : memref<1000000x64xf32, #tpu.memory_space<hbm>> -> memref<1000000x64xf32, #tpu.memory_space<hbm>>
    tpu.enqueue_indirect_dma source(%dma_start3A_57 : memref<1000000x64xf32, #tpu.memory_space<hbm>>) target(%arg13 : memref<50x64xf32, #tpu.memory_space<vmem>>) offsets(%dma_start3A_54 : memref<50xi32, #tpu.memory_space<vmem>>) semaphore(%arg29 : memref<!tpu.dma_semaphore, #tpu.memory_space<semaphore_mem>>)
    %scan3A = arith.constant 0 : i32
    %scan3A_58 = arith.constant 64 : i32
    %scan3A_59 = arith.addi %scan3A, %scan3A_58 : i32
    %scan3A_60 = arith.constant 1 : i32
    scf.for %scan3A_133 = %scan3A to %scan3A_59 step %scan3A_60  : i32 {
      %mul3A_134 = arith.constant 1 : i32
      %mul3A_135 = arith.muli %scan3A_133, %mul3A_134 : i32
      %add3A_136 = arith.constant 0 : i32
      %add3A_137 = arith.addi %add3A_136, %mul3A_135 : i32
      %mul3A_138 = arith.constant 8 : i32
      %mul3A_139 = arith.muli %add3A_137, %mul3A_138 : i32
      %add3A_140 = arith.constant 0 : i32
      %add3A_141 = arith.addi %mul3A_139, %add3A_140 : i32
      %dma_wait3A_142 = arith.constant 0 : i32
      %dma_wait3A_143 = arith.constant 0 : i32
      %dma_wait3A_144 = tpu.memref_slice %arg3[%dma_wait3A_142, %dma_wait3A_143] : memref<1000000x64xf32, #tpu.memory_space<hbm>> -> memref<50x64xf32, #tpu.memory_space<hbm>>
      %dma_wait3A_145 = arith.constant 0 : i32
      %dma_wait3A_146 = arith.constant 0 : i32
      %dma_wait3A_147 = tpu.memref_slice %arg3[%dma_wait3A_145, %dma_wait3A_146] : memref<1000000x64xf32, #tpu.memory_space<hbm>> -> memref<50x64xf32, #tpu.memory_space<hbm>>
      tpu.wait_dma2 semaphore(%arg22 : memref<!tpu.dma_semaphore, #tpu.memory_space<semaphore_mem>>) src(%dma_wait3A_147 : memref<50x64xf32, #tpu.memory_space<hbm>>) dst(%arg6 : memref<50x64xf32, #tpu.memory_space<vmem>>)
      %gt3A = arith.constant 0 : i32
      %gt3A_148 = arith.cmpi sgt, %add3A_137, %gt3A : i32
      %convert_element_type3A = arith.extui %gt3A_148 : i1 to i32
      %cond3A = arith.constant 0 : i32
      %cond3A_149 = arith.cmpi ne, %convert_element_type3A, %cond3A : i32
      scf.if %cond3A_149 {
        %dma_wait3A_389 = arith.constant 0 : i32
        %dma_wait3A_390 = arith.constant 0 : i32
        %dma_wait3A_391 = arith.constant 0 : i32
        %dma_wait3A_392 = tpu.memref_slice %arg4[%dma_wait3A_389, %dma_wait3A_390, %dma_wait3A_391] : memref<16384x56x128xf32, #tpu.memory_space<hbm>> -> memref<1x50x64xf32, #tpu.memory_space<hbm>>
        %dma_wait3A_393 = tpu.memref_squeeze %dma_wait3A_392 : memref<1x50x64xf32, #tpu.memory_space<hbm>> -> memref<50x64xf32, #tpu.memory_space<hbm>>
        %dma_wait3A_394 = arith.constant 0 : i32
        %dma_wait3A_395 = arith.constant 0 : i32
        %dma_wait3A_396 = tpu.memref_slice %arg4[%dma_wait3A_389, %dma_wait3A_394, %dma_wait3A_395] : memref<16384x56x128xf32, #tpu.memory_space<hbm>> -> memref<1x50x64xf32, #tpu.memory_space<hbm>>
        %dma_wait3A_397 = tpu.memref_squeeze %dma_wait3A_396 : memref<1x50x64xf32, #tpu.memory_space<hbm>> -> memref<50x64xf32, #tpu.memory_space<hbm>>
        tpu.wait_dma2 semaphore(%arg30 : memref<!tpu.dma_semaphore, #tpu.memory_space<semaphore_mem>>) src(%arg14 : memref<50x64xf32, #tpu.memory_space<vmem>>) dst(%dma_wait3A_397 : memref<50x64xf32, #tpu.memory_space<hbm>>)
      } else {
      }
      %parallel_loop3A = arith.constant 0 : i32
      %parallel_loop3A_150 = arith.constant 50 : i32
      %parallel_loop3A_151 = arith.constant 1 : i32
      scf.for %parallel_loop3A_389 = %parallel_loop3A to %parallel_loop3A_150 step %parallel_loop3A_151  : i32 {
        %parallel_loop3A_390 = arith.index_cast %parallel_loop3A_389 : i32 to index
        %parallel_loop3A_391 = arith.constant 0 : index
        %parallel_loop3A_392 = tpu.vector_load %arg6[%parallel_loop3A_390, %parallel_loop3A_391] {strides = array<i32>} : memref<50x64xf32, #tpu.memory_space<vmem>>, vector<1x16xf32>,
        %parallel_loop3A_393 = vector.shape_cast %parallel_loop3A_392 : vector<1x16xf32> to vector<16xf32>
        %parallel_loop3A_394 = arith.constant 8.000000e+00 : f32
        %parallel_loop3A_395 = vector.broadcast %parallel_loop3A_394 : f32 to vector<16xf32>
        %parallel_loop3A_396 = arith.mulf %parallel_loop3A_393, %parallel_loop3A_395 : vector<16xf32>
        %parallel_loop3A_397 = arith.index_cast %parallel_loop3A_389 : i32 to index
        %parallel_loop3A_398 = arith.constant 0 : index
        %parallel_loop3A_399 = tpu.vector_load %arg14[%parallel_loop3A_397, %parallel_loop3A_398] {strides = array<i32>} : memref<50x64xf32, #tpu.memory_space<vmem>>, vector<1x16xf32>,
        %parallel_loop3A_400 = vector.shape_cast %parallel_loop3A_399 : vector<1x16xf32> to vector<16xf32>
        %parallel_loop3A_401 = vector.shape_cast %parallel_loop3A_396 : vector<16xf32> to vector<1x16xf32>
        tpu.vector_store %arg14[%parallel_loop3A_397, %parallel_loop3A_398], %parallel_loop3A_401 {strides = array<i32>} : memref<50x64xf32, #tpu.memory_space<vmem>>, vector<1x16xf32>,
        %parallel_loop3A_402 = arith.index_cast %parallel_loop3A_389 : i32 to index
        %parallel_loop3A_403 = arith.constant 16 : index
        %parallel_loop3A_404 = tpu.vector_load %arg6[%parallel_loop3A_402, %parallel_loop3A_403] {strides = array<i32>} : memref<50x64xf32, #tpu.memory_space<vmem>>, vector<1x16xf32>,
        %parallel_loop3A_405 = vector.shape_cast %parallel_loop3A_404 : vector<1x16xf32> to vector<16xf32>
        %parallel_loop3A_406 = arith.constant 8.000000e+00 : f32
        %parallel_loop3A_407 = vector.broadcast %parallel_loop3A_406 : f32 to vector<16xf32>
        %parallel_loop3A_408 = arith.mulf %parallel_loop3A_405, %parallel_loop3A_407 : vector<16xf32>
        %parallel_loop3A_409 = arith.index_cast %parallel_loop3A_389 : i32 to index
        %parallel_loop3A_410 = arith.constant 16 : index
        %parallel_loop3A_411 = tpu.vector_load %arg14[%parallel_loop3A_409, %parallel_loop3A_410] {strides = array<i32>} : memref<50x64xf32, #tpu.memory_space<vmem>>, vector<1x16xf32>,
        %parallel_loop3A_412 = vector.shape_cast %parallel_loop3A_411 : vector<1x16xf32> to vector<16xf32>
        %parallel_loop3A_413 = vector.shape_cast %parallel_loop3A_408 : vector<16xf32> to vector<1x16xf32>
        tpu.vector_store %arg14[%parallel_loop3A_409, %parallel_loop3A_410], %parallel_loop3A_413 {strides = array<i32>} : memref<50x64xf32, #tpu.memory_space<vmem>>, vector<1x16xf32>,
        %parallel_loop3A_414 = arith.index_cast %parallel_loop3A_389 : i32 to index
        %parallel_loop3A_415 = arith.constant 32 : index
        %parallel_loop3A_416 = tpu.vector_load %arg6[%parallel_loop3A_414, %parallel_loop3A_415] {strides = array<i32>} : memref<50x64xf32, #tpu.memory_space<vmem>>, vector<1x16xf32>,
        %parallel_loop3A_417 = vector.shape_cast %parallel_loop3A_416 : vector<1x16xf32> to vector<16xf32>
        %parallel_loop3A_418 = arith.constant 8.000000e+00 : f32
        %parallel_loop3A_419 = vector.broadcast %parallel_loop3A_418 : f32 to vector<16xf32>
        %parallel_loop3A_420 = arith.mulf %parallel_loop3A_417, %parallel_loop3A_419 : vector<16xf32>
        %parallel_loop3A_421 = arith.index_cast %parallel_loop3A_389 : i32 to index
        %parallel_loop3A_422 = arith.constant 32 : index
        %parallel_loop3A_423 = tpu.vector_load %arg14[%parallel_loop3A_421, %parallel_loop3A_422] {strides = array<i32>} : memref<50x64xf32, #tpu.memory_space<vmem>>, vector<1x16xf32>,
        %parallel_loop3A_424 = vector.shape_cast %parallel_loop3A_423 : vector<1x16xf32> to vector<16xf32>
        %parallel_loop3A_425 = vector.shape_cast %parallel_loop3A_420 : vector<16xf32> to vector<1x16xf32>
        tpu.vector_store %arg14[%parallel_loop3A_421, %parallel_loop3A_422], %parallel_loop3A_425 {strides = array<i32>} : memref<50x64xf32, #tpu.memory_space<vmem>>, vector<1x16xf32>,
        %parallel_loop3A_426 = arith.index_cast %parallel_loop3A_389 : i32 to index
        %parallel_loop3A_427 = arith.constant 48 : index
        %parallel_loop3A_428 = tpu.vector_load %arg6[%parallel_loop3A_426, %parallel_loop3A_427] {strides = array<i32>} : memref<50x64xf32, #tpu.memory_space<vmem>>, vector<1x16xf32>,
        %parallel_loop3A_429 = vector.shape_cast %parallel_loop3A_428 : vector<1x16xf32> to vector<16xf32>
        %parallel_loop3A_430 = arith.constant 8.000000e+00 : f32
        %parallel_loop3A_431 = vector.broadcast %parallel_loop3A_430 : f32 to vector<16xf32>
        %parallel_loop3A_432 = arith.mulf %parallel_loop3A_429, %parallel_loop3A_431 : vector<16xf32>
        %parallel_loop3A_433 = arith.index_cast %parallel_loop3A_389 : i32 to index
        %parallel_loop3A_434 = arith.constant 48 : index
        %parallel_loop3A_435 = tpu.vector_load %arg14[%parallel_loop3A_433, %parallel_loop3A_434] {strides = array<i32>} : memref<50x64xf32, #tpu.memory_space<vmem>>, vector<1x16xf32>,
        %parallel_loop3A_436 = vector.shape_cast %parallel_loop3A_435 : vector<1x16xf32> to vector<16xf32>
        %parallel_loop3A_437 = vector.shape_cast %parallel_loop3A_432 : vector<16xf32> to vector<1x16xf32>
        tpu.vector_store %arg14[%parallel_loop3A_433, %parallel_loop3A_434], %parallel_loop3A_437 {strides = array<i32>} : memref<50x64xf32, #tpu.memory_space<vmem>>, vector<1x16xf32>,
      } {sc.loop_unroll_factor = 10 : i64, sc.parallel_access}
      %add3A_152 = arith.addi %mul3A_2, %add3A_141 : i32
      %dma_start3A_153 = arith.constant 0 : i32
      %dma_start3A_154 = arith.constant 0 : i32
      %dma_start3A_155 = tpu.memref_slice %arg4[%add3A_152, %dma_start3A_153, %dma_start3A_154] : memref<16384x56x128xf32, #tpu.memory_space<hbm>> -> memref<1x50x64xf32, #tpu.memory_space<hbm>>
      %dma_start3A_156 = tpu.memref_squeeze %dma_start3A_155 : memref<1x50x64xf32, #tpu.memory_space<hbm>> -> memref<50x64xf32, #tpu.memory_space<hbm>>
      %dma_start3A_157 = arith.constant 0 : i32
      %dma_start3A_158 = arith.constant 0 : i32
      %dma_start3A_159 = tpu.memref_slice %arg4[%add3A_152, %dma_start3A_157, %dma_start3A_158] : memref<16384x56x128xf32, #tpu.memory_space<hbm>> -> memref<1x50x64xf32, #tpu.memory_space<hbm>>
      %dma_start3A_160 = tpu.memref_squeeze %dma_start3A_159 : memref<1x50x64xf32, #tpu.memory_space<hbm>> -> memref<50x64xf32, #tpu.memory_space<hbm>>
      tpu.enqueue_dma source(%arg14 : memref<50x64xf32, #tpu.memory_space<vmem>>) target(%dma_start3A_160 : memref<50x64xf32, #tpu.memory_space<hbm>>) target_semaphore(%arg30 : memref<!tpu.dma_semaphore, #tpu.memory_space<semaphore_mem>>)
      %lt3A = arith.constant 63 : i32
      %lt3A_161 = arith.cmpi slt, %add3A_137, %lt3A : i32
      %convert_element_type3A_162 = arith.extui %lt3A_161 : i1 to i32
      %cond3A_163 = arith.constant 0 : i32
      %cond3A_164 = arith.cmpi ne, %convert_element_type3A_162, %cond3A_163 : i32
      scf.if %cond3A_164 {
        %add3A_389 = arith.constant 8 : i32
        %add3A_390 = arith.addi %add3A_141, %add3A_389 : i32
        %dma_start3A_391 = arith.constant 0 : i32
        %dma_start3A_392 = tpu.memref_slice %arg5[%add3A_390, %dma_start3A_391] : memref<512x50xi32, #tpu.memory_space<vmem>> -> memref<1x50xi32, #tpu.memory_space<vmem>>
        %dma_start3A_393 = tpu.memref_squeeze %dma_start3A_392 : memref<1x50xi32, #tpu.memory_space<vmem>> -> memref<50xi32, #tpu.memory_space<vmem>>
        %dma_start3A_394 = arith.constant 0 : i32
        %dma_start3A_395 = arith.constant 0 : i32
        %dma_start3A_396 = tpu.memref_slice %arg3[%dma_start3A_394, %dma_start3A_395] : memref<1000000x64xf32, #tpu.memory_space<hbm>> -> memref<1000000x64xf32, #tpu.memory_space<hbm>>
        tpu.enqueue_indirect_dma source(%dma_start3A_396 : memref<1000000x64xf32, #tpu.memory_space<hbm>>) target(%arg6 : memref<50x64xf32, #tpu.memory_space<vmem>>) offsets(%dma_start3A_393 : memref<50xi32, #tpu.memory_space<vmem>>) semaphore(%arg22 : memref<!tpu.dma_semaphore, #tpu.memory_space<semaphore_mem>>)
      } else {
      }
      %mul3A_165 = arith.constant 8 : i32
      %mul3A_166 = arith.muli %add3A_137, %mul3A_165 : i32
      %add3A_167 = arith.constant 1 : i32
      %add3A_168 = arith.addi %mul3A_166, %add3A_167 : i32
      %dma_wait3A_169 = arith.constant 0 : i32
      %dma_wait3A_170 = arith.constant 0 : i32
      %dma_wait3A_171 = tpu.memref_slice %arg3[%dma_wait3A_169, %dma_wait3A_170] : memref<1000000x64xf32, #tpu.memory_space<hbm>> -> memref<50x64xf32, #tpu.memory_space<hbm>>
      %dma_wait3A_172 = arith.constant 0 : i32
      %dma_wait3A_173 = arith.constant 0 : i32
      %dma_wait3A_174 = tpu.memref_slice %arg3[%dma_wait3A_172, %dma_wait3A_173] : memref<1000000x64xf32, #tpu.memory_space<hbm>> -> memref<50x64xf32, #tpu.memory_space<hbm>>
      tpu.wait_dma2 semaphore(%arg23 : memref<!tpu.dma_semaphore, #tpu.memory_space<semaphore_mem>>) src(%dma_wait3A_174 : memref<50x64xf32, #tpu.memory_space<hbm>>) dst(%arg7 : memref<50x64xf32, #tpu.memory_space<vmem>>)
      %gt3A_175 = arith.constant 0 : i32
      %gt3A_176 = arith.cmpi sgt, %add3A_137, %gt3A_175 : i32
      %convert_element_type3A_177 = arith.extui %gt3A_176 : i1 to i32
      %cond3A_178 = arith.constant 0 : i32
      %cond3A_179 = arith.cmpi ne, %convert_element_type3A_177, %cond3A_178 : i32
      scf.if %cond3A_179 {
        %dma_wait3A_389 = arith.constant 0 : i32
        %dma_wait3A_390 = arith.constant 0 : i32
        %dma_wait3A_391 = arith.constant 0 : i32
        %dma_wait3A_392 = tpu.memref_slice %arg4[%dma_wait3A_389, %dma_wait3A_390, %dma_wait3A_391] : memref<16384x56x128xf32, #tpu.memory_space<hbm>> -> memref<1x50x64xf32, #tpu.memory_space<hbm>>
        %dma_wait3A_393 = tpu.memref_squeeze %dma_wait3A_392 : memref<1x50x64xf32, #tpu.memory_space<hbm>> -> memref<50x64xf32, #tpu.memory_space<hbm>>
        %dma_wait3A_394 = arith.constant 0 : i32
        %dma_wait3A_395 = arith.constant 0 : i32
        %dma_wait3A_396 = tpu.memref_slice %arg4[%dma_wait3A_389, %dma_wait3A_394, %dma_wait3A_395] : memref<16384x56x128xf32, #tpu.memory_space<hbm>> -> memref<1x50x64xf32, #tpu.memory_space<hbm>>
        %dma_wait3A_397 = tpu.memref_squeeze %dma_wait3A_396 : memref<1x50x64xf32, #tpu.memory_space<hbm>> -> memref<50x64xf32, #tpu.memory_space<hbm>>
        tpu.wait_dma2 semaphore(%arg31 : memref<!tpu.dma_semaphore, #tpu.memory_space<semaphore_mem>>) src(%arg15 : memref<50x64xf32, #tpu.memory_space<vmem>>) dst(%dma_wait3A_397 : memref<50x64xf32, #tpu.memory_space<hbm>>)
      } else {
      }
      %parallel_loop3A_180 = arith.constant 0 : i32
      %parallel_loop3A_181 = arith.constant 50 : i32
      %parallel_loop3A_182 = arith.constant 1 : i32
      scf.for %parallel_loop3A_389 = %parallel_loop3A_180 to %parallel_loop3A_181 step %parallel_loop3A_182  : i32 {
        %parallel_loop3A_390 = arith.index_cast %parallel_loop3A_389 : i32 to index
        %parallel_loop3A_391 = arith.constant 0 : index
        %parallel_loop3A_392 = tpu.vector_load %arg7[%parallel_loop3A_390, %parallel_loop3A_391] {strides = array<i32>} : memref<50x64xf32, #tpu.memory_space<vmem>>, vector<1x16xf32>,
        %parallel_loop3A_393 = vector.shape_cast %parallel_loop3A_392 : vector<1x16xf32> to vector<16xf32>
        %parallel_loop3A_394 = arith.constant 8.000000e+00 : f32
        %parallel_loop3A_395 = vector.broadcast %parallel_loop3A_394 : f32 to vector<16xf32>
        %parallel_loop3A_396 = arith.mulf %parallel_loop3A_393, %parallel_loop3A_395 : vector<16xf32>
        %parallel_loop3A_397 = arith.index_cast %parallel_loop3A_389 : i32 to index
        %parallel_loop3A_398 = arith.constant 0 : index
        %parallel_loop3A_399 = tpu.vector_load %arg15[%parallel_loop3A_397, %parallel_loop3A_398] {strides = array<i32>} : memref<50x64xf32, #tpu.memory_space<vmem>>, vector<1x16xf32>,
        %parallel_loop3A_400 = vector.shape_cast %parallel_loop3A_399 : vector<1x16xf32> to vector<16xf32>
        %parallel_loop3A_401 = vector.shape_cast %parallel_loop3A_396 : vector<16xf32> to vector<1x16xf32>
        tpu.vector_store %arg15[%parallel_loop3A_397, %parallel_loop3A_398], %parallel_loop3A_401 {strides = array<i32>} : memref<50x64xf32, #tpu.memory_space<vmem>>, vector<1x16xf32>,
        %parallel_loop3A_402 = arith.index_cast %parallel_loop3A_389 : i32 to index
        %parallel_loop3A_403 = arith.constant 16 : index
        %parallel_loop3A_404 = tpu.vector_load %arg7[%parallel_loop3A_402, %parallel_loop3A_403] {strides = array<i32>} : memref<50x64xf32, #tpu.memory_space<vmem>>, vector<1x16xf32>,
        %parallel_loop3A_405 = vector.shape_cast %parallel_loop3A_404 : vector<1x16xf32> to vector<16xf32>
        %parallel_loop3A_406 = arith.constant 8.000000e+00 : f32
        %parallel_loop3A_407 = vector.broadcast %parallel_loop3A_406 : f32 to vector<16xf32>
        %parallel_loop3A_408 = arith.mulf %parallel_loop3A_405, %parallel_loop3A_407 : vector<16xf32>
        %parallel_loop3A_409 = arith.index_cast %parallel_loop3A_389 : i32 to index
        %parallel_loop3A_410 = arith.constant 16 : index
        %parallel_loop3A_411 = tpu.vector_load %arg15[%parallel_loop3A_409, %parallel_loop3A_410] {strides = array<i32>} : memref<50x64xf32, #tpu.memory_space<vmem>>, vector<1x16xf32>,
        %parallel_loop3A_412 = vector.shape_cast %parallel_loop3A_411 : vector<1x16xf32> to vector<16xf32>
        %parallel_loop3A_413 = vector.shape_cast %parallel_loop3A_408 : vector<16xf32> to vector<1x16xf32>
        tpu.vector_store %arg15[%parallel_loop3A_409, %parallel_loop3A_410], %parallel_loop3A_413 {strides = array<i32>} : memref<50x64xf32, #tpu.memory_space<vmem>>, vector<1x16xf32>,
        %parallel_loop3A_414 = arith.index_cast %parallel_loop3A_389 : i32 to index
        %parallel_loop3A_415 = arith.constant 32 : index
        %parallel_loop3A_416 = tpu.vector_load %arg7[%parallel_loop3A_414, %parallel_loop3A_415] {strides = array<i32>} : memref<50x64xf32, #tpu.memory_space<vmem>>, vector<1x16xf32>,
        %parallel_loop3A_417 = vector.shape_cast %parallel_loop3A_416 : vector<1x16xf32> to vector<16xf32>
        %parallel_loop3A_418 = arith.constant 8.000000e+00 : f32
        %parallel_loop3A_419 = vector.broadcast %parallel_loop3A_418 : f32 to vector<16xf32>
        %parallel_loop3A_420 = arith.mulf %parallel_loop3A_417, %parallel_loop3A_419 : vector<16xf32>
        %parallel_loop3A_421 = arith.index_cast %parallel_loop3A_389 : i32 to index
        %parallel_loop3A_422 = arith.constant 32 : index
        %parallel_loop3A_423 = tpu.vector_load %arg15[%parallel_loop3A_421, %parallel_loop3A_422] {strides = array<i32>} : memref<50x64xf32, #tpu.memory_space<vmem>>, vector<1x16xf32>,
        %parallel_loop3A_424 = vector.shape_cast %parallel_loop3A_423 : vector<1x16xf32> to vector<16xf32>
        %parallel_loop3A_425 = vector.shape_cast %parallel_loop3A_420 : vector<16xf32> to vector<1x16xf32>
        tpu.vector_store %arg15[%parallel_loop3A_421, %parallel_loop3A_422], %parallel_loop3A_425 {strides = array<i32>} : memref<50x64xf32, #tpu.memory_space<vmem>>, vector<1x16xf32>,
        %parallel_loop3A_426 = arith.index_cast %parallel_loop3A_389 : i32 to index
        %parallel_loop3A_427 = arith.constant 48 : index
        %parallel_loop3A_428 = tpu.vector_load %arg7[%parallel_loop3A_426, %parallel_loop3A_427] {strides = array<i32>} : memref<50x64xf32, #tpu.memory_space<vmem>>, vector<1x16xf32>,
        %parallel_loop3A_429 = vector.shape_cast %parallel_loop3A_428 : vector<1x16xf32> to vector<16xf32>
        %parallel_loop3A_430 = arith.constant 8.000000e+00 : f32
        %parallel_loop3A_431 = vector.broadcast %parallel_loop3A_430 : f32 to vector<16xf32>
        %parallel_loop3A_432 = arith.mulf %parallel_loop3A_429, %parallel_loop3A_431 : vector<16xf32>
        %parallel_loop3A_433 = arith.index_cast %parallel_loop3A_389 : i32 to index
        %parallel_loop3A_434 = arith.constant 48 : index
        %parallel_loop3A_435 = tpu.vector_load %arg15[%parallel_loop3A_433, %parallel_loop3A_434] {strides = array<i32>} : memref<50x64xf32, #tpu.memory_space<vmem>>, vector<1x16xf32>,
        %parallel_loop3A_436 = vector.shape_cast %parallel_loop3A_435 : vector<1x16xf32> to vector<16xf32>
        %parallel_loop3A_437 = vector.shape_cast %parallel_loop3A_432 : vector<16xf32> to vector<1x16xf32>
        tpu.vector_store %arg15[%parallel_loop3A_433, %parallel_loop3A_434], %parallel_loop3A_437 {strides = array<i32>} : memref<50x64xf32, #tpu.memory_space<vmem>>, vector<1x16xf32>,
      } {sc.loop_unroll_factor = 10 : i64, sc.parallel_access}
      %add3A_183 = arith.addi %mul3A_2, %add3A_168 : i32
      %dma_start3A_184 = arith.constant 0 : i32
      %dma_start3A_185 = arith.constant 0 : i32
      %dma_start3A_186 = tpu.memref_slice %arg4[%add3A_183, %dma_start3A_184, %dma_start3A_185] : memref<16384x56x128xf32, #tpu.memory_space<hbm>> -> memref<1x50x64xf32, #tpu.memory_space<hbm>>
      %dma_start3A_187 = tpu.memref_squeeze %dma_start3A_186 : memref<1x50x64xf32, #tpu.memory_space<hbm>> -> memref<50x64xf32, #tpu.memory_space<hbm>>
      %dma_start3A_188 = arith.constant 0 : i32
      %dma_start3A_189 = arith.constant 0 : i32
      %dma_start3A_190 = tpu.memref_slice %arg4[%add3A_183, %dma_start3A_188, %dma_start3A_189] : memref<16384x56x128xf32, #tpu.memory_space<hbm>> -> memref<1x50x64xf32, #tpu.memory_space<hbm>>
      %dma_start3A_191 = tpu.memref_squeeze %dma_start3A_190 : memref<1x50x64xf32, #tpu.memory_space<hbm>> -> memref<50x64xf32, #tpu.memory_space<hbm>>
      tpu.enqueue_dma source(%arg15 : memref<50x64xf32, #tpu.memory_space<vmem>>) target(%dma_start3A_191 : memref<50x64xf32, #tpu.memory_space<hbm>>) target_semaphore(%arg31 : memref<!tpu.dma_semaphore, #tpu.memory_space<semaphore_mem>>)
      %lt3A_192 = arith.constant 63 : i32
      %lt3A_193 = arith.cmpi slt, %add3A_137, %lt3A_192 : i32
      %convert_element_type3A_194 = arith.extui %lt3A_193 : i1 to i32
      %cond3A_195 = arith.constant 0 : i32
      %cond3A_196 = arith.cmpi ne, %convert_element_type3A_194, %cond3A_195 : i32
      scf.if %cond3A_196 {
        %add3A_389 = arith.constant 8 : i32
        %add3A_390 = arith.addi %add3A_168, %add3A_389 : i32
        %dma_start3A_391 = arith.constant 0 : i32
        %dma_start3A_392 = tpu.memref_slice %arg5[%add3A_390, %dma_start3A_391] : memref<512x50xi32, #tpu.memory_space<vmem>> -> memref<1x50xi32, #tpu.memory_space<vmem>>
        %dma_start3A_393 = tpu.memref_squeeze %dma_start3A_392 : memref<1x50xi32, #tpu.memory_space<vmem>> -> memref<50xi32, #tpu.memory_space<vmem>>
        %dma_start3A_394 = arith.constant 0 : i32
        %dma_start3A_395 = arith.constant 0 : i32
        %dma_start3A_396 = tpu.memref_slice %arg3[%dma_start3A_394, %dma_start3A_395] : memref<1000000x64xf32, #tpu.memory_space<hbm>> -> memref<1000000x64xf32, #tpu.memory_space<hbm>>
        tpu.enqueue_indirect_dma source(%dma_start3A_396 : memref<1000000x64xf32, #tpu.memory_space<hbm>>) target(%arg7 : memref<50x64xf32, #tpu.memory_space<vmem>>) offsets(%dma_start3A_393 : memref<50xi32, #tpu.memory_space<vmem>>) semaphore(%arg23 : memref<!tpu.dma_semaphore, #tpu.memory_space<semaphore_mem>>)
      } else {
      }
      %mul3A_197 = arith.constant 8 : i32
      %mul3A_198 = arith.muli %add3A_137, %mul3A_197 : i32
      %add3A_199 = arith.constant 2 : i32
      %add3A_200 = arith.addi %mul3A_198, %add3A_199 : i32
      %dma_wait3A_201 = arith.constant 0 : i32
      %dma_wait3A_202 = arith.constant 0 : i32
      %dma_wait3A_203 = tpu.memref_slice %arg3[%dma_wait3A_201, %dma_wait3A_202] : memref<1000000x64xf32, #tpu.memory_space<hbm>> -> memref<50x64xf32, #tpu.memory_space<hbm>>
      %dma_wait3A_204 = arith.constant 0 : i32
      %dma_wait3A_205 = arith.constant 0 : i32
      %dma_wait3A_206 = tpu.memref_slice %arg3[%dma_wait3A_204, %dma_wait3A_205] : memref<1000000x64xf32, #tpu.memory_space<hbm>> -> memref<50x64xf32, #tpu.memory_space<hbm>>
      tpu.wait_dma2 semaphore(%arg24 : memref<!tpu.dma_semaphore, #tpu.memory_space<semaphore_mem>>) src(%dma_wait3A_206 : memref<50x64xf32, #tpu.memory_space<hbm>>) dst(%arg8 : memref<50x64xf32, #tpu.memory_space<vmem>>)
      %gt3A_207 = arith.constant 0 : i32
      %gt3A_208 = arith.cmpi sgt, %add3A_137, %gt3A_207 : i32
      %convert_element_type3A_209 = arith.extui %gt3A_208 : i1 to i32
      %cond3A_210 = arith.constant 0 : i32
      %cond3A_211 = arith.cmpi ne, %convert_element_type3A_209, %cond3A_210 : i32
      scf.if %cond3A_211 {
        %dma_wait3A_389 = arith.constant 0 : i32
        %dma_wait3A_390 = arith.constant 0 : i32
        %dma_wait3A_391 = arith.constant 0 : i32
        %dma_wait3A_392 = tpu.memref_slice %arg4[%dma_wait3A_389, %dma_wait3A_390, %dma_wait3A_391] : memref<16384x56x128xf32, #tpu.memory_space<hbm>> -> memref<1x50x64xf32, #tpu.memory_space<hbm>>
        %dma_wait3A_393 = tpu.memref_squeeze %dma_wait3A_392 : memref<1x50x64xf32, #tpu.memory_space<hbm>> -> memref<50x64xf32, #tpu.memory_space<hbm>>
        %dma_wait3A_394 = arith.constant 0 : i32
        %dma_wait3A_395 = arith.constant 0 : i32
        %dma_wait3A_396 = tpu.memref_slice %arg4[%dma_wait3A_389, %dma_wait3A_394, %dma_wait3A_395] : memref<16384x56x128xf32, #tpu.memory_space<hbm>> -> memref<1x50x64xf32, #tpu.memory_space<hbm>>
        %dma_wait3A_397 = tpu.memref_squeeze %dma_wait3A_396 : memref<1x50x64xf32, #tpu.memory_space<hbm>> -> memref<50x64xf32, #tpu.memory_space<hbm>>
        tpu.wait_dma2 semaphore(%arg32 : memref<!tpu.dma_semaphore, #tpu.memory_space<semaphore_mem>>) src(%arg16 : memref<50x64xf32, #tpu.memory_space<vmem>>) dst(%dma_wait3A_397 : memref<50x64xf32, #tpu.memory_space<hbm>>)
      } else {
      }
      %parallel_loop3A_212 = arith.constant 0 : i32
      %parallel_loop3A_213 = arith.constant 50 : i32
      %parallel_loop3A_214 = arith.constant 1 : i32
      scf.for %parallel_loop3A_389 = %parallel_loop3A_212 to %parallel_loop3A_213 step %parallel_loop3A_214  : i32 {
        %parallel_loop3A_390 = arith.index_cast %parallel_loop3A_389 : i32 to index
        %parallel_loop3A_391 = arith.constant 0 : index
        %parallel_loop3A_392 = tpu.vector_load %arg8[%parallel_loop3A_390, %parallel_loop3A_391] {strides = array<i32>} : memref<50x64xf32, #tpu.memory_space<vmem>>, vector<1x16xf32>,
        %parallel_loop3A_393 = vector.shape_cast %parallel_loop3A_392 : vector<1x16xf32> to vector<16xf32>
        %parallel_loop3A_394 = arith.constant 8.000000e+00 : f32
        %parallel_loop3A_395 = vector.broadcast %parallel_loop3A_394 : f32 to vector<16xf32>
        %parallel_loop3A_396 = arith.mulf %parallel_loop3A_393, %parallel_loop3A_395 : vector<16xf32>
        %parallel_loop3A_397 = arith.index_cast %parallel_loop3A_389 : i32 to index
        %parallel_loop3A_398 = arith.constant 0 : index
        %parallel_loop3A_399 = tpu.vector_load %arg16[%parallel_loop3A_397, %parallel_loop3A_398] {strides = array<i32>} : memref<50x64xf32, #tpu.memory_space<vmem>>, vector<1x16xf32>,
        %parallel_loop3A_400 = vector.shape_cast %parallel_loop3A_399 : vector<1x16xf32> to vector<16xf32>
        %parallel_loop3A_401 = vector.shape_cast %parallel_loop3A_396 : vector<16xf32> to vector<1x16xf32>
        tpu.vector_store %arg16[%parallel_loop3A_397, %parallel_loop3A_398], %parallel_loop3A_401 {strides = array<i32>} : memref<50x64xf32, #tpu.memory_space<vmem>>, vector<1x16xf32>,
        %parallel_loop3A_402 = arith.index_cast %parallel_loop3A_389 : i32 to index
        %parallel_loop3A_403 = arith.constant 16 : index
        %parallel_loop3A_404 = tpu.vector_load %arg8[%parallel_loop3A_402, %parallel_loop3A_403] {strides = array<i32>} : memref<50x64xf32, #tpu.memory_space<vmem>>, vector<1x16xf32>,
        %parallel_loop3A_405 = vector.shape_cast %parallel_loop3A_404 : vector<1x16xf32> to vector<16xf32>
        %parallel_loop3A_406 = arith.constant 8.000000e+00 : f32
        %parallel_loop3A_407 = vector.broadcast %parallel_loop3A_406 : f32 to vector<16xf32>
        %parallel_loop3A_408 = arith.mulf %parallel_loop3A_405, %parallel_loop3A_407 : vector<16xf32>
        %parallel_loop3A_409 = arith.index_cast %parallel_loop3A_389 : i32 to index
        %parallel_loop3A_410 = arith.constant 16 : index
        %parallel_loop3A_411 = tpu.vector_load %arg16[%parallel_loop3A_409, %parallel_loop3A_410] {strides = array<i32>} : memref<50x64xf32, #tpu.memory_space<vmem>>, vector<1x16xf32>,
        %parallel_loop3A_412 = vector.shape_cast %parallel_loop3A_411 : vector<1x16xf32> to vector<16xf32>
        %parallel_loop3A_413 = vector.shape_cast %parallel_loop3A_408 : vector<16xf32> to vector<1x16xf32>
        tpu.vector_store %arg16[%parallel_loop3A_409, %parallel_loop3A_410], %parallel_loop3A_413 {strides = array<i32>} : memref<50x64xf32, #tpu.memory_space<vmem>>, vector<1x16xf32>,
        %parallel_loop3A_414 = arith.index_cast %parallel_loop3A_389 : i32 to index
        %parallel_loop3A_415 = arith.constant 32 : index
        %parallel_loop3A_416 = tpu.vector_load %arg8[%parallel_loop3A_414, %parallel_loop3A_415] {strides = array<i32>} : memref<50x64xf32, #tpu.memory_space<vmem>>, vector<1x16xf32>,
        %parallel_loop3A_417 = vector.shape_cast %parallel_loop3A_416 : vector<1x16xf32> to vector<16xf32>
        %parallel_loop3A_418 = arith.constant 8.000000e+00 : f32
        %parallel_loop3A_419 = vector.broadcast %parallel_loop3A_418 : f32 to vector<16xf32>
        %parallel_loop3A_420 = arith.mulf %parallel_loop3A_417, %parallel_loop3A_419 : vector<16xf32>
        %parallel_loop3A_421 = arith.index_cast %parallel_loop3A_389 : i32 to index
        %parallel_loop3A_422 = arith.constant 32 : index
        %parallel_loop3A_423 = tpu.vector_load %arg16[%parallel_loop3A_421, %parallel_loop3A_422] {strides = array<i32>} : memref<50x64xf32, #tpu.memory_space<vmem>>, vector<1x16xf32>,
        %parallel_loop3A_424 = vector.shape_cast %parallel_loop3A_423 : vector<1x16xf32> to vector<16xf32>
        %parallel_loop3A_425 = vector.shape_cast %parallel_loop3A_420 : vector<16xf32> to vector<1x16xf32>
        tpu.vector_store %arg16[%parallel_loop3A_421, %parallel_loop3A_422], %parallel_loop3A_425 {strides = array<i32>} : memref<50x64xf32, #tpu.memory_space<vmem>>, vector<1x16xf32>,
        %parallel_loop3A_426 = arith.index_cast %parallel_loop3A_389 : i32 to index
        %parallel_loop3A_427 = arith.constant 48 : index
        %parallel_loop3A_428 = tpu.vector_load %arg8[%parallel_loop3A_426, %parallel_loop3A_427] {strides = array<i32>} : memref<50x64xf32, #tpu.memory_space<vmem>>, vector<1x16xf32>,
        %parallel_loop3A_429 = vector.shape_cast %parallel_loop3A_428 : vector<1x16xf32> to vector<16xf32>
        %parallel_loop3A_430 = arith.constant 8.000000e+00 : f32
        %parallel_loop3A_431 = vector.broadcast %parallel_loop3A_430 : f32 to vector<16xf32>
        %parallel_loop3A_432 = arith.mulf %parallel_loop3A_429, %parallel_loop3A_431 : vector<16xf32>
        %parallel_loop3A_433 = arith.index_cast %parallel_loop3A_389 : i32 to index
        %parallel_loop3A_434 = arith.constant 48 : index
        %parallel_loop3A_435 = tpu.vector_load %arg16[%parallel_loop3A_433, %parallel_loop3A_434] {strides = array<i32>} : memref<50x64xf32, #tpu.memory_space<vmem>>, vector<1x16xf32>,
        %parallel_loop3A_436 = vector.shape_cast %parallel_loop3A_435 : vector<1x16xf32> to vector<16xf32>
        %parallel_loop3A_437 = vector.shape_cast %parallel_loop3A_432 : vector<16xf32> to vector<1x16xf32>
        tpu.vector_store %arg16[%parallel_loop3A_433, %parallel_loop3A_434], %parallel_loop3A_437 {strides = array<i32>} : memref<50x64xf32, #tpu.memory_space<vmem>>, vector<1x16xf32>,
      } {sc.loop_unroll_factor = 10 : i64, sc.parallel_access}
      %add3A_215 = arith.addi %mul3A_2, %add3A_200 : i32
      %dma_start3A_216 = arith.constant 0 : i32
      %dma_start3A_217 = arith.constant 0 : i32
      %dma_start3A_218 = tpu.memref_slice %arg4[%add3A_215, %dma_start3A_216, %dma_start3A_217] : memref<16384x56x128xf32, #tpu.memory_space<hbm>> -> memref<1x50x64xf32, #tpu.memory_space<hbm>>
      %dma_start3A_219 = tpu.memref_squeeze %dma_start3A_218 : memref<1x50x64xf32, #tpu.memory_space<hbm>> -> memref<50x64xf32, #tpu.memory_space<hbm>>
      %dma_start3A_220 = arith.constant 0 : i32
      %dma_start3A_221 = arith.constant 0 : i32
      %dma_start3A_222 = tpu.memref_slice %arg4[%add3A_215, %dma_start3A_220, %dma_start3A_221] : memref<16384x56x128xf32, #tpu.memory_space<hbm>> -> memref<1x50x64xf32, #tpu.memory_space<hbm>>
      %dma_start3A_223 = tpu.memref_squeeze %dma_start3A_222 : memref<1x50x64xf32, #tpu.memory_space<hbm>> -> memref<50x64xf32, #tpu.memory_space<hbm>>
      tpu.enqueue_dma source(%arg16 : memref<50x64xf32, #tpu.memory_space<vmem>>) target(%dma_start3A_223 : memref<50x64xf32, #tpu.memory_space<hbm>>) target_semaphore(%arg32 : memref<!tpu.dma_semaphore, #tpu.memory_space<semaphore_mem>>)
      %lt3A_224 = arith.constant 63 : i32
      %lt3A_225 = arith.cmpi slt, %add3A_137, %lt3A_224 : i32
      %convert_element_type3A_226 = arith.extui %lt3A_225 : i1 to i32
      %cond3A_227 = arith.constant 0 : i32
      %cond3A_228 = arith.cmpi ne, %convert_element_type3A_226, %cond3A_227 : i32
      scf.if %cond3A_228 {
        %add3A_389 = arith.constant 8 : i32
        %add3A_390 = arith.addi %add3A_200, %add3A_389 : i32
        %dma_start3A_391 = arith.constant 0 : i32
        %dma_start3A_392 = tpu.memref_slice %arg5[%add3A_390, %dma_start3A_391] : memref<512x50xi32, #tpu.memory_space<vmem>> -> memref<1x50xi32, #tpu.memory_space<vmem>>
        %dma_start3A_393 = tpu.memref_squeeze %dma_start3A_392 : memref<1x50xi32, #tpu.memory_space<vmem>> -> memref<50xi32, #tpu.memory_space<vmem>>
        %dma_start3A_394 = arith.constant 0 : i32
        %dma_start3A_395 = arith.constant 0 : i32
        %dma_start3A_396 = tpu.memref_slice %arg3[%dma_start3A_394, %dma_start3A_395] : memref<1000000x64xf32, #tpu.memory_space<hbm>> -> memref<1000000x64xf32, #tpu.memory_space<hbm>>
        tpu.enqueue_indirect_dma source(%dma_start3A_396 : memref<1000000x64xf32, #tpu.memory_space<hbm>>) target(%arg8 : memref<50x64xf32, #tpu.memory_space<vmem>>) offsets(%dma_start3A_393 : memref<50xi32, #tpu.memory_space<vmem>>) semaphore(%arg24 : memref<!tpu.dma_semaphore, #tpu.memory_space<semaphore_mem>>)
      } else {
      }
      %mul3A_229 = arith.constant 8 : i32
      %mul3A_230 = arith.muli %add3A_137, %mul3A_229 : i32
      %add3A_231 = arith.constant 3 : i32
      %add3A_232 = arith.addi %mul3A_230, %add3A_231 : i32
      %dma_wait3A_233 = arith.constant 0 : i32
      %dma_wait3A_234 = arith.constant 0 : i32
      %dma_wait3A_235 = tpu.memref_slice %arg3[%dma_wait3A_233, %dma_wait3A_234] : memref<1000000x64xf32, #tpu.memory_space<hbm>> -> memref<50x64xf32, #tpu.memory_space<hbm>>
      %dma_wait3A_236 = arith.constant 0 : i32
      %dma_wait3A_237 = arith.constant 0 : i32
      %dma_wait3A_238 = tpu.memref_slice %arg3[%dma_wait3A_236, %dma_wait3A_237] : memref<1000000x64xf32, #tpu.memory_space<hbm>> -> memref<50x64xf32, #tpu.memory_space<hbm>>
      tpu.wait_dma2 semaphore(%arg25 : memref<!tpu.dma_semaphore, #tpu.memory_space<semaphore_mem>>) src(%dma_wait3A_238 : memref<50x64xf32, #tpu.memory_space<hbm>>) dst(%arg9 : memref<50x64xf32, #tpu.memory_space<vmem>>)
      %gt3A_239 = arith.constant 0 : i32
      %gt3A_240 = arith.cmpi sgt, %add3A_137, %gt3A_239 : i32
      %convert_element_type3A_241 = arith.extui %gt3A_240 : i1 to i32
      %cond3A_242 = arith.constant 0 : i32
      %cond3A_243 = arith.cmpi ne, %convert_element_type3A_241, %cond3A_242 : i32
      scf.if %cond3A_243 {
        %dma_wait3A_389 = arith.constant 0 : i32
        %dma_wait3A_390 = arith.constant 0 : i32
        %dma_wait3A_391 = arith.constant 0 : i32
        %dma_wait3A_392 = tpu.memref_slice %arg4[%dma_wait3A_389, %dma_wait3A_390, %dma_wait3A_391] : memref<16384x56x128xf32, #tpu.memory_space<hbm>> -> memref<1x50x64xf32, #tpu.memory_space<hbm>>
        %dma_wait3A_393 = tpu.memref_squeeze %dma_wait3A_392 : memref<1x50x64xf32, #tpu.memory_space<hbm>> -> memref<50x64xf32, #tpu.memory_space<hbm>>
        %dma_wait3A_394 = arith.constant 0 : i32
        %dma_wait3A_395 = arith.constant 0 : i32
        %dma_wait3A_396 = tpu.memref_slice %arg4[%dma_wait3A_389, %dma_wait3A_394, %dma_wait3A_395] : memref<16384x56x128xf32, #tpu.memory_space<hbm>> -> memref<1x50x64xf32, #tpu.memory_space<hbm>>
        %dma_wait3A_397 = tpu.memref_squeeze %dma_wait3A_396 : memref<1x50x64xf32, #tpu.memory_space<hbm>> -> memref<50x64xf32, #tpu.memory_space<hbm>>
        tpu.wait_dma2 semaphore(%arg33 : memref<!tpu.dma_semaphore, #tpu.memory_space<semaphore_mem>>) src(%arg17 : memref<50x64xf32, #tpu.memory_space<vmem>>) dst(%dma_wait3A_397 : memref<50x64xf32, #tpu.memory_space<hbm>>)
      } else {
      }
      %parallel_loop3A_244 = arith.constant 0 : i32
      %parallel_loop3A_245 = arith.constant 50 : i32
      %parallel_loop3A_246 = arith.constant 1 : i32
      scf.for %parallel_loop3A_389 = %parallel_loop3A_244 to %parallel_loop3A_245 step %parallel_loop3A_246  : i32 {
        %parallel_loop3A_390 = arith.index_cast %parallel_loop3A_389 : i32 to index
        %parallel_loop3A_391 = arith.constant 0 : index
        %parallel_loop3A_392 = tpu.vector_load %arg9[%parallel_loop3A_390, %parallel_loop3A_391] {strides = array<i32>} : memref<50x64xf32, #tpu.memory_space<vmem>>, vector<1x16xf32>,
        %parallel_loop3A_393 = vector.shape_cast %parallel_loop3A_392 : vector<1x16xf32> to vector<16xf32>
        %parallel_loop3A_394 = arith.constant 8.000000e+00 : f32
        %parallel_loop3A_395 = vector.broadcast %parallel_loop3A_394 : f32 to vector<16xf32>
        %parallel_loop3A_396 = arith.mulf %parallel_loop3A_393, %parallel_loop3A_395 : vector<16xf32>
        %parallel_loop3A_397 = arith.index_cast %parallel_loop3A_389 : i32 to index
        %parallel_loop3A_398 = arith.constant 0 : index
        %parallel_loop3A_399 = tpu.vector_load %arg17[%parallel_loop3A_397, %parallel_loop3A_398] {strides = array<i32>} : memref<50x64xf32, #tpu.memory_space<vmem>>, vector<1x16xf32>,
        %parallel_loop3A_400 = vector.shape_cast %parallel_loop3A_399 : vector<1x16xf32> to vector<16xf32>
        %parallel_loop3A_401 = vector.shape_cast %parallel_loop3A_396 : vector<16xf32> to vector<1x16xf32>
        tpu.vector_store %arg17[%parallel_loop3A_397, %parallel_loop3A_398], %parallel_loop3A_401 {strides = array<i32>} : memref<50x64xf32, #tpu.memory_space<vmem>>, vector<1x16xf32>,
        %parallel_loop3A_402 = arith.index_cast %parallel_loop3A_389 : i32 to index
        %parallel_loop3A_403 = arith.constant 16 : index
        %parallel_loop3A_404 = tpu.vector_load %arg9[%parallel_loop3A_402, %parallel_loop3A_403] {strides = array<i32>} : memref<50x64xf32, #tpu.memory_space<vmem>>, vector<1x16xf32>,
        %parallel_loop3A_405 = vector.shape_cast %parallel_loop3A_404 : vector<1x16xf32> to vector<16xf32>
        %parallel_loop3A_406 = arith.constant 8.000000e+00 : f32
        %parallel_loop3A_407 = vector.broadcast %parallel_loop3A_406 : f32 to vector<16xf32>
        %parallel_loop3A_408 = arith.mulf %parallel_loop3A_405, %parallel_loop3A_407 : vector<16xf32>
        %parallel_loop3A_409 = arith.index_cast %parallel_loop3A_389 : i32 to index
        %parallel_loop3A_410 = arith.constant 16 : index
        %parallel_loop3A_411 = tpu.vector_load %arg17[%parallel_loop3A_409, %parallel_loop3A_410] {strides = array<i32>} : memref<50x64xf32, #tpu.memory_space<vmem>>, vector<1x16xf32>,
        %parallel_loop3A_412 = vector.shape_cast %parallel_loop3A_411 : vector<1x16xf32> to vector<16xf32>
        %parallel_loop3A_413 = vector.shape_cast %parallel_loop3A_408 : vector<16xf32> to vector<1x16xf32>
        tpu.vector_store %arg17[%parallel_loop3A_409, %parallel_loop3A_410], %parallel_loop3A_413 {strides = array<i32>} : memref<50x64xf32, #tpu.memory_space<vmem>>, vector<1x16xf32>,
        %parallel_loop3A_414 = arith.index_cast %parallel_loop3A_389 : i32 to index
        %parallel_loop3A_415 = arith.constant 32 : index
        %parallel_loop3A_416 = tpu.vector_load %arg9[%parallel_loop3A_414, %parallel_loop3A_415] {strides = array<i32>} : memref<50x64xf32, #tpu.memory_space<vmem>>, vector<1x16xf32>,
        %parallel_loop3A_417 = vector.shape_cast %parallel_loop3A_416 : vector<1x16xf32> to vector<16xf32>
        %parallel_loop3A_418 = arith.constant 8.000000e+00 : f32
        %parallel_loop3A_419 = vector.broadcast %parallel_loop3A_418 : f32 to vector<16xf32>
        %parallel_loop3A_420 = arith.mulf %parallel_loop3A_417, %parallel_loop3A_419 : vector<16xf32>
        %parallel_loop3A_421 = arith.index_cast %parallel_loop3A_389 : i32 to index
        %parallel_loop3A_422 = arith.constant 32 : index
        %parallel_loop3A_423 = tpu.vector_load %arg17[%parallel_loop3A_421, %parallel_loop3A_422] {strides = array<i32>} : memref<50x64xf32, #tpu.memory_space<vmem>>, vector<1x16xf32>,
        %parallel_loop3A_424 = vector.shape_cast %parallel_loop3A_423 : vector<1x16xf32> to vector<16xf32>
        %parallel_loop3A_425 = vector.shape_cast %parallel_loop3A_420 : vector<16xf32> to vector<1x16xf32>
        tpu.vector_store %arg17[%parallel_loop3A_421, %parallel_loop3A_422], %parallel_loop3A_425 {strides = array<i32>} : memref<50x64xf32, #tpu.memory_space<vmem>>, vector<1x16xf32>,
        %parallel_loop3A_426 = arith.index_cast %parallel_loop3A_389 : i32 to index
        %parallel_loop3A_427 = arith.constant 48 : index
        %parallel_loop3A_428 = tpu.vector_load %arg9[%parallel_loop3A_426, %parallel_loop3A_427] {strides = array<i32>} : memref<50x64xf32, #tpu.memory_space<vmem>>, vector<1x16xf32>,
        %parallel_loop3A_429 = vector.shape_cast %parallel_loop3A_428 : vector<1x16xf32> to vector<16xf32>
        %parallel_loop3A_430 = arith.constant 8.000000e+00 : f32
        %parallel_loop3A_431 = vector.broadcast %parallel_loop3A_430 : f32 to vector<16xf32>
        %parallel_loop3A_432 = arith.mulf %parallel_loop3A_429, %parallel_loop3A_431 : vector<16xf32>
        %parallel_loop3A_433 = arith.index_cast %parallel_loop3A_389 : i32 to index
        %parallel_loop3A_434 = arith.constant 48 : index
        %parallel_loop3A_435 = tpu.vector_load %arg17[%parallel_loop3A_433, %parallel_loop3A_434] {strides = array<i32>} : memref<50x64xf32, #tpu.memory_space<vmem>>, vector<1x16xf32>,
        %parallel_loop3A_436 = vector.shape_cast %parallel_loop3A_435 : vector<1x16xf32> to vector<16xf32>
        %parallel_loop3A_437 = vector.shape_cast %parallel_loop3A_432 : vector<16xf32> to vector<1x16xf32>
        tpu.vector_store %arg17[%parallel_loop3A_433, %parallel_loop3A_434], %parallel_loop3A_437 {strides = array<i32>} : memref<50x64xf32, #tpu.memory_space<vmem>>, vector<1x16xf32>,
      } {sc.loop_unroll_factor = 10 : i64, sc.parallel_access}
      %add3A_247 = arith.addi %mul3A_2, %add3A_232 : i32
      %dma_start3A_248 = arith.constant 0 : i32
      %dma_start3A_249 = arith.constant 0 : i32
      %dma_start3A_250 = tpu.memref_slice %arg4[%add3A_247, %dma_start3A_248, %dma_start3A_249] : memref<16384x56x128xf32, #tpu.memory_space<hbm>> -> memref<1x50x64xf32, #tpu.memory_space<hbm>>
      %dma_start3A_251 = tpu.memref_squeeze %dma_start3A_250 : memref<1x50x64xf32, #tpu.memory_space<hbm>> -> memref<50x64xf32, #tpu.memory_space<hbm>>
      %dma_start3A_252 = arith.constant 0 : i32
      %dma_start3A_253 = arith.constant 0 : i32
      %dma_start3A_254 = tpu.memref_slice %arg4[%add3A_247, %dma_start3A_252, %dma_start3A_253] : memref<16384x56x128xf32, #tpu.memory_space<hbm>> -> memref<1x50x64xf32, #tpu.memory_space<hbm>>
      %dma_start3A_255 = tpu.memref_squeeze %dma_start3A_254 : memref<1x50x64xf32, #tpu.memory_space<hbm>> -> memref<50x64xf32, #tpu.memory_space<hbm>>
      tpu.enqueue_dma source(%arg17 : memref<50x64xf32, #tpu.memory_space<vmem>>) target(%dma_start3A_255 : memref<50x64xf32, #tpu.memory_space<hbm>>) target_semaphore(%arg33 : memref<!tpu.dma_semaphore, #tpu.memory_space<semaphore_mem>>)
      %lt3A_256 = arith.constant 63 : i32
      %lt3A_257 = arith.cmpi slt, %add3A_137, %lt3A_256 : i32
      %convert_element_type3A_258 = arith.extui %lt3A_257 : i1 to i32
      %cond3A_259 = arith.constant 0 : i32
      %cond3A_260 = arith.cmpi ne, %convert_element_type3A_258, %cond3A_259 : i32
      scf.if %cond3A_260 {
        %add3A_389 = arith.constant 8 : i32
        %add3A_390 = arith.addi %add3A_232, %add3A_389 : i32
        %dma_start3A_391 = arith.constant 0 : i32
        %dma_start3A_392 = tpu.memref_slice %arg5[%add3A_390, %dma_start3A_391] : memref<512x50xi32, #tpu.memory_space<vmem>> -> memref<1x50xi32, #tpu.memory_space<vmem>>
        %dma_start3A_393 = tpu.memref_squeeze %dma_start3A_392 : memref<1x50xi32, #tpu.memory_space<vmem>> -> memref<50xi32, #tpu.memory_space<vmem>>
        %dma_start3A_394 = arith.constant 0 : i32
        %dma_start3A_395 = arith.constant 0 : i32
        %dma_start3A_396 = tpu.memref_slice %arg3[%dma_start3A_394, %dma_start3A_395] : memref<1000000x64xf32, #tpu.memory_space<hbm>> -> memref<1000000x64xf32, #tpu.memory_space<hbm>>
        tpu.enqueue_indirect_dma source(%dma_start3A_396 : memref<1000000x64xf32, #tpu.memory_space<hbm>>) target(%arg9 : memref<50x64xf32, #tpu.memory_space<vmem>>) offsets(%dma_start3A_393 : memref<50xi32, #tpu.memory_space<vmem>>) semaphore(%arg25 : memref<!tpu.dma_semaphore, #tpu.memory_space<semaphore_mem>>)
      } else {
      }
      %mul3A_261 = arith.constant 8 : i32
      %mul3A_262 = arith.muli %add3A_137, %mul3A_261 : i32
      %add3A_263 = arith.constant 4 : i32
      %add3A_264 = arith.addi %mul3A_262, %add3A_263 : i32
      %dma_wait3A_265 = arith.constant 0 : i32
      %dma_wait3A_266 = arith.constant 0 : i32
      %dma_wait3A_267 = tpu.memref_slice %arg3[%dma_wait3A_265, %dma_wait3A_266] : memref<1000000x64xf32, #tpu.memory_space<hbm>> -> memref<50x64xf32, #tpu.memory_space<hbm>>
      %dma_wait3A_268 = arith.constant 0 : i32
      %dma_wait3A_269 = arith.constant 0 : i32
      %dma_wait3A_270 = tpu.memref_slice %arg3[%dma_wait3A_268, %dma_wait3A_269] : memref<1000000x64xf32, #tpu.memory_space<hbm>> -> memref<50x64xf32, #tpu.memory_space<hbm>>
      tpu.wait_dma2 semaphore(%arg26 : memref<!tpu.dma_semaphore, #tpu.memory_space<semaphore_mem>>) src(%dma_wait3A_270 : memref<50x64xf32, #tpu.memory_space<hbm>>) dst(%arg10 : memref<50x64xf32, #tpu.memory_space<vmem>>)
      %gt3A_271 = arith.constant 0 : i32
      %gt3A_272 = arith.cmpi sgt, %add3A_137, %gt3A_271 : i32
      %convert_element_type3A_273 = arith.extui %gt3A_272 : i1 to i32
      %cond3A_274 = arith.constant 0 : i32
      %cond3A_275 = arith.cmpi ne, %convert_element_type3A_273, %cond3A_274 : i32
      scf.if %cond3A_275 {
        %dma_wait3A_389 = arith.constant 0 : i32
        %dma_wait3A_390 = arith.constant 0 : i32
        %dma_wait3A_391 = arith.constant 0 : i32
        %dma_wait3A_392 = tpu.memref_slice %arg4[%dma_wait3A_389, %dma_wait3A_390, %dma_wait3A_391] : memref<16384x56x128xf32, #tpu.memory_space<hbm>> -> memref<1x50x64xf32, #tpu.memory_space<hbm>>
        %dma_wait3A_393 = tpu.memref_squeeze %dma_wait3A_392 : memref<1x50x64xf32, #tpu.memory_space<hbm>> -> memref<50x64xf32, #tpu.memory_space<hbm>>
        %dma_wait3A_394 = arith.constant 0 : i32
        %dma_wait3A_395 = arith.constant 0 : i32
        %dma_wait3A_396 = tpu.memref_slice %arg4[%dma_wait3A_389, %dma_wait3A_394, %dma_wait3A_395] : memref<16384x56x128xf32, #tpu.memory_space<hbm>> -> memref<1x50x64xf32, #tpu.memory_space<hbm>>
        %dma_wait3A_397 = tpu.memref_squeeze %dma_wait3A_396 : memref<1x50x64xf32, #tpu.memory_space<hbm>> -> memref<50x64xf32, #tpu.memory_space<hbm>>
        tpu.wait_dma2 semaphore(%arg34 : memref<!tpu.dma_semaphore, #tpu.memory_space<semaphore_mem>>) src(%arg18 : memref<50x64xf32, #tpu.memory_space<vmem>>) dst(%dma_wait3A_397 : memref<50x64xf32, #tpu.memory_space<hbm>>)
      } else {
      }
      %parallel_loop3A_276 = arith.constant 0 : i32
      %parallel_loop3A_277 = arith.constant 50 : i32
      %parallel_loop3A_278 = arith.constant 1 : i32
      scf.for %parallel_loop3A_389 = %parallel_loop3A_276 to %parallel_loop3A_277 step %parallel_loop3A_278  : i32 {
        %parallel_loop3A_390 = arith.index_cast %parallel_loop3A_389 : i32 to index
        %parallel_loop3A_391 = arith.constant 0 : index
        %parallel_loop3A_392 = tpu.vector_load %arg10[%parallel_loop3A_390, %parallel_loop3A_391] {strides = array<i32>} : memref<50x64xf32, #tpu.memory_space<vmem>>, vector<1x16xf32>,
        %parallel_loop3A_393 = vector.shape_cast %parallel_loop3A_392 : vector<1x16xf32> to vector<16xf32>
        %parallel_loop3A_394 = arith.constant 8.000000e+00 : f32
        %parallel_loop3A_395 = vector.broadcast %parallel_loop3A_394 : f32 to vector<16xf32>
        %parallel_loop3A_396 = arith.mulf %parallel_loop3A_393, %parallel_loop3A_395 : vector<16xf32>
        %parallel_loop3A_397 = arith.index_cast %parallel_loop3A_389 : i32 to index
        %parallel_loop3A_398 = arith.constant 0 : index
        %parallel_loop3A_399 = tpu.vector_load %arg18[%parallel_loop3A_397, %parallel_loop3A_398] {strides = array<i32>} : memref<50x64xf32, #tpu.memory_space<vmem>>, vector<1x16xf32>,
        %parallel_loop3A_400 = vector.shape_cast %parallel_loop3A_399 : vector<1x16xf32> to vector<16xf32>
        %parallel_loop3A_401 = vector.shape_cast %parallel_loop3A_396 : vector<16xf32> to vector<1x16xf32>
        tpu.vector_store %arg18[%parallel_loop3A_397, %parallel_loop3A_398], %parallel_loop3A_401 {strides = array<i32>} : memref<50x64xf32, #tpu.memory_space<vmem>>, vector<1x16xf32>,
        %parallel_loop3A_402 = arith.index_cast %parallel_loop3A_389 : i32 to index
        %parallel_loop3A_403 = arith.constant 16 : index
        %parallel_loop3A_404 = tpu.vector_load %arg10[%parallel_loop3A_402, %parallel_loop3A_403] {strides = array<i32>} : memref<50x64xf32, #tpu.memory_space<vmem>>, vector<1x16xf32>,
        %parallel_loop3A_405 = vector.shape_cast %parallel_loop3A_404 : vector<1x16xf32> to vector<16xf32>
        %parallel_loop3A_406 = arith.constant 8.000000e+00 : f32
        %parallel_loop3A_407 = vector.broadcast %parallel_loop3A_406 : f32 to vector<16xf32>
        %parallel_loop3A_408 = arith.mulf %parallel_loop3A_405, %parallel_loop3A_407 : vector<16xf32>
        %parallel_loop3A_409 = arith.index_cast %parallel_loop3A_389 : i32 to index
        %parallel_loop3A_410 = arith.constant 16 : index
        %parallel_loop3A_411 = tpu.vector_load %arg18[%parallel_loop3A_409, %parallel_loop3A_410] {strides = array<i32>} : memref<50x64xf32, #tpu.memory_space<vmem>>, vector<1x16xf32>,
        %parallel_loop3A_412 = vector.shape_cast %parallel_loop3A_411 : vector<1x16xf32> to vector<16xf32>
        %parallel_loop3A_413 = vector.shape_cast %parallel_loop3A_408 : vector<16xf32> to vector<1x16xf32>
        tpu.vector_store %arg18[%parallel_loop3A_409, %parallel_loop3A_410], %parallel_loop3A_413 {strides = array<i32>} : memref<50x64xf32, #tpu.memory_space<vmem>>, vector<1x16xf32>,
        %parallel_loop3A_414 = arith.index_cast %parallel_loop3A_389 : i32 to index
        %parallel_loop3A_415 = arith.constant 32 : index
        %parallel_loop3A_416 = tpu.vector_load %arg10[%parallel_loop3A_414, %parallel_loop3A_415] {strides = array<i32>} : memref<50x64xf32, #tpu.memory_space<vmem>>, vector<1x16xf32>,
        %parallel_loop3A_417 = vector.shape_cast %parallel_loop3A_416 : vector<1x16xf32> to vector<16xf32>
        %parallel_loop3A_418 = arith.constant 8.000000e+00 : f32
        %parallel_loop3A_419 = vector.broadcast %parallel_loop3A_418 : f32 to vector<16xf32>
        %parallel_loop3A_420 = arith.mulf %parallel_loop3A_417, %parallel_loop3A_419 : vector<16xf32>
        %parallel_loop3A_421 = arith.index_cast %parallel_loop3A_389 : i32 to index
        %parallel_loop3A_422 = arith.constant 32 : index
        %parallel_loop3A_423 = tpu.vector_load %arg18[%parallel_loop3A_421, %parallel_loop3A_422] {strides = array<i32>} : memref<50x64xf32, #tpu.memory_space<vmem>>, vector<1x16xf32>,
        %parallel_loop3A_424 = vector.shape_cast %parallel_loop3A_423 : vector<1x16xf32> to vector<16xf32>
        %parallel_loop3A_425 = vector.shape_cast %parallel_loop3A_420 : vector<16xf32> to vector<1x16xf32>
        tpu.vector_store %arg18[%parallel_loop3A_421, %parallel_loop3A_422], %parallel_loop3A_425 {strides = array<i32>} : memref<50x64xf32, #tpu.memory_space<vmem>>, vector<1x16xf32>,
        %parallel_loop3A_426 = arith.index_cast %parallel_loop3A_389 : i32 to index
        %parallel_loop3A_427 = arith.constant 48 : index
        %parallel_loop3A_428 = tpu.vector_load %arg10[%parallel_loop3A_426, %parallel_loop3A_427] {strides = array<i32>} : memref<50x64xf32, #tpu.memory_space<vmem>>, vector<1x16xf32>,
        %parallel_loop3A_429 = vector.shape_cast %parallel_loop3A_428 : vector<1x16xf32> to vector<16xf32>
        %parallel_loop3A_430 = arith.constant 8.000000e+00 : f32
        %parallel_loop3A_431 = vector.broadcast %parallel_loop3A_430 : f32 to vector<16xf32>
        %parallel_loop3A_432 = arith.mulf %parallel_loop3A_429, %parallel_loop3A_431 : vector<16xf32>
        %parallel_loop3A_433 = arith.index_cast %parallel_loop3A_389 : i32 to index
        %parallel_loop3A_434 = arith.constant 48 : index
        %parallel_loop3A_435 = tpu.vector_load %arg18[%parallel_loop3A_433, %parallel_loop3A_434] {strides = array<i32>} : memref<50x64xf32, #tpu.memory_space<vmem>>, vector<1x16xf32>,
        %parallel_loop3A_436 = vector.shape_cast %parallel_loop3A_435 : vector<1x16xf32> to vector<16xf32>
        %parallel_loop3A_437 = vector.shape_cast %parallel_loop3A_432 : vector<16xf32> to vector<1x16xf32>
        tpu.vector_store %arg18[%parallel_loop3A_433, %parallel_loop3A_434], %parallel_loop3A_437 {strides = array<i32>} : memref<50x64xf32, #tpu.memory_space<vmem>>, vector<1x16xf32>,
      } {sc.loop_unroll_factor = 10 : i64, sc.parallel_access}
      %add3A_279 = arith.addi %mul3A_2, %add3A_264 : i32
      %dma_start3A_280 = arith.constant 0 : i32
      %dma_start3A_281 = arith.constant 0 : i32
      %dma_start3A_282 = tpu.memref_slice %arg4[%add3A_279, %dma_start3A_280, %dma_start3A_281] : memref<16384x56x128xf32, #tpu.memory_space<hbm>> -> memref<1x50x64xf32, #tpu.memory_space<hbm>>
      %dma_start3A_283 = tpu.memref_squeeze %dma_start3A_282 : memref<1x50x64xf32, #tpu.memory_space<hbm>> -> memref<50x64xf32, #tpu.memory_space<hbm>>
      %dma_start3A_284 = arith.constant 0 : i32
      %dma_start3A_285 = arith.constant 0 : i32
      %dma_start3A_286 = tpu.memref_slice %arg4[%add3A_279, %dma_start3A_284, %dma_start3A_285] : memref<16384x56x128xf32, #tpu.memory_space<hbm>> -> memref<1x50x64xf32, #tpu.memory_space<hbm>>
      %dma_start3A_287 = tpu.memref_squeeze %dma_start3A_286 : memref<1x50x64xf32, #tpu.memory_space<hbm>> -> memref<50x64xf32, #tpu.memory_space<hbm>>
      tpu.enqueue_dma source(%arg18 : memref<50x64xf32, #tpu.memory_space<vmem>>) target(%dma_start3A_287 : memref<50x64xf32, #tpu.memory_space<hbm>>) target_semaphore(%arg34 : memref<!tpu.dma_semaphore, #tpu.memory_space<semaphore_mem>>)
      %lt3A_288 = arith.constant 63 : i32
      %lt3A_289 = arith.cmpi slt, %add3A_137, %lt3A_288 : i32
      %convert_element_type3A_290 = arith.extui %lt3A_289 : i1 to i32
      %cond3A_291 = arith.constant 0 : i32
      %cond3A_292 = arith.cmpi ne, %convert_element_type3A_290, %cond3A_291 : i32
      scf.if %cond3A_292 {
        %add3A_389 = arith.constant 8 : i32
        %add3A_390 = arith.addi %add3A_264, %add3A_389 : i32
        %dma_start3A_391 = arith.constant 0 : i32
        %dma_start3A_392 = tpu.memref_slice %arg5[%add3A_390, %dma_start3A_391] : memref<512x50xi32, #tpu.memory_space<vmem>> -> memref<1x50xi32, #tpu.memory_space<vmem>>
        %dma_start3A_393 = tpu.memref_squeeze %dma_start3A_392 : memref<1x50xi32, #tpu.memory_space<vmem>> -> memref<50xi32, #tpu.memory_space<vmem>>
        %dma_start3A_394 = arith.constant 0 : i32
        %dma_start3A_395 = arith.constant 0 : i32
        %dma_start3A_396 = tpu.memref_slice %arg3[%dma_start3A_394, %dma_start3A_395] : memref<1000000x64xf32, #tpu.memory_space<hbm>> -> memref<1000000x64xf32, #tpu.memory_space<hbm>>
        tpu.enqueue_indirect_dma source(%dma_start3A_396 : memref<1000000x64xf32, #tpu.memory_space<hbm>>) target(%arg10 : memref<50x64xf32, #tpu.memory_space<vmem>>) offsets(%dma_start3A_393 : memref<50xi32, #tpu.memory_space<vmem>>) semaphore(%arg26 : memref<!tpu.dma_semaphore, #tpu.memory_space<semaphore_mem>>)
      } else {
      }
      %mul3A_293 = arith.constant 8 : i32
      %mul3A_294 = arith.muli %add3A_137, %mul3A_293 : i32
      %add3A_295 = arith.constant 5 : i32
      %add3A_296 = arith.addi %mul3A_294, %add3A_295 : i32
      %dma_wait3A_297 = arith.constant 0 : i32
      %dma_wait3A_298 = arith.constant 0 : i32
      %dma_wait3A_299 = tpu.memref_slice %arg3[%dma_wait3A_297, %dma_wait3A_298] : memref<1000000x64xf32, #tpu.memory_space<hbm>> -> memref<50x64xf32, #tpu.memory_space<hbm>>
      %dma_wait3A_300 = arith.constant 0 : i32
      %dma_wait3A_301 = arith.constant 0 : i32
      %dma_wait3A_302 = tpu.memref_slice %arg3[%dma_wait3A_300, %dma_wait3A_301] : memref<1000000x64xf32, #tpu.memory_space<hbm>> -> memref<50x64xf32, #tpu.memory_space<hbm>>
      tpu.wait_dma2 semaphore(%arg27 : memref<!tpu.dma_semaphore, #tpu.memory_space<semaphore_mem>>) src(%dma_wait3A_302 : memref<50x64xf32, #tpu.memory_space<hbm>>) dst(%arg11 : memref<50x64xf32, #tpu.memory_space<vmem>>)
      %gt3A_303 = arith.constant 0 : i32
      %gt3A_304 = arith.cmpi sgt, %add3A_137, %gt3A_303 : i32
      %convert_element_type3A_305 = arith.extui %gt3A_304 : i1 to i32
      %cond3A_306 = arith.constant 0 : i32
      %cond3A_307 = arith.cmpi ne, %convert_element_type3A_305, %cond3A_306 : i32
      scf.if %cond3A_307 {
        %dma_wait3A_389 = arith.constant 0 : i32
        %dma_wait3A_390 = arith.constant 0 : i32
        %dma_wait3A_391 = arith.constant 0 : i32
        %dma_wait3A_392 = tpu.memref_slice %arg4[%dma_wait3A_389, %dma_wait3A_390, %dma_wait3A_391] : memref<16384x56x128xf32, #tpu.memory_space<hbm>> -> memref<1x50x64xf32, #tpu.memory_space<hbm>>
        %dma_wait3A_393 = tpu.memref_squeeze %dma_wait3A_392 : memref<1x50x64xf32, #tpu.memory_space<hbm>> -> memref<50x64xf32, #tpu.memory_space<hbm>>
        %dma_wait3A_394 = arith.constant 0 : i32
        %dma_wait3A_395 = arith.constant 0 : i32
        %dma_wait3A_396 = tpu.memref_slice %arg4[%dma_wait3A_389, %dma_wait3A_394, %dma_wait3A_395] : memref<16384x56x128xf32, #tpu.memory_space<hbm>> -> memref<1x50x64xf32, #tpu.memory_space<hbm>>
        %dma_wait3A_397 = tpu.memref_squeeze %dma_wait3A_396 : memref<1x50x64xf32, #tpu.memory_space<hbm>> -> memref<50x64xf32, #tpu.memory_space<hbm>>
        tpu.wait_dma2 semaphore(%arg35 : memref<!tpu.dma_semaphore, #tpu.memory_space<semaphore_mem>>) src(%arg19 : memref<50x64xf32, #tpu.memory_space<vmem>>) dst(%dma_wait3A_397 : memref<50x64xf32, #tpu.memory_space<hbm>>)
      } else {
      }
      %parallel_loop3A_308 = arith.constant 0 : i32
      %parallel_loop3A_309 = arith.constant 50 : i32
      %parallel_loop3A_310 = arith.constant 1 : i32
      scf.for %parallel_loop3A_389 = %parallel_loop3A_308 to %parallel_loop3A_309 step %parallel_loop3A_310  : i32 {
        %parallel_loop3A_390 = arith.index_cast %parallel_loop3A_389 : i32 to index
        %parallel_loop3A_391 = arith.constant 0 : index
        %parallel_loop3A_392 = tpu.vector_load %arg11[%parallel_loop3A_390, %parallel_loop3A_391] {strides = array<i32>} : memref<50x64xf32, #tpu.memory_space<vmem>>, vector<1x16xf32>,
        %parallel_loop3A_393 = vector.shape_cast %parallel_loop3A_392 : vector<1x16xf32> to vector<16xf32>
        %parallel_loop3A_394 = arith.constant 8.000000e+00 : f32
        %parallel_loop3A_395 = vector.broadcast %parallel_loop3A_394 : f32 to vector<16xf32>
        %parallel_loop3A_396 = arith.mulf %parallel_loop3A_393, %parallel_loop3A_395 : vector<16xf32>
        %parallel_loop3A_397 = arith.index_cast %parallel_loop3A_389 : i32 to index
        %parallel_loop3A_398 = arith.constant 0 : index
        %parallel_loop3A_399 = tpu.vector_load %arg19[%parallel_loop3A_397, %parallel_loop3A_398] {strides = array<i32>} : memref<50x64xf32, #tpu.memory_space<vmem>>, vector<1x16xf32>,
        %parallel_loop3A_400 = vector.shape_cast %parallel_loop3A_399 : vector<1x16xf32> to vector<16xf32>
        %parallel_loop3A_401 = vector.shape_cast %parallel_loop3A_396 : vector<16xf32> to vector<1x16xf32>
        tpu.vector_store %arg19[%parallel_loop3A_397, %parallel_loop3A_398], %parallel_loop3A_401 {strides = array<i32>} : memref<50x64xf32, #tpu.memory_space<vmem>>, vector<1x16xf32>,
        %parallel_loop3A_402 = arith.index_cast %parallel_loop3A_389 : i32 to index
        %parallel_loop3A_403 = arith.constant 16 : index
        %parallel_loop3A_404 = tpu.vector_load %arg11[%parallel_loop3A_402, %parallel_loop3A_403] {strides = array<i32>} : memref<50x64xf32, #tpu.memory_space<vmem>>, vector<1x16xf32>,
        %parallel_loop3A_405 = vector.shape_cast %parallel_loop3A_404 : vector<1x16xf32> to vector<16xf32>
        %parallel_loop3A_406 = arith.constant 8.000000e+00 : f32
        %parallel_loop3A_407 = vector.broadcast %parallel_loop3A_406 : f32 to vector<16xf32>
        %parallel_loop3A_408 = arith.mulf %parallel_loop3A_405, %parallel_loop3A_407 : vector<16xf32>
        %parallel_loop3A_409 = arith.index_cast %parallel_loop3A_389 : i32 to index
        %parallel_loop3A_410 = arith.constant 16 : index
        %parallel_loop3A_411 = tpu.vector_load %arg19[%parallel_loop3A_409, %parallel_loop3A_410] {strides = array<i32>} : memref<50x64xf32, #tpu.memory_space<vmem>>, vector<1x16xf32>,
        %parallel_loop3A_412 = vector.shape_cast %parallel_loop3A_411 : vector<1x16xf32> to vector<16xf32>
        %parallel_loop3A_413 = vector.shape_cast %parallel_loop3A_408 : vector<16xf32> to vector<1x16xf32>
        tpu.vector_store %arg19[%parallel_loop3A_409, %parallel_loop3A_410], %parallel_loop3A_413 {strides = array<i32>} : memref<50x64xf32, #tpu.memory_space<vmem>>, vector<1x16xf32>,
        %parallel_loop3A_414 = arith.index_cast %parallel_loop3A_389 : i32 to index
        %parallel_loop3A_415 = arith.constant 32 : index
        %parallel_loop3A_416 = tpu.vector_load %arg11[%parallel_loop3A_414, %parallel_loop3A_415] {strides = array<i32>} : memref<50x64xf32, #tpu.memory_space<vmem>>, vector<1x16xf32>,
        %parallel_loop3A_417 = vector.shape_cast %parallel_loop3A_416 : vector<1x16xf32> to vector<16xf32>
        %parallel_loop3A_418 = arith.constant 8.000000e+00 : f32
        %parallel_loop3A_419 = vector.broadcast %parallel_loop3A_418 : f32 to vector<16xf32>
        %parallel_loop3A_420 = arith.mulf %parallel_loop3A_417, %parallel_loop3A_419 : vector<16xf32>
        %parallel_loop3A_421 = arith.index_cast %parallel_loop3A_389 : i32 to index
        %parallel_loop3A_422 = arith.constant 32 : index
        %parallel_loop3A_423 = tpu.vector_load %arg19[%parallel_loop3A_421, %parallel_loop3A_422] {strides = array<i32>} : memref<50x64xf32, #tpu.memory_space<vmem>>, vector<1x16xf32>,
        %parallel_loop3A_424 = vector.shape_cast %parallel_loop3A_423 : vector<1x16xf32> to vector<16xf32>
        %parallel_loop3A_425 = vector.shape_cast %parallel_loop3A_420 : vector<16xf32> to vector<1x16xf32>
        tpu.vector_store %arg19[%parallel_loop3A_421, %parallel_loop3A_422], %parallel_loop3A_425 {strides = array<i32>} : memref<50x64xf32, #tpu.memory_space<vmem>>, vector<1x16xf32>,
        %parallel_loop3A_426 = arith.index_cast %parallel_loop3A_389 : i32 to index
        %parallel_loop3A_427 = arith.constant 48 : index
        %parallel_loop3A_428 = tpu.vector_load %arg11[%parallel_loop3A_426, %parallel_loop3A_427] {strides = array<i32>} : memref<50x64xf32, #tpu.memory_space<vmem>>, vector<1x16xf32>,
        %parallel_loop3A_429 = vector.shape_cast %parallel_loop3A_428 : vector<1x16xf32> to vector<16xf32>
        %parallel_loop3A_430 = arith.constant 8.000000e+00 : f32
        %parallel_loop3A_431 = vector.broadcast %parallel_loop3A_430 : f32 to vector<16xf32>
        %parallel_loop3A_432 = arith.mulf %parallel_loop3A_429, %parallel_loop3A_431 : vector<16xf32>
        %parallel_loop3A_433 = arith.index_cast %parallel_loop3A_389 : i32 to index
        %parallel_loop3A_434 = arith.constant 48 : index
        %parallel_loop3A_435 = tpu.vector_load %arg19[%parallel_loop3A_433, %parallel_loop3A_434] {strides = array<i32>} : memref<50x64xf32, #tpu.memory_space<vmem>>, vector<1x16xf32>,
        %parallel_loop3A_436 = vector.shape_cast %parallel_loop3A_435 : vector<1x16xf32> to vector<16xf32>
        %parallel_loop3A_437 = vector.shape_cast %parallel_loop3A_432 : vector<16xf32> to vector<1x16xf32>
        tpu.vector_store %arg19[%parallel_loop3A_433, %parallel_loop3A_434], %parallel_loop3A_437 {strides = array<i32>} : memref<50x64xf32, #tpu.memory_space<vmem>>, vector<1x16xf32>,
      } {sc.loop_unroll_factor = 10 : i64, sc.parallel_access}
      %add3A_311 = arith.addi %mul3A_2, %add3A_296 : i32
      %dma_start3A_312 = arith.constant 0 : i32
      %dma_start3A_313 = arith.constant 0 : i32
      %dma_start3A_314 = tpu.memref_slice %arg4[%add3A_311, %dma_start3A_312, %dma_start3A_313] : memref<16384x56x128xf32, #tpu.memory_space<hbm>> -> memref<1x50x64xf32, #tpu.memory_space<hbm>>
      %dma_start3A_315 = tpu.memref_squeeze %dma_start3A_314 : memref<1x50x64xf32, #tpu.memory_space<hbm>> -> memref<50x64xf32, #tpu.memory_space<hbm>>
      %dma_start3A_316 = arith.constant 0 : i32
      %dma_start3A_317 = arith.constant 0 : i32
      %dma_start3A_318 = tpu.memref_slice %arg4[%add3A_311, %dma_start3A_316, %dma_start3A_317] : memref<16384x56x128xf32, #tpu.memory_space<hbm>> -> memref<1x50x64xf32, #tpu.memory_space<hbm>>
      %dma_start3A_319 = tpu.memref_squeeze %dma_start3A_318 : memref<1x50x64xf32, #tpu.memory_space<hbm>> -> memref<50x64xf32, #tpu.memory_space<hbm>>
      tpu.enqueue_dma source(%arg19 : memref<50x64xf32, #tpu.memory_space<vmem>>) target(%dma_start3A_319 : memref<50x64xf32, #tpu.memory_space<hbm>>) target_semaphore(%arg35 : memref<!tpu.dma_semaphore, #tpu.memory_space<semaphore_mem>>)
      %lt3A_320 = arith.constant 63 : i32
      %lt3A_321 = arith.cmpi slt, %add3A_137, %lt3A_320 : i32
      %convert_element_type3A_322 = arith.extui %lt3A_321 : i1 to i32
      %cond3A_323 = arith.constant 0 : i32
      %cond3A_324 = arith.cmpi ne, %convert_element_type3A_322, %cond3A_323 : i32
      scf.if %cond3A_324 {
        %add3A_389 = arith.constant 8 : i32
        %add3A_390 = arith.addi %add3A_296, %add3A_389 : i32
        %dma_start3A_391 = arith.constant 0 : i32
        %dma_start3A_392 = tpu.memref_slice %arg5[%add3A_390, %dma_start3A_391] : memref<512x50xi32, #tpu.memory_space<vmem>> -> memref<1x50xi32, #tpu.memory_space<vmem>>
        %dma_start3A_393 = tpu.memref_squeeze %dma_start3A_392 : memref<1x50xi32, #tpu.memory_space<vmem>> -> memref<50xi32, #tpu.memory_space<vmem>>
        %dma_start3A_394 = arith.constant 0 : i32
        %dma_start3A_395 = arith.constant 0 : i32
        %dma_start3A_396 = tpu.memref_slice %arg3[%dma_start3A_394, %dma_start3A_395] : memref<1000000x64xf32, #tpu.memory_space<hbm>> -> memref<1000000x64xf32, #tpu.memory_space<hbm>>
        tpu.enqueue_indirect_dma source(%dma_start3A_396 : memref<1000000x64xf32, #tpu.memory_space<hbm>>) target(%arg11 : memref<50x64xf32, #tpu.memory_space<vmem>>) offsets(%dma_start3A_393 : memref<50xi32, #tpu.memory_space<vmem>>) semaphore(%arg27 : memref<!tpu.dma_semaphore, #tpu.memory_space<semaphore_mem>>)
      } else {
      }
      %mul3A_325 = arith.constant 8 : i32
      %mul3A_326 = arith.muli %add3A_137, %mul3A_325 : i32
      %add3A_327 = arith.constant 6 : i32
      %add3A_328 = arith.addi %mul3A_326, %add3A_327 : i32
      %dma_wait3A_329 = arith.constant 0 : i32
      %dma_wait3A_330 = arith.constant 0 : i32
      %dma_wait3A_331 = tpu.memref_slice %arg3[%dma_wait3A_329, %dma_wait3A_330] : memref<1000000x64xf32, #tpu.memory_space<hbm>> -> memref<50x64xf32, #tpu.memory_space<hbm>>
      %dma_wait3A_332 = arith.constant 0 : i32
      %dma_wait3A_333 = arith.constant 0 : i32
      %dma_wait3A_334 = tpu.memref_slice %arg3[%dma_wait3A_332, %dma_wait3A_333] : memref<1000000x64xf32, #tpu.memory_space<hbm>> -> memref<50x64xf32, #tpu.memory_space<hbm>>
      tpu.wait_dma2 semaphore(%arg28 : memref<!tpu.dma_semaphore, #tpu.memory_space<semaphore_mem>>) src(%dma_wait3A_334 : memref<50x64xf32, #tpu.memory_space<hbm>>) dst(%arg12 : memref<50x64xf32, #tpu.memory_space<vmem>>)
      %gt3A_335 = arith.constant 0 : i32
      %gt3A_336 = arith.cmpi sgt, %add3A_137, %gt3A_335 : i32
      %convert_element_type3A_337 = arith.extui %gt3A_336 : i1 to i32
      %cond3A_338 = arith.constant 0 : i32
      %cond3A_339 = arith.cmpi ne, %convert_element_type3A_337, %cond3A_338 : i32
      scf.if %cond3A_339 {
        %dma_wait3A_389 = arith.constant 0 : i32
        %dma_wait3A_390 = arith.constant 0 : i32
        %dma_wait3A_391 = arith.constant 0 : i32
        %dma_wait3A_392 = tpu.memref_slice %arg4[%dma_wait3A_389, %dma_wait3A_390, %dma_wait3A_391] : memref<16384x56x128xf32, #tpu.memory_space<hbm>> -> memref<1x50x64xf32, #tpu.memory_space<hbm>>
        %dma_wait3A_393 = tpu.memref_squeeze %dma_wait3A_392 : memref<1x50x64xf32, #tpu.memory_space<hbm>> -> memref<50x64xf32, #tpu.memory_space<hbm>>
        %dma_wait3A_394 = arith.constant 0 : i32
        %dma_wait3A_395 = arith.constant 0 : i32
        %dma_wait3A_396 = tpu.memref_slice %arg4[%dma_wait3A_389, %dma_wait3A_394, %dma_wait3A_395] : memref<16384x56x128xf32, #tpu.memory_space<hbm>> -> memref<1x50x64xf32, #tpu.memory_space<hbm>>
        %dma_wait3A_397 = tpu.memref_squeeze %dma_wait3A_396 : memref<1x50x64xf32, #tpu.memory_space<hbm>> -> memref<50x64xf32, #tpu.memory_space<hbm>>
        tpu.wait_dma2 semaphore(%arg36 : memref<!tpu.dma_semaphore, #tpu.memory_space<semaphore_mem>>) src(%arg20 : memref<50x64xf32, #tpu.memory_space<vmem>>) dst(%dma_wait3A_397 : memref<50x64xf32, #tpu.memory_space<hbm>>)
      } else {
      }
      %parallel_loop3A_340 = arith.constant 0 : i32
      %parallel_loop3A_341 = arith.constant 50 : i32
      %parallel_loop3A_342 = arith.constant 1 : i32
      scf.for %parallel_loop3A_389 = %parallel_loop3A_340 to %parallel_loop3A_341 step %parallel_loop3A_342  : i32 {
        %parallel_loop3A_390 = arith.index_cast %parallel_loop3A_389 : i32 to index
        %parallel_loop3A_391 = arith.constant 0 : index
        %parallel_loop3A_392 = tpu.vector_load %arg12[%parallel_loop3A_390, %parallel_loop3A_391] {strides = array<i32>} : memref<50x64xf32, #tpu.memory_space<vmem>>, vector<1x16xf32>,
        %parallel_loop3A_393 = vector.shape_cast %parallel_loop3A_392 : vector<1x16xf32> to vector<16xf32>
        %parallel_loop3A_394 = arith.constant 8.000000e+00 : f32
        %parallel_loop3A_395 = vector.broadcast %parallel_loop3A_394 : f32 to vector<16xf32>
        %parallel_loop3A_396 = arith.mulf %parallel_loop3A_393, %parallel_loop3A_395 : vector<16xf32>
        %parallel_loop3A_397 = arith.index_cast %parallel_loop3A_389 : i32 to index
        %parallel_loop3A_398 = arith.constant 0 : index
        %parallel_loop3A_399 = tpu.vector_load %arg20[%parallel_loop3A_397, %parallel_loop3A_398] {strides = array<i32>} : memref<50x64xf32, #tpu.memory_space<vmem>>, vector<1x16xf32>,
        %parallel_loop3A_400 = vector.shape_cast %parallel_loop3A_399 : vector<1x16xf32> to vector<16xf32>
        %parallel_loop3A_401 = vector.shape_cast %parallel_loop3A_396 : vector<16xf32> to vector<1x16xf32>
        tpu.vector_store %arg20[%parallel_loop3A_397, %parallel_loop3A_398], %parallel_loop3A_401 {strides = array<i32>} : memref<50x64xf32, #tpu.memory_space<vmem>>, vector<1x16xf32>,
        %parallel_loop3A_402 = arith.index_cast %parallel_loop3A_389 : i32 to index
        %parallel_loop3A_403 = arith.constant 16 : index
        %parallel_loop3A_404 = tpu.vector_load %arg12[%parallel_loop3A_402, %parallel_loop3A_403] {strides = array<i32>} : memref<50x64xf32, #tpu.memory_space<vmem>>, vector<1x16xf32>,
        %parallel_loop3A_405 = vector.shape_cast %parallel_loop3A_404 : vector<1x16xf32> to vector<16xf32>
        %parallel_loop3A_406 = arith.constant 8.000000e+00 : f32
        %parallel_loop3A_407 = vector.broadcast %parallel_loop3A_406 : f32 to vector<16xf32>
        %parallel_loop3A_408 = arith.mulf %parallel_loop3A_405, %parallel_loop3A_407 : vector<16xf32>
        %parallel_loop3A_409 = arith.index_cast %parallel_loop3A_389 : i32 to index
        %parallel_loop3A_410 = arith.constant 16 : index
        %parallel_loop3A_411 = tpu.vector_load %arg20[%parallel_loop3A_409, %parallel_loop3A_410] {strides = array<i32>} : memref<50x64xf32, #tpu.memory_space<vmem>>, vector<1x16xf32>,
        %parallel_loop3A_412 = vector.shape_cast %parallel_loop3A_411 : vector<1x16xf32> to vector<16xf32>
        %parallel_loop3A_413 = vector.shape_cast %parallel_loop3A_408 : vector<16xf32> to vector<1x16xf32>
        tpu.vector_store %arg20[%parallel_loop3A_409, %parallel_loop3A_410], %parallel_loop3A_413 {strides = array<i32>} : memref<50x64xf32, #tpu.memory_space<vmem>>, vector<1x16xf32>,
        %parallel_loop3A_414 = arith.index_cast %parallel_loop3A_389 : i32 to index
        %parallel_loop3A_415 = arith.constant 32 : index
        %parallel_loop3A_416 = tpu.vector_load %arg12[%parallel_loop3A_414, %parallel_loop3A_415] {strides = array<i32>} : memref<50x64xf32, #tpu.memory_space<vmem>>, vector<1x16xf32>,
        %parallel_loop3A_417 = vector.shape_cast %parallel_loop3A_416 : vector<1x16xf32> to vector<16xf32>
        %parallel_loop3A_418 = arith.constant 8.000000e+00 : f32
        %parallel_loop3A_419 = vector.broadcast %parallel_loop3A_418 : f32 to vector<16xf32>
        %parallel_loop3A_420 = arith.mulf %parallel_loop3A_417, %parallel_loop3A_419 : vector<16xf32>
        %parallel_loop3A_421 = arith.index_cast %parallel_loop3A_389 : i32 to index
        %parallel_loop3A_422 = arith.constant 32 : index
        %parallel_loop3A_423 = tpu.vector_load %arg20[%parallel_loop3A_421, %parallel_loop3A_422] {strides = array<i32>} : memref<50x64xf32, #tpu.memory_space<vmem>>, vector<1x16xf32>,
        %parallel_loop3A_424 = vector.shape_cast %parallel_loop3A_423 : vector<1x16xf32> to vector<16xf32>
        %parallel_loop3A_425 = vector.shape_cast %parallel_loop3A_420 : vector<16xf32> to vector<1x16xf32>
        tpu.vector_store %arg20[%parallel_loop3A_421, %parallel_loop3A_422], %parallel_loop3A_425 {strides = array<i32>} : memref<50x64xf32, #tpu.memory_space<vmem>>, vector<1x16xf32>,
        %parallel_loop3A_426 = arith.index_cast %parallel_loop3A_389 : i32 to index
        %parallel_loop3A_427 = arith.constant 48 : index
        %parallel_loop3A_428 = tpu.vector_load %arg12[%parallel_loop3A_426, %parallel_loop3A_427] {strides = array<i32>} : memref<50x64xf32, #tpu.memory_space<vmem>>, vector<1x16xf32>,
        %parallel_loop3A_429 = vector.shape_cast %parallel_loop3A_428 : vector<1x16xf32> to vector<16xf32>
        %parallel_loop3A_430 = arith.constant 8.000000e+00 : f32
        %parallel_loop3A_431 = vector.broadcast %parallel_loop3A_430 : f32 to vector<16xf32>
        %parallel_loop3A_432 = arith.mulf %parallel_loop3A_429, %parallel_loop3A_431 : vector<16xf32>
        %parallel_loop3A_433 = arith.index_cast %parallel_loop3A_389 : i32 to index
        %parallel_loop3A_434 = arith.constant 48 : index
        %parallel_loop3A_435 = tpu.vector_load %arg20[%parallel_loop3A_433, %parallel_loop3A_434] {strides = array<i32>} : memref<50x64xf32, #tpu.memory_space<vmem>>, vector<1x16xf32>,
        %parallel_loop3A_436 = vector.shape_cast %parallel_loop3A_435 : vector<1x16xf32> to vector<16xf32>
        %parallel_loop3A_437 = vector.shape_cast %parallel_loop3A_432 : vector<16xf32> to vector<1x16xf32>
        tpu.vector_store %arg20[%parallel_loop3A_433, %parallel_loop3A_434], %parallel_loop3A_437 {strides = array<i32>} : memref<50x64xf32, #tpu.memory_space<vmem>>, vector<1x16xf32>,
      } {sc.loop_unroll_factor = 10 : i64, sc.parallel_access}
      %add3A_343 = arith.addi %mul3A_2, %add3A_328 : i32
      %dma_start3A_344 = arith.constant 0 : i32
      %dma_start3A_345 = arith.constant 0 : i32
      %dma_start3A_346 = tpu.memref_slice %arg4[%add3A_343, %dma_start3A_344, %dma_start3A_345] : memref<16384x56x128xf32, #tpu.memory_space<hbm>> -> memref<1x50x64xf32, #tpu.memory_space<hbm>>
      %dma_start3A_347 = tpu.memref_squeeze %dma_start3A_346 : memref<1x50x64xf32, #tpu.memory_space<hbm>> -> memref<50x64xf32, #tpu.memory_space<hbm>>
      %dma_start3A_348 = arith.constant 0 : i32
      %dma_start3A_349 = arith.constant 0 : i32
      %dma_start3A_350 = tpu.memref_slice %arg4[%add3A_343, %dma_start3A_348, %dma_start3A_349] : memref<16384x56x128xf32, #tpu.memory_space<hbm>> -> memref<1x50x64xf32, #tpu.memory_space<hbm>>
      %dma_start3A_351 = tpu.memref_squeeze %dma_start3A_350 : memref<1x50x64xf32, #tpu.memory_space<hbm>> -> memref<50x64xf32, #tpu.memory_space<hbm>>
      tpu.enqueue_dma source(%arg20 : memref<50x64xf32, #tpu.memory_space<vmem>>) target(%dma_start3A_351 : memref<50x64xf32, #tpu.memory_space<hbm>>) target_semaphore(%arg36 : memref<!tpu.dma_semaphore, #tpu.memory_space<semaphore_mem>>)
      %lt3A_352 = arith.constant 63 : i32
      %lt3A_353 = arith.cmpi slt, %add3A_137, %lt3A_352 : i32
      %convert_element_type3A_354 = arith.extui %lt3A_353 : i1 to i32
      %cond3A_355 = arith.constant 0 : i32
      %cond3A_356 = arith.cmpi ne, %convert_element_type3A_354, %cond3A_355 : i32
      scf.if %cond3A_356 {
        %add3A_389 = arith.constant 8 : i32
        %add3A_390 = arith.addi %add3A_328, %add3A_389 : i32
        %dma_start3A_391 = arith.constant 0 : i32
        %dma_start3A_392 = tpu.memref_slice %arg5[%add3A_390, %dma_start3A_391] : memref<512x50xi32, #tpu.memory_space<vmem>> -> memref<1x50xi32, #tpu.memory_space<vmem>>
        %dma_start3A_393 = tpu.memref_squeeze %dma_start3A_392 : memref<1x50xi32, #tpu.memory_space<vmem>> -> memref<50xi32, #tpu.memory_space<vmem>>
        %dma_start3A_394 = arith.constant 0 : i32
        %dma_start3A_395 = arith.constant 0 : i32
        %dma_start3A_396 = tpu.memref_slice %arg3[%dma_start3A_394, %dma_start3A_395] : memref<1000000x64xf32, #tpu.memory_space<hbm>> -> memref<1000000x64xf32, #tpu.memory_space<hbm>>
        tpu.enqueue_indirect_dma source(%dma_start3A_396 : memref<1000000x64xf32, #tpu.memory_space<hbm>>) target(%arg12 : memref<50x64xf32, #tpu.memory_space<vmem>>) offsets(%dma_start3A_393 : memref<50xi32, #tpu.memory_space<vmem>>) semaphore(%arg28 : memref<!tpu.dma_semaphore, #tpu.memory_space<semaphore_mem>>)
      } else {
      }
      %mul3A_357 = arith.constant 8 : i32
      %mul3A_358 = arith.muli %add3A_137, %mul3A_357 : i32
      %add3A_359 = arith.constant 7 : i32
      %add3A_360 = arith.addi %mul3A_358, %add3A_359 : i32
      %dma_wait3A_361 = arith.constant 0 : i32
      %dma_wait3A_362 = arith.constant 0 : i32
      %dma_wait3A_363 = tpu.memref_slice %arg3[%dma_wait3A_361, %dma_wait3A_362] : memref<1000000x64xf32, #tpu.memory_space<hbm>> -> memref<50x64xf32, #tpu.memory_space<hbm>>
      %dma_wait3A_364 = arith.constant 0 : i32
      %dma_wait3A_365 = arith.constant 0 : i32
      %dma_wait3A_366 = tpu.memref_slice %arg3[%dma_wait3A_364, %dma_wait3A_365] : memref<1000000x64xf32, #tpu.memory_space<hbm>> -> memref<50x64xf32, #tpu.memory_space<hbm>>
      tpu.wait_dma2 semaphore(%arg29 : memref<!tpu.dma_semaphore, #tpu.memory_space<semaphore_mem>>) src(%dma_wait3A_366 : memref<50x64xf32, #tpu.memory_space<hbm>>) dst(%arg13 : memref<50x64xf32, #tpu.memory_space<vmem>>)
      %gt3A_367 = arith.constant 0 : i32
      %gt3A_368 = arith.cmpi sgt, %add3A_137, %gt3A_367 : i32
      %convert_element_type3A_369 = arith.extui %gt3A_368 : i1 to i32
      %cond3A_370 = arith.constant 0 : i32
      %cond3A_371 = arith.cmpi ne, %convert_element_type3A_369, %cond3A_370 : i32
      scf.if %cond3A_371 {
        %dma_wait3A_389 = arith.constant 0 : i32
        %dma_wait3A_390 = arith.constant 0 : i32
        %dma_wait3A_391 = arith.constant 0 : i32
        %dma_wait3A_392 = tpu.memref_slice %arg4[%dma_wait3A_389, %dma_wait3A_390, %dma_wait3A_391] : memref<16384x56x128xf32, #tpu.memory_space<hbm>> -> memref<1x50x64xf32, #tpu.memory_space<hbm>>
        %dma_wait3A_393 = tpu.memref_squeeze %dma_wait3A_392 : memref<1x50x64xf32, #tpu.memory_space<hbm>> -> memref<50x64xf32, #tpu.memory_space<hbm>>
        %dma_wait3A_394 = arith.constant 0 : i32
        %dma_wait3A_395 = arith.constant 0 : i32
        %dma_wait3A_396 = tpu.memref_slice %arg4[%dma_wait3A_389, %dma_wait3A_394, %dma_wait3A_395] : memref<16384x56x128xf32, #tpu.memory_space<hbm>> -> memref<1x50x64xf32, #tpu.memory_space<hbm>>
        %dma_wait3A_397 = tpu.memref_squeeze %dma_wait3A_396 : memref<1x50x64xf32, #tpu.memory_space<hbm>> -> memref<50x64xf32, #tpu.memory_space<hbm>>
        tpu.wait_dma2 semaphore(%arg37 : memref<!tpu.dma_semaphore, #tpu.memory_space<semaphore_mem>>) src(%arg21 : memref<50x64xf32, #tpu.memory_space<vmem>>) dst(%dma_wait3A_397 : memref<50x64xf32, #tpu.memory_space<hbm>>)
      } else {
      }
      %parallel_loop3A_372 = arith.constant 0 : i32
      %parallel_loop3A_373 = arith.constant 50 : i32
      %parallel_loop3A_374 = arith.constant 1 : i32
      scf.for %parallel_loop3A_389 = %parallel_loop3A_372 to %parallel_loop3A_373 step %parallel_loop3A_374  : i32 {
        %parallel_loop3A_390 = arith.index_cast %parallel_loop3A_389 : i32 to index
        %parallel_loop3A_391 = arith.constant 0 : index
        %parallel_loop3A_392 = tpu.vector_load %arg13[%parallel_loop3A_390, %parallel_loop3A_391] {strides = array<i32>} : memref<50x64xf32, #tpu.memory_space<vmem>>, vector<1x16xf32>,
        %parallel_loop3A_393 = vector.shape_cast %parallel_loop3A_392 : vector<1x16xf32> to vector<16xf32>
        %parallel_loop3A_394 = arith.constant 8.000000e+00 : f32
        %parallel_loop3A_395 = vector.broadcast %parallel_loop3A_394 : f32 to vector<16xf32>
        %parallel_loop3A_396 = arith.mulf %parallel_loop3A_393, %parallel_loop3A_395 : vector<16xf32>
        %parallel_loop3A_397 = arith.index_cast %parallel_loop3A_389 : i32 to index
        %parallel_loop3A_398 = arith.constant 0 : index
        %parallel_loop3A_399 = tpu.vector_load %arg21[%parallel_loop3A_397, %parallel_loop3A_398] {strides = array<i32>} : memref<50x64xf32, #tpu.memory_space<vmem>>, vector<1x16xf32>,
        %parallel_loop3A_400 = vector.shape_cast %parallel_loop3A_399 : vector<1x16xf32> to vector<16xf32>
        %parallel_loop3A_401 = vector.shape_cast %parallel_loop3A_396 : vector<16xf32> to vector<1x16xf32>
        tpu.vector_store %arg21[%parallel_loop3A_397, %parallel_loop3A_398], %parallel_loop3A_401 {strides = array<i32>} : memref<50x64xf32, #tpu.memory_space<vmem>>, vector<1x16xf32>,
        %parallel_loop3A_402 = arith.index_cast %parallel_loop3A_389 : i32 to index
        %parallel_loop3A_403 = arith.constant 16 : index
        %parallel_loop3A_404 = tpu.vector_load %arg13[%parallel_loop3A_402, %parallel_loop3A_403] {strides = array<i32>} : memref<50x64xf32, #tpu.memory_space<vmem>>, vector<1x16xf32>,
        %parallel_loop3A_405 = vector.shape_cast %parallel_loop3A_404 : vector<1x16xf32> to vector<16xf32>
        %parallel_loop3A_406 = arith.constant 8.000000e+00 : f32
        %parallel_loop3A_407 = vector.broadcast %parallel_loop3A_406 : f32 to vector<16xf32>
        %parallel_loop3A_408 = arith.mulf %parallel_loop3A_405, %parallel_loop3A_407 : vector<16xf32>
        %parallel_loop3A_409 = arith.index_cast %parallel_loop3A_389 : i32 to index
        %parallel_loop3A_410 = arith.constant 16 : index
        %parallel_loop3A_411 = tpu.vector_load %arg21[%parallel_loop3A_409, %parallel_loop3A_410] {strides = array<i32>} : memref<50x64xf32, #tpu.memory_space<vmem>>, vector<1x16xf32>,
        %parallel_loop3A_412 = vector.shape_cast %parallel_loop3A_411 : vector<1x16xf32> to vector<16xf32>
        %parallel_loop3A_413 = vector.shape_cast %parallel_loop3A_408 : vector<16xf32> to vector<1x16xf32>
        tpu.vector_store %arg21[%parallel_loop3A_409, %parallel_loop3A_410], %parallel_loop3A_413 {strides = array<i32>} : memref<50x64xf32, #tpu.memory_space<vmem>>, vector<1x16xf32>,
        %parallel_loop3A_414 = arith.index_cast %parallel_loop3A_389 : i32 to index
        %parallel_loop3A_415 = arith.constant 32 : index
        %parallel_loop3A_416 = tpu.vector_load %arg13[%parallel_loop3A_414, %parallel_loop3A_415] {strides = array<i32>} : memref<50x64xf32, #tpu.memory_space<vmem>>, vector<1x16xf32>,
        %parallel_loop3A_417 = vector.shape_cast %parallel_loop3A_416 : vector<1x16xf32> to vector<16xf32>
        %parallel_loop3A_418 = arith.constant 8.000000e+00 : f32
        %parallel_loop3A_419 = vector.broadcast %parallel_loop3A_418 : f32 to vector<16xf32>
        %parallel_loop3A_420 = arith.mulf %parallel_loop3A_417, %parallel_loop3A_419 : vector<16xf32>
        %parallel_loop3A_421 = arith.index_cast %parallel_loop3A_389 : i32 to index
        %parallel_loop3A_422 = arith.constant 32 : index
        %parallel_loop3A_423 = tpu.vector_load %arg21[%parallel_loop3A_421, %parallel_loop3A_422] {strides = array<i32>} : memref<50x64xf32, #tpu.memory_space<vmem>>, vector<1x16xf32>,
        %parallel_loop3A_424 = vector.shape_cast %parallel_loop3A_423 : vector<1x16xf32> to vector<16xf32>
        %parallel_loop3A_425 = vector.shape_cast %parallel_loop3A_420 : vector<16xf32> to vector<1x16xf32>
        tpu.vector_store %arg21[%parallel_loop3A_421, %parallel_loop3A_422], %parallel_loop3A_425 {strides = array<i32>} : memref<50x64xf32, #tpu.memory_space<vmem>>, vector<1x16xf32>,
        %parallel_loop3A_426 = arith.index_cast %parallel_loop3A_389 : i32 to index
        %parallel_loop3A_427 = arith.constant 48 : index
        %parallel_loop3A_428 = tpu.vector_load %arg13[%parallel_loop3A_426, %parallel_loop3A_427] {strides = array<i32>} : memref<50x64xf32, #tpu.memory_space<vmem>>, vector<1x16xf32>,
        %parallel_loop3A_429 = vector.shape_cast %parallel_loop3A_428 : vector<1x16xf32> to vector<16xf32>
        %parallel_loop3A_430 = arith.constant 8.000000e+00 : f32
        %parallel_loop3A_431 = vector.broadcast %parallel_loop3A_430 : f32 to vector<16xf32>
        %parallel_loop3A_432 = arith.mulf %parallel_loop3A_429, %parallel_loop3A_431 : vector<16xf32>
        %parallel_loop3A_433 = arith.index_cast %parallel_loop3A_389 : i32 to index
        %parallel_loop3A_434 = arith.constant 48 : index
        %parallel_loop3A_435 = tpu.vector_load %arg21[%parallel_loop3A_433, %parallel_loop3A_434] {strides = array<i32>} : memref<50x64xf32, #tpu.memory_space<vmem>>, vector<1x16xf32>,
        %parallel_loop3A_436 = vector.shape_cast %parallel_loop3A_435 : vector<1x16xf32> to vector<16xf32>
        %parallel_loop3A_437 = vector.shape_cast %parallel_loop3A_432 : vector<16xf32> to vector<1x16xf32>
        tpu.vector_store %arg21[%parallel_loop3A_433, %parallel_loop3A_434], %parallel_loop3A_437 {strides = array<i32>} : memref<50x64xf32, #tpu.memory_space<vmem>>, vector<1x16xf32>,
      } {sc.loop_unroll_factor = 10 : i64, sc.parallel_access}
      %add3A_375 = arith.addi %mul3A_2, %add3A_360 : i32
      %dma_start3A_376 = arith.constant 0 : i32
      %dma_start3A_377 = arith.constant 0 : i32
      %dma_start3A_378 = tpu.memref_slice %arg4[%add3A_375, %dma_start3A_376, %dma_start3A_377] : memref<16384x56x128xf32, #tpu.memory_space<hbm>> -> memref<1x50x64xf32, #tpu.memory_space<hbm>>
      %dma_start3A_379 = tpu.memref_squeeze %dma_start3A_378 : memref<1x50x64xf32, #tpu.memory_space<hbm>> -> memref<50x64xf32, #tpu.memory_space<hbm>>
      %dma_start3A_380 = arith.constant 0 : i32
      %dma_start3A_381 = arith.constant 0 : i32
      %dma_start3A_382 = tpu.memref_slice %arg4[%add3A_375, %dma_start3A_380, %dma_start3A_381] : memref<16384x56x128xf32, #tpu.memory_space<hbm>> -> memref<1x50x64xf32, #tpu.memory_space<hbm>>
      %dma_start3A_383 = tpu.memref_squeeze %dma_start3A_382 : memref<1x50x64xf32, #tpu.memory_space<hbm>> -> memref<50x64xf32, #tpu.memory_space<hbm>>
      tpu.enqueue_dma source(%arg21 : memref<50x64xf32, #tpu.memory_space<vmem>>) target(%dma_start3A_383 : memref<50x64xf32, #tpu.memory_space<hbm>>) target_semaphore(%arg37 : memref<!tpu.dma_semaphore, #tpu.memory_space<semaphore_mem>>)
      %lt3A_384 = arith.constant 63 : i32
      %lt3A_385 = arith.cmpi slt, %add3A_137, %lt3A_384 : i32
      %convert_element_type3A_386 = arith.extui %lt3A_385 : i1 to i32
      %cond3A_387 = arith.constant 0 : i32
      %cond3A_388 = arith.cmpi ne, %convert_element_type3A_386, %cond3A_387 : i32
      scf.if %cond3A_388 {
        %add3A_389 = arith.constant 8 : i32
        %add3A_390 = arith.addi %add3A_360, %add3A_389 : i32
        %dma_start3A_391 = arith.constant 0 : i32
        %dma_start3A_392 = tpu.memref_slice %arg5[%add3A_390, %dma_start3A_391] : memref<512x50xi32, #tpu.memory_space<vmem>> -> memref<1x50xi32, #tpu.memory_space<vmem>>
        %dma_start3A_393 = tpu.memref_squeeze %dma_start3A_392 : memref<1x50xi32, #tpu.memory_space<vmem>> -> memref<50xi32, #tpu.memory_space<vmem>>
        %dma_start3A_394 = arith.constant 0 : i32
        %dma_start3A_395 = arith.constant 0 : i32
        %dma_start3A_396 = tpu.memref_slice %arg3[%dma_start3A_394, %dma_start3A_395] : memref<1000000x64xf32, #tpu.memory_space<hbm>> -> memref<1000000x64xf32, #tpu.memory_space<hbm>>
        tpu.enqueue_indirect_dma source(%dma_start3A_396 : memref<1000000x64xf32, #tpu.memory_space<hbm>>) target(%arg13 : memref<50x64xf32, #tpu.memory_space<vmem>>) offsets(%dma_start3A_393 : memref<50xi32, #tpu.memory_space<vmem>>) semaphore(%arg29 : memref<!tpu.dma_semaphore, #tpu.memory_space<semaphore_mem>>)
      } else {
      }
    }
    %scan3A_61 = arith.constant 64 : i32
    %dma_wait3A = arith.constant 0 : i32
    %dma_wait3A_62 = arith.constant 0 : i32
    %dma_wait3A_63 = arith.constant 0 : i32
    %dma_wait3A_64 = tpu.memref_slice %arg4[%dma_wait3A, %dma_wait3A_62, %dma_wait3A_63] : memref<16384x56x128xf32, #tpu.memory_space<hbm>> -> memref<1x50x64xf32, #tpu.memory_space<hbm>>
    %dma_wait3A_65 = tpu.memref_squeeze %dma_wait3A_64 : memref<1x50x64xf32, #tpu.memory_space<hbm>> -> memref<50x64xf32, #tpu.memory_space<hbm>>
    %dma_wait3A_66 = arith.constant 0 : i32
    %dma_wait3A_67 = arith.constant 0 : i32
    %dma_wait3A_68 = tpu.memref_slice %arg4[%dma_wait3A, %dma_wait3A_66, %dma_wait3A_67] : memref<16384x56x128xf32, #tpu.memory_space<hbm>> -> memref<1x50x64xf32, #tpu.memory_space<hbm>>
    %dma_wait3A_69 = tpu.memref_squeeze %dma_wait3A_68 : memref<1x50x64xf32, #tpu.memory_space<hbm>> -> memref<50x64xf32, #tpu.memory_space<hbm>>
    tpu.wait_dma2 semaphore(%arg30 : memref<!tpu.dma_semaphore, #tpu.memory_space<semaphore_mem>>) src(%arg14 : memref<50x64xf32, #tpu.memory_space<vmem>>) dst(%dma_wait3A_69 : memref<50x64xf32, #tpu.memory_space<hbm>>)
    %dma_wait3A_70 = arith.constant 0 : i32
    %dma_wait3A_71 = arith.constant 0 : i32
    %dma_wait3A_72 = arith.constant 0 : i32
    %dma_wait3A_73 = tpu.memref_slice %arg4[%dma_wait3A_70, %dma_wait3A_71, %dma_wait3A_72] : memref<16384x56x128xf32, #tpu.memory_space<hbm>> -> memref<1x50x64xf32, #tpu.memory_space<hbm>>
    %dma_wait3A_74 = tpu.memref_squeeze %dma_wait3A_73 : memref<1x50x64xf32, #tpu.memory_space<hbm>> -> memref<50x64xf32, #tpu.memory_space<hbm>>
    %dma_wait3A_75 = arith.constant 0 : i32
    %dma_wait3A_76 = arith.constant 0 : i32
    %dma_wait3A_77 = tpu.memref_slice %arg4[%dma_wait3A_70, %dma_wait3A_75, %dma_wait3A_76] : memref<16384x56x128xf32, #tpu.memory_space<hbm>> -> memref<1x50x64xf32, #tpu.memory_space<hbm>>
    %dma_wait3A_78 = tpu.memref_squeeze %dma_wait3A_77 : memref<1x50x64xf32, #tpu.memory_space<hbm>> -> memref<50x64xf32, #tpu.memory_space<hbm>>
    tpu.wait_dma2 semaphore(%arg31 : memref<!tpu.dma_semaphore, #tpu.memory_space<semaphore_mem>>) src(%arg15 : memref<50x64xf32, #tpu.memory_space<vmem>>) dst(%dma_wait3A_78 : memref<50x64xf32, #tpu.memory_space<hbm>>)
    %dma_wait3A_79 = arith.constant 0 : i32
    %dma_wait3A_80 = arith.constant 0 : i32
    %dma_wait3A_81 = arith.constant 0 : i32
    %dma_wait3A_82 = tpu.memref_slice %arg4[%dma_wait3A_79, %dma_wait3A_80, %dma_wait3A_81] : memref<16384x56x128xf32, #tpu.memory_space<hbm>> -> memref<1x50x64xf32, #tpu.memory_space<hbm>>
    %dma_wait3A_83 = tpu.memref_squeeze %dma_wait3A_82 : memref<1x50x64xf32, #tpu.memory_space<hbm>> -> memref<50x64xf32, #tpu.memory_space<hbm>>
    %dma_wait3A_84 = arith.constant 0 : i32
    %dma_wait3A_85 = arith.constant 0 : i32
    %dma_wait3A_86 = tpu.memref_slice %arg4[%dma_wait3A_79, %dma_wait3A_84, %dma_wait3A_85] : memref<16384x56x128xf32, #tpu.memory_space<hbm>> -> memref<1x50x64xf32, #tpu.memory_space<hbm>>
    %dma_wait3A_87 = tpu.memref_squeeze %dma_wait3A_86 : memref<1x50x64xf32, #tpu.memory_space<hbm>> -> memref<50x64xf32, #tpu.memory_space<hbm>>
    tpu.wait_dma2 semaphore(%arg32 : memref<!tpu.dma_semaphore, #tpu.memory_space<semaphore_mem>>) src(%arg16 : memref<50x64xf32, #tpu.memory_space<vmem>>) dst(%dma_wait3A_87 : memref<50x64xf32, #tpu.memory_space<hbm>>)
    %dma_wait3A_88 = arith.constant 0 : i32
    %dma_wait3A_89 = arith.constant 0 : i32
    %dma_wait3A_90 = arith.constant 0 : i32
    %dma_wait3A_91 = tpu.memref_slice %arg4[%dma_wait3A_88, %dma_wait3A_89, %dma_wait3A_90] : memref<16384x56x128xf32, #tpu.memory_space<hbm>> -> memref<1x50x64xf32, #tpu.memory_space<hbm>>
    %dma_wait3A_92 = tpu.memref_squeeze %dma_wait3A_91 : memref<1x50x64xf32, #tpu.memory_space<hbm>> -> memref<50x64xf32, #tpu.memory_space<hbm>>
    %dma_wait3A_93 = arith.constant 0 : i32
    %dma_wait3A_94 = arith.constant 0 : i32
    %dma_wait3A_95 = tpu.memref_slice %arg4[%dma_wait3A_88, %dma_wait3A_93, %dma_wait3A_94] : memref<16384x56x128xf32, #tpu.memory_space<hbm>> -> memref<1x50x64xf32, #tpu.memory_space<hbm>>
    %dma_wait3A_96 = tpu.memref_squeeze %dma_wait3A_95 : memref<1x50x64xf32, #tpu.memory_space<hbm>> -> memref<50x64xf32, #tpu.memory_space<hbm>>
    tpu.wait_dma2 semaphore(%arg33 : memref<!tpu.dma_semaphore, #tpu.memory_space<semaphore_mem>>) src(%arg17 : memref<50x64xf32, #tpu.memory_space<vmem>>) dst(%dma_wait3A_96 : memref<50x64xf32, #tpu.memory_space<hbm>>)
    %dma_wait3A_97 = arith.constant 0 : i32
    %dma_wait3A_98 = arith.constant 0 : i32
    %dma_wait3A_99 = arith.constant 0 : i32
    %dma_wait3A_100 = tpu.memref_slice %arg4[%dma_wait3A_97, %dma_wait3A_98, %dma_wait3A_99] : memref<16384x56x128xf32, #tpu.memory_space<hbm>> -> memref<1x50x64xf32, #tpu.memory_space<hbm>>
    %dma_wait3A_101 = tpu.memref_squeeze %dma_wait3A_100 : memref<1x50x64xf32, #tpu.memory_space<hbm>> -> memref<50x64xf32, #tpu.memory_space<hbm>>
    %dma_wait3A_102 = arith.constant 0 : i32
    %dma_wait3A_103 = arith.constant 0 : i32
    %dma_wait3A_104 = tpu.memref_slice %arg4[%dma_wait3A_97, %dma_wait3A_102, %dma_wait3A_103] : memref<16384x56x128xf32, #tpu.memory_space<hbm>> -> memref<1x50x64xf32, #tpu.memory_space<hbm>>
    %dma_wait3A_105 = tpu.memref_squeeze %dma_wait3A_104 : memref<1x50x64xf32, #tpu.memory_space<hbm>> -> memref<50x64xf32, #tpu.memory_space<hbm>>
    tpu.wait_dma2 semaphore(%arg34 : memref<!tpu.dma_semaphore, #tpu.memory_space<semaphore_mem>>) src(%arg18 : memref<50x64xf32, #tpu.memory_space<vmem>>) dst(%dma_wait3A_105 : memref<50x64xf32, #tpu.memory_space<hbm>>)
    %dma_wait3A_106 = arith.constant 0 : i32
    %dma_wait3A_107 = arith.constant 0 : i32
    %dma_wait3A_108 = arith.constant 0 : i32
    %dma_wait3A_109 = tpu.memref_slice %arg4[%dma_wait3A_106, %dma_wait3A_107, %dma_wait3A_108] : memref<16384x56x128xf32, #tpu.memory_space<hbm>> -> memref<1x50x64xf32, #tpu.memory_space<hbm>>
    %dma_wait3A_110 = tpu.memref_squeeze %dma_wait3A_109 : memref<1x50x64xf32, #tpu.memory_space<hbm>> -> memref<50x64xf32, #tpu.memory_space<hbm>>
    %dma_wait3A_111 = arith.constant 0 : i32
    %dma_wait3A_112 = arith.constant 0 : i32
    %dma_wait3A_113 = tpu.memref_slice %arg4[%dma_wait3A_106, %dma_wait3A_111, %dma_wait3A_112] : memref<16384x56x128xf32, #tpu.memory_space<hbm>> -> memref<1x50x64xf32, #tpu.memory_space<hbm>>
    %dma_wait3A_114 = tpu.memref_squeeze %dma_wait3A_113 : memref<1x50x64xf32, #tpu.memory_space<hbm>> -> memref<50x64xf32, #tpu.memory_space<hbm>>
    tpu.wait_dma2 semaphore(%arg35 : memref<!tpu.dma_semaphore, #tpu.memory_space<semaphore_mem>>) src(%arg19 : memref<50x64xf32, #tpu.memory_space<vmem>>) dst(%dma_wait3A_114 : memref<50x64xf32, #tpu.memory_space<hbm>>)
    %dma_wait3A_115 = arith.constant 0 : i32
    %dma_wait3A_116 = arith.constant 0 : i32
    %dma_wait3A_117 = arith.constant 0 : i32
    %dma_wait3A_118 = tpu.memref_slice %arg4[%dma_wait3A_115, %dma_wait3A_116, %dma_wait3A_117] : memref<16384x56x128xf32, #tpu.memory_space<hbm>> -> memref<1x50x64xf32, #tpu.memory_space<hbm>>
    %dma_wait3A_119 = tpu.memref_squeeze %dma_wait3A_118 : memref<1x50x64xf32, #tpu.memory_space<hbm>> -> memref<50x64xf32, #tpu.memory_space<hbm>>
    %dma_wait3A_120 = arith.constant 0 : i32
    %dma_wait3A_121 = arith.constant 0 : i32
    %dma_wait3A_122 = tpu.memref_slice %arg4[%dma_wait3A_115, %dma_wait3A_120, %dma_wait3A_121] : memref<16384x56x128xf32, #tpu.memory_space<hbm>> -> memref<1x50x64xf32, #tpu.memory_space<hbm>>
    %dma_wait3A_123 = tpu.memref_squeeze %dma_wait3A_122 : memref<1x50x64xf32, #tpu.memory_space<hbm>> -> memref<50x64xf32, #tpu.memory_space<hbm>>
    tpu.wait_dma2 semaphore(%arg36 : memref<!tpu.dma_semaphore, #tpu.memory_space<semaphore_mem>>) src(%arg20 : memref<50x64xf32, #tpu.memory_space<vmem>>) dst(%dma_wait3A_123 : memref<50x64xf32, #tpu.memory_space<hbm>>)
    %dma_wait3A_124 = arith.constant 0 : i32
    %dma_wait3A_125 = arith.constant 0 : i32
    %dma_wait3A_126 = arith.constant 0 : i32
    %dma_wait3A_127 = tpu.memref_slice %arg4[%dma_wait3A_124, %dma_wait3A_125, %dma_wait3A_126] : memref<16384x56x128xf32, #tpu.memory_space<hbm>> -> memref<1x50x64xf32, #tpu.memory_space<hbm>>
    %dma_wait3A_128 = tpu.memref_squeeze %dma_wait3A_127 : memref<1x50x64xf32, #tpu.memory_space<hbm>> -> memref<50x64xf32, #tpu.memory_space<hbm>>
    %dma_wait3A_129 = arith.constant 0 : i32
    %dma_wait3A_130 = arith.constant 0 : i32
    %dma_wait3A_131 = tpu.memref_slice %arg4[%dma_wait3A_124, %dma_wait3A_129, %dma_wait3A_130] : memref<16384x56x128xf32, #tpu.memory_space<hbm>> -> memref<1x50x64xf32, #tpu.memory_space<hbm>>
    %dma_wait3A_132 = tpu.memref_squeeze %dma_wait3A_131 : memref<1x50x64xf32, #tpu.memory_space<hbm>> -> memref<50x64xf32, #tpu.memory_space<hbm>>
    tpu.wait_dma2 semaphore(%arg37 : memref<!tpu.dma_semaphore, #tpu.memory_space<semaphore_mem>>) src(%arg21 : memref<50x64xf32, #tpu.memory_space<vmem>>) dst(%dma_wait3A_132 : memref<50x64xf32, #tpu.memory_space<hbm>>)
    return
  }
}

</mosaic_0001>

<sc_bundles>
// kernel: kernel.3.cloned.1.call-start
scs
__scs_entry_jumppad:
0x0: {  	(pc) =	sbr.rel $0x88, $3  }
0x1: {  	(tag) =	ssettag $0x0;
	lr =	simm.s32 $0x1  }
0x2: {  	[smem:$0x3F9F] =	sst lr;
	_ =	strace $0xD0000000  }
0x3: {  	_ = 	snop  }
0x4: {  	_ = 	snop  }
0x5: {  	_ = 	snop  }
0x6: {  	_ = 	snop  }
0x7: {  	_ = 	snop  }
__scs_overlays_trampoline_lowered:
0x8: {  	[smem:$0x3FAE] =	sst s0  }
0x9: {  	[smem:$0x3FAF] =	sst s1  }
0xa: {  	[smem:$0x3FB0] =	sst s2  }
0xb: {  	[smem:$0x3FB1] =	sst s3  }
0xc: {  	[smem:$0x3FB2] =	sst s4  }
0xd: {  	[smem:$0x3FB3] =	sst s5  }
0xe: {  	[smem:$0x3FB4] =	sst s6  }
0xf: {  	[smem:$0x3FB5] =	sst s7  }
0x10: {  	[smem:$0x3FB6] =	sst s8  }
0x11: {  	[smem:$0x3FB7] =	sst s9;
	s0 =	simm.s32 @!p0 $0x0  }
0x12: {  	s1 =	sld [smem:$0x3F9D];
	s0 =	simm.s32 @p0 $0x1  }
0x13: {  	[smem:$0x3FB8] =	sst s0;
	s0 =	simm.s32 @!p1 $0x0  }
0x14: {  	s2 =	sld [smem:$0x3F9C];
	s0 =	simm.s32 @p1 $0x1  }
0x15: {  	[smem:$0x3FB9] =	sst s0;
	s0 =	simm.s32 @!p2 $0x0  }
0x16: {  	s3 =	sld [smem:$0x3FDB];
	s0 =	simm.s32 @p2 $0x1  }
0x17: {  	s4 =	simm.s32 $0x1BF5;
	[smem:$0x3FBB] =	sst s0  }
0x18: {  	s0 =	sld [smem:$0x3F9E];
	_ =	swait.ge [sflag:s4], $0x0  }
0x19: {  	s7 =	sld [smem:$0x3F9F]  }
0x1a: {  	s8 =	sadd.s32 $0xFFFFE003, lr  }
0x1b: {  	s9 =	sadd.s32 $0xFFFFFEF7, lr;
	s5 =	simm.s32 $0xFFFFFFFF;
	p2 =	slt.u32 s8, $0xFFFFF086  }
0x1c: {  	p1 =	slt.u32 s9, $0xF7A;
	s5 =	simm.s32 @!p2 $0x0  }
0x1d: {  	s5 =	simm.s32 @p1 $0x1;
	p0 =	seq.s32 s7, s2  }
0x1e: {  	s7 =	smul.u32 @!p0 $0xF7A, s2;
	p2 =	seq.s32 @!p0 s5, $0x0  }
0x1f: {  	s9 =	smul.u32 $0xF7A, s1;
	s8 =	simm.s32 @!p0 $0x1BF5;
	p2 =	por !p2, p0  }
0x20: {  	[sflag:s8] =	ssyncset.s32 @!p0 $0xFFFFF086;
	s6 =	sadd.s32 @!p0 s3, s7;
	s7 =	simm.s32 @!p0 $0x108  }
0x21: {  	s3 =	sadd.s32 s3, s9;
	s6 =	sadd.s32 @!p0 $0x88, s6;
	s7 =	simm.s32 @p2 $0x1082  }
0x22: {  	[simem:s7], [sflag:s8] =	dma.local @!p0 [hbm:s6], $0xF7A  }
0x23: {  	s9 =	sor.u32 $0xD0000000, s2;
	s6 =	simm.s32 $0x108;
	_ =	swait.ge @!p0 [sflag:s8], $0x0  }
0x24: {  	s3 =	sadd.s32 $0x88, s3;
	s6 =	simm.s32 @!p1 $0x1082;
	[sflag:s4] =	ssyncset.s32 $0xFFFFF086  }
0x25: {  	[simem:s6], [sflag:s4] =	dma.local [hbm:s3], $0xF7A  }
0x26: {  	[smem:$0x3F9F] =	sst s1;
	(tag) =	ssettag s2;
	_ =	strace s9  }
0x27: {  	s1 =	sld [smem:$0x3FAF]  }
0x28: {  	s2 =	sld [smem:$0x3FB0]  }
0x29: {  	s4 =	sld [smem:$0x3FB2]  }
0x2a: {  	p0 =	seq.s32 s5, $0x0;
	s5 =	sld [smem:$0x3FB3]  }
0x2b: {  	s6 =	sld [smem:$0x3FB4]  }
0x2c: {  	s7 =	sld [smem:$0x3FB5]  }
0x2d: {  	s3 =	simm.s32 $0x108;
	s8 =	sld [smem:$0x3FB6]  }
0x2e: {  	s3 =	simm.s32 @!p0 $0x1082;
	s9 =	sld [smem:$0x3FB7]  }
0x2f: {  	lr =	sadd.s32 s0, s3;
	s0 =	sld [smem:$0x3FAE]  }
0x30: {  	s3 =	sld [smem:$0x3FB1]  }
0x31: {  	[smem:$0x3FBA] =	sst s10  }
0x32: {  	s10 =	sld [smem:$0x3FB8];
	_ =	sdelay $0x3  }
0x33: {  	p0 =	seq.s32 s10, $0x1;
	s10 =	sld [smem:$0x3FBA];
	_ =	sdelay $0x3  }
0x34: {  	[smem:$0x3FBA] =	sst s10  }
0x35: {  	s10 =	sld [smem:$0x3FB9];
	_ =	sdelay $0x3  }
0x36: {  	p1 =	seq.s32 s10, $0x1;
	s10 =	sld [smem:$0x3FBA];
	_ =	sdelay $0x3  }
0x37: {  	[smem:$0x3FBA] =	sst s10  }
0x38: {  	s10 =	sld [smem:$0x3FBB]  }
0x39: {  	_ = 	snop;
	(pc) =	sbr.ind lr, $3  }
0x3a: {  	_ = 	snop  }
0x3b: {  	_ = 	snop  }
0x3c: {  	p2 =	seq.s32 s10, $0x1;
	s10 =	sld [smem:$0x3FBA]  }
0x3d: {  	_ =	shalt  }
0x3e: {  	_ =	shalt  }
0x3f: {  	_ =	shalt  }
0x40: {  	_ =	shalt  }
0x41: {  	_ =	shalt  }
0x42: {  	_ =	shalt  }
0x43: {  	_ =	shalt  }
0x44: {  	_ =	shalt  }
0x45: {  	_ =	shalt  }
0x46: {  	_ =	shalt  }
0x47: {  	_ =	shalt  }
0x48: {  	_ =	shalt  }
0x49: {  	_ =	shalt  }
0x4a: {  	_ =	shalt  }
0x4b: {  	_ =	shalt  }
0x4c: {  	_ =	shalt  }
0x4d: {  	_ =	shalt  }
0x4e: {  	_ =	shalt  }
0x4f: {  	_ =	shalt  }
0x50: {  	_ =	shalt  }
0x51: {  	_ =	shalt  }
0x52: {  	_ =	shalt  }
0x53: {  	_ =	shalt  }
0x54: {  	_ =	shalt  }
0x55: {  	_ =	shalt  }
0x56: {  	_ =	shalt  }
0x57: {  	_ =	shalt  }
0x58: {  	_ =	shalt  }
0x59: {  	_ =	shalt  }
0x5a: {  	_ =	shalt  }
0x5b: {  	_ =	shalt  }
0x5c: {  	_ =	shalt  }
0x5d: {  	_ =	shalt  }
0x5e: {  	_ =	shalt  }
0x5f: {  	_ =	shalt  }
0x60: {  	_ =	shalt  }
0x61: {  	_ =	shalt  }
0x62: {  	_ =	shalt  }
0x63: {  	_ =	shalt  }
0x64: {  	_ =	shalt  }
0x65: {  	_ =	shalt  }
0x66: {  	_ =	shalt  }
0x67: {  	_ =	shalt  }
0x68: {  	_ =	shalt  }
0x69: {  	_ =	shalt  }
0x6a: {  	_ =	shalt  }
0x6b: {  	_ =	shalt  }
0x6c: {  	_ =	shalt  }
0x6d: {  	_ =	shalt  }
0x6e: {  	_ =	shalt  }
0x6f: {  	_ =	shalt  }
0x70: {  	_ =	shalt  }
0x71: {  	_ =	shalt  }
0x72: {  	_ =	shalt  }
0x73: {  	_ =	shalt  }
0x74: {  	_ =	shalt  }
0x75: {  	_ =	shalt  }
0x76: {  	_ =	shalt  }
0x77: {  	_ =	shalt  }
0x78: {  	_ =	shalt  }
0x79: {  	_ =	shalt  }
0x7a: {  	_ =	shalt  }
0x7b: {  	_ =	shalt  }
0x7c: {  	_ =	shalt  }
0x7d: {  	_ =	shalt  }
0x7e: {  	_ =	shalt  }
0x7f: {  	_ =	shalt  }
0x80: {  	_ =	shalt  }
0x81: {  	_ =	shalt  }
0x82: {  	_ =	shalt  }
0x83: {  	_ =	shalt  }
0x84: {  	_ =	shalt  }
0x85: {  	_ =	shalt  }
0x86: {  	_ =	shalt  }
0x87: {  	_ =	shalt  }
.Lfunc_end0:
.L_simem_size_0:
called_computation.1_lowered:
.L_overlay_start_0:
0x88: {  	s2 =	sld [smem:$0x3FD9]  }
0x89: {  	s3 =	sld [smem:$0x3FFE];
	_ =	sdelay $0x1  }
0x8a: {  	s1 =	srdreg.scid  }
0x8b: {  	s0 =	sand.u32 $0x1, s1  }
0x8c: {  	s17 =	sshll.u32 s0, $0xA;
	s2 =	sadd.s32 s3, s2  }
0x8d: {  	s2 =	sadd.s32 s2, s17  }
0x8e: {  	[smem:$0x3FC6] =	sst s2  }
0x8f: {  	_ = 	snop  }
0x90: {  	s2 =	sld [smem:$0x3FD0];
	(tm) =	ssettm $0x1  }
0x91: {  	s18 =	sld [smem:$0x3FFB];
	_ =	sdelay $0x3  }
0x92: {  	_ =	strace s18  }
0x93: {  	s3 =	sld [smem:$0x3FFC];
	_ =	sdelay $0x3  }
0x94: {  	_ =	strace s3  }
0x95: {  	s3 =	sld [smem:$0x3FFD];
	_ =	sdelay $0x3  }
0x96: {  	_ =	strace s3  }
0x97: {  	_ =	strace $0x8FFFFFFF  }
0x98: {  	s19 =	sld [smem:$0x3FDB];
	_ =	sdelay $0x1  }
0x99: {  	s4 =	simm.s32 $_scs_section_size  }
0x9a: {  	s5 =	simm.s32 $_size__tile_overlayer_lowered;
	s6 =	simm.s32 $_tile_overlayer_lowered  }
0x9b: {  	s22 =	simm.s32 $0x1BFF;
	s21 =	sshll.u32 s6, $0x1;
	s3 =	sadd.s32 s4, s19  }
0x9c: {  	s7 =	simm.s32 $0x0;
	s20 =	sshll.u32 s5, $0x1;
	s5 =	sadd.s32 s21, s3  }
0x9d: {  	[timem:s7], [sflag:s22] =	dma.local [hbm:s5], s20  }
0x9e: {  	_ =	swait.ge [sflag:s22], s20  }
0x9f: {  	s4 =	ssub.s32 $0x0, s20;
	[sflag:s22] =	ssyncset.done $0x0  }
0xa0: {  	[sflag:s22] =	ssyncadd.s32 s4;
	_ =	sdelay $0x1  }
0xa1: {  	s23 =	simm.s32 $0x1B8B  }
0xa2: {  	_ =	swait.ge [sflag:s23], $0x1  }
0xa3: {  	[sflag:s23] =	ssyncset.done $0x0  }
0xa4: {  	s25 =	simm.s32 $0x1B8E;
	s24 =	sld [smem:$0x3FFE];
	[sflag:s23] =	ssyncadd.s32 $0xFFFFFFFF  }
0xa5: {  	s26 =	simm.s32 $execute0_lowered;
	[smem:$0x3FD2] =	sst s25  }
0xa6: {  	s5 =	sshll.u32 s26, $0x1;
	_ =	strace $0x80000046;
	[dreg:$0x1] =	wrdreg $0xFFFFFFFF  }
0xa7: {  	s28 =	simm.s32 $_size_execute0_lowered;
	s3 =	sadd.s32 s3, s5;
	[dreg:$0x0] =	wrdreg $0x0  }
0xa8: {  	s5 =	sshll.u32 s28, $0x1;
	[dreg:$0x2] =	wrdreg s3  }
0xa9: {  	[dreg:$0x3] =	wrdreg s5  }
0xaa: {  	[dreg:$0x4] =	wrdreg $0xC0  }
0xab: {  	_ =	task [dreg:s7], $0x5FFFF  }
0xac: {  	[dreg:$0x1] =	wrdreg $0xFFFFFFFF  }
0xad: {  	[dreg:$0x0] =	wrdreg $0x60  }
0xae: {  	[dreg:$0x2] =	wrdreg s2  }
0xaf: {  	[dreg:$0x3] =	wrdreg s24  }
0xb0: {  	[dreg:$0x4] =	wrdreg $0x9  }
0xb1: {  	_ =	task.clear_ibuf [dreg:s7], $0x5FFFF;
	_ =	strace $0x90000046  }
0xb2: {  	s29 =	simm.s32 $0x9;
	_ =	strace $0x80000048  }
0xb3: {  	_ =	swait.ge [sflag:s29], $0x1  }
0xb4: {  	[sflag:s29] =	ssyncadd.s32 $0xFFFFFFFF  }
0xb5: {  	_ =	strace $0x90000048  }
0xb6: {  	_ =	sfence  }
0xb7: {  	s30 =	sld [smem:$0x0];
	_ =	sdelay $0x2  }
0xb8: {  	s31 =	sshll.u32 s1, $0xD;
	s1 =	sshrl.u32 s1, $0x2  }
0xb9: {  	s3 =	sand.u32 $0x4000, s31;
	s1 =	sadd.s32 s1, s30  }
0xba: {  	s0 =	sor.u32 s3, s0;
	s1 =	sshll.u32 s1, $0x11  }
0xbb: {  	s0 =	sor.u32 s1, s0  }
0xbc: {  	s0 =	sadd.s32 $0x8F2B, s0  }
0xbd: {  	[sflag:s0] =	ssyncadd.remote.s32 $0x1  }
0xbe: {  	_ =	sfence.sel $0xFFFF  }
0xbf: {  	[dreg:$0x0] =	wrdreg $0xFFFFFFFF;
	(pc) =	sbr.abs _section_cstart, $3  }
0xc0: {  	[dreg:$0x1] =	wrdreg $0xFFFFFFFF  }
0xc1: {  	_ =	task.clear_ibuf [dreg:s7], $0x2FFFF;
	_ =	strace $0x9FFFFFFF  }
0xc2: {  	(tm) =	ssettm $0x7FFFFFFF  }
0xc3: {  	_ =	shalt  }
tec
execute0_lowered:
.L_overlay_start_1:
0x0: {  	(tag) =	ssettag $0x1  }
0x1: {  	s0 =	srdreg.scid;
	s1 =	rddreg [dreg:$0x0]  }
0x2: {  	s3 =	stileid.u32;
	s2 =	rddreg [dreg:$0x1]  }
0x3: {  	s5 =	simm.s32 $0x0;
	s9 =	simm.s32 $0x32;
	s24 =	simm.s32 $0xC780  }
0x4: {  	s25 =	simm.s32 $0x1;
	s26 =	simm.s32 $0x40;
	s28 =	simm.s32 $0x80  }
0x5: {  	s29 =	simm.s32 $0xD400;
	s30 =	simm.s32 $0x2;
	s31 =	simm.s32 $0xE080  }
0x6: {  	s10 =	simm.s32 $0x4;
	s11 =	simm.s32 $0xF980;
	s12 =	simm.s32 $0x5  }
0x7: {  	s13 =	simm.s32 $0x10600;
	s14 =	simm.s32 $0x6;
	s15 =	simm.s32 $0x11280  }
0x8: {  	s16 =	simm.s32 $0x7;
	s17 =	simm.s32 $0x11F00;
	s18 =	simm.s32 $0x8  }
0x9: {  	s19 =	simm.s32 $0x12B80;
	s20 =	simm.s32 $0x0;
	s0 =	sand.u32 $0x1, s0  }
0xa: {  	s3 =	sshll.u32 s3, $0xA;
	s4 =	sshll.u32 s0, $0x9;
	s0 =	ssub.s32 $0x2, s0  }
.Ltmp0:
0xb: {  	s3 =	sor.u32 s4, s3;
	s7 =	sshrl.u32 s0, $0x1;
	(pc) =	sbr.rel .LBB2_1-.Ltmp0, $4  }
0xc: {  	[smem:$0x7FF] =	sst s5;
	s6 =	smul.u32 $0x7, s3;
	s0 =	ssub.s32 s0, s7  }
0xd: {  	s5 =	sadd.s32 $0xA00, s2;
	_ =	strace $0x80000047;
	s0 =	smax.u32 s0, $0x1  }
0xe: {  	s4 =	sadd.s32 $0xF42E00, s2;
	s1 =	sadd.s32 s1, s6;
	[dreg:$0x4] =	wrdreg s0  }
0xf: {  	s0 =	simm.s32 $0xED00;
	[dreg:$0x3] =	wrdreg s1;
	s1 =	simm.s32 $0x3  }
.LBB2_20:
0x10: {  	s2 =	simm.s32 $0x9  }
0x11: {  	_ =	swait.ge [sflag:s2], $0xC80  }
0x12: {  	[sflag:s2] =	ssyncset.done $0x0  }
0x13: {  	s23 =	simm.s32 $0xA;
	[sflag:s2] =	ssyncadd.s32 $0xFFFFF380  }
0x14: {  	_ =	swait.ge [sflag:s23], $0xC80  }
0x15: {  	[sflag:s23] =	ssyncset.done $0x0  }
0x16: {  	s6 =	simm.s32 $0xB;
	[sflag:s23] =	ssyncadd.s32 $0xFFFFF380  }
0x17: {  	_ =	swait.ge [sflag:s6], $0xC80  }
0x18: {  	[sflag:s6] =	ssyncset.done $0x0  }
0x19: {  	s7 =	simm.s32 $0xC;
	[sflag:s6] =	ssyncadd.s32 $0xFFFFF380  }
0x1a: {  	_ =	swait.ge [sflag:s7], $0xC80  }
0x1b: {  	[sflag:s7] =	ssyncset.done $0x0  }
0x1c: {  	s8 =	simm.s32 $0xD;
	[sflag:s7] =	ssyncadd.s32 $0xFFFFF380  }
0x1d: {  	_ =	swait.ge [sflag:s8], $0xC80  }
0x1e: {  	[sflag:s8] =	ssyncset.done $0x0  }
0x1f: {  	s21 =	simm.s32 $0xE;
	[sflag:s8] =	ssyncadd.s32 $0xFFFFF380  }
0x20: {  	_ =	swait.ge [sflag:s21], $0xC80  }
0x21: {  	[sflag:s21] =	ssyncset.done $0x0  }
0x22: {  	s22 =	simm.s32 $0xF;
	[sflag:s21] =	ssyncadd.s32 $0xFFFFF380  }
0x23: {  	_ =	swait.ge [sflag:s22], $0xC80  }
0x24: {  	[sflag:s22] =	ssyncset.done $0x0  }
0x25: {  	s6 =	simm.s32 $0x10;
	[sflag:s22] =	ssyncadd.s32 $0xFFFFF380  }
0x26: {  	_ =	swait.ge [sflag:s6], $0xC80  }
0x27: {  	s20 =	sadd.s32 $0x1, s20;
	s23 =	rddreg [dreg:$0x4]  }
0x28: {  	p0 =	sne.s32 s20, s23  }
.Ltmp1:
0x29: {  	_ = 	snop;
	(pc) =	sbr.rel @!p0 .LBB2_21-.Ltmp1, $3  }
0x2a: {  	_ =	sdelay $0x1  }
0x2b: {  	[sflag:s6] =	ssyncset.done $0x0  }
0x2c: {  	[sflag:s6] =	ssyncadd.s32 $0xFFFFF380  }
.LBB2_1:
0x2d: {  	s2 =	simm.s32 $0x0;
	s6 =	rddreg [dreg:$0x3];
	s8 =	simm.s32 $0x11  }
0x2e: {  	[tilespmem:s2], [sflag:$0x11] =	stream.linear.gather [hbm4b:s6+s2], $0x7000, $0x38;
	[tilespmem:$0x13800] =	vst v63  }
0x2f: {  	_ =	swait.ge [sflag:s8], $0x7000  }
0x30: {  	[sflag:s8] =	ssyncset.done $0x0  }
0x31: {  	s21 =	simm.s32 $0x7000;
	[sflag:s8] =	ssyncadd.s32 $0xFFFF9000  }
0x32: {  	[tilespmem:s21], [sflag:$0x1] =	stream.indirect.gather [hbm4b:s4+s9], $0x40, s2, s9, $0xb8;
	[tilespmem:$0x13800] =	vst v63  }
0x33: {  	s22 =	simm.s32 $0x38;
	s23 =	simm.s32 $0x7C80  }
0x34: {  	[tilespmem:s23], [sflag:$0x2] =	stream.indirect.gather [hbm4b:s4+s9], $0x40, s22, s9, $0xb8;
	[tilespmem:$0x13800] =	vst v63  }
0x35: {  	s7 =	simm.s32 $0x8900;
	s6 =	simm.s32 $0x70  }
0x36: {  	[tilespmem:s7], [sflag:$0x3] =	stream.indirect.gather [hbm4b:s4+s9], $0x40, s6, s9, $0xb8;
	[tilespmem:$0x13800] =	vst v63  }
0x37: {  	s8 =	simm.s32 $0xA8;
	s21 =	simm.s32 $0x9580  }
0x38: {  	[tilespmem:s21], [sflag:$0x4] =	stream.indirect.gather [hbm4b:s4+s9], $0x40, s8, s9, $0xb8;
	[tilespmem:$0x13800] =	vst v63  }
0x39: {  	s22 =	simm.s32 $0xE0;
	s23 =	simm.s32 $0xA200  }
0x3a: {  	[tilespmem:s23], [sflag:$0x5] =	stream.indirect.gather [hbm4b:s4+s9], $0x40, s22, s9, $0xb8;
	[tilespmem:$0x13800] =	vst v63  }
0x3b: {  	s7 =	simm.s32 $0x118;
	s8 =	simm.s32 $0xAE80  }
0x3c: {  	[tilespmem:s8], [sflag:$0x6] =	stream.indirect.gather [hbm4b:s4+s9], $0x40, s7, s9, $0xb8;
	[tilespmem:$0x13800] =	vst v63  }
0x3d: {  	s21 =	simm.s32 $0x150;
	s22 =	simm.s32 $0xBB00  }
0x3e: {  	[tilespmem:s22], [sflag:$0x7] =	stream.indirect.gather [hbm4b:s4+s9], $0x40, s21, s9, $0xb8;
	[tilespmem:$0x13800] =	vst v63  }
0x3f: {  	s23 =	simm.s32 $0x188;
	s21 =	simm.s32 $0x0  }
0x40: {  	[tilespmem:s24], [sflag:$0x8] =	stream.indirect.gather [hbm4b:s4+s9], $0x40, s23, s9, $0xb8;
	[tilespmem:$0x13800] =	vst v63  }
.LBB2_2:
0x41: {  	_ =	swait.ge [sflag:s25], $0xC80  }
0x42: {  	p0 =	seq.s32 s21, $0x0;
	[sflag:s25] =	ssyncset.done $0x0  }
0x43: {  	s2 =	simm.s32 @!p0 $0x9;
	[sflag:s25] =	ssyncadd.s32 $0xFFFFF380  }
0x44: {  	_ =	swait.ge @!p0 [sflag:s2], $0xC80  }
0x45: {  	[sflag:s2] =	ssyncset.done @!p0 $0x0  }
0x46: {  	s6 =	simm.s32 $0x7140;
	[sflag:s2] =	ssyncadd.s32 @!p0 $0xFFFFF380  }
0x47: {  	v0 =	vld [tilespmem:s6+$0x100]  }
0x48: {  	v1 =	vld [tilespmem:s6+$0xFFFFFF00]  }
0x49: {  	v2 =	vld [tilespmem:s6+$0xFFFFFF40]  }
0x4a: {  	v3 =	vld [tilespmem:s6+$0xFFFFFF80]  }
0x4b: {  	v4 =	vld [tilespmem:s6+$0xFFFFFFC0]  }
0x4c: {  	v5 =	vld [tilespmem:s6+$0x0];
	v0 =	vmul.f32 $8.000000000e+00, v0  }
0x4d: {  	s23 =	simm.s32 $0xD540;
	v6 =	vld [tilespmem:s6+$0x40];
	v1 =	vmul.f32 $8.000000000e+00, v1  }
0x4e: {  	v7 =	vld [tilespmem:s6+$0x80];
	v2 =	vmul.f32 $8.000000000e+00, v2;
	[tilespmem:s23+$0x100] =	vst v0  }
0x4f: {  	[tilespmem:s23+$0xFFFFFF00] =	vst v1;
	v0 =	vmul.f32 $8.000000000e+00, v3;
	v1 =	vld [tilespmem:s6+$0x110]  }
0x50: {  	[tilespmem:s23+$0xFFFFFF40] =	vst v2;
	v2 =	vmul.f32 $8.000000000e+00, v4;
	v3 =	vld [tilespmem:s6+$0xC0]  }
0x51: {  	v4 =	vld [tilespmem:s6+$0xFFFFFEC0];
	[tilespmem:s23+$0xFFFFFF80] =	vst v0;
	v0 =	vmul.f32 $8.000000000e+00, v5  }
0x52: {  	v5 =	vld [tilespmem:s6+$0xFFFFFF10];
	[tilespmem:s23+$0xFFFFFFC0] =	vst v2;
	v2 =	vmul.f32 $8.000000000e+00, v6  }
0x53: {  	v6 =	vld [tilespmem:s6+$0xFFFFFF50];
	[tilespmem:s23+$0x0] =	vst v0;
	v0 =	vmul.f32 $8.000000000e+00, v7  }
0x54: {  	v7 =	vld [tilespmem:s6+$0xFFFFFF90];
	[tilespmem:s23+$0x40] =	vst v2;
	v1 =	vmul.f32 $8.000000000e+00, v1  }
0x55: {  	v2 =	vld [tilespmem:s6+$0xFFFFFFD0];
	[tilespmem:s23+$0x80] =	vst v0;
	v0 =	vmul.f32 $8.000000000e+00, v3  }
0x56: {  	v3 =	vmul.f32 $8.000000000e+00, v4;
	v4 =	vld [tilespmem:s6+$0x10];
	[tilespmem:s23+$0x110] =	vst v1  }
0x57: {  	v1 =	vmul.f32 $8.000000000e+00, v5;
	[tilespmem:s23+$0xC0] =	vst v0;
	v0 =	vld [tilespmem:s6+$0x120]  }
0x58: {  	[tilespmem:s23+$0xFFFFFEC0] =	vst v3;
	v3 =	vmul.f32 $8.000000000e+00, v6;
	v5 =	vld [tilespmem:s6+$0x50]  }
0x59: {  	v6 =	vld [tilespmem:s6+$0xFFFFFED0];
	[tilespmem:s23+$0xFFFFFF10] =	vst v1;
	v1 =	vmul.f32 $8.000000000e+00, v7  }
0x5a: {  	v2 =	vmul.f32 $8.000000000e+00, v2;
	[tilespmem:s23+$0xFFFFFF50] =	vst v3;
	v3 =	vld [tilespmem:s6+$0x90]  }
0x5b: {  	v7 =	vld [tilespmem:s6+$0xFFFFFF20];
	[tilespmem:s23+$0xFFFFFF90] =	vst v1;
	v1 =	vmul.f32 $8.000000000e+00, v4  }
0x5c: {  	[tilespmem:s23+$0xFFFFFFD0] =	vst v2;
	v4 =	vld [tilespmem:s6+$0xD0];
	v0 =	vmul.f32 $8.000000000e+00, v0  }
0x5d: {  	v2 =	vld [tilespmem:s6+$0xFFFFFF60];
	[tilespmem:s23+$0x10] =	vst v1;
	v1 =	vmul.f32 $8.000000000e+00, v5  }
0x5e: {  	v5 =	vmul.f32 $8.000000000e+00, v6;
	v6 =	vld [tilespmem:s6+$0xFFFFFFA0];
	[tilespmem:s23+$0x120] =	vst v0  }
0x5f: {  	[tilespmem:s23+$0x50] =	vst v1;
	v0 =	vmul.f32 $8.000000000e+00, v3;
	v3 =	vld [tilespmem:s6+$0xFFFFFFE0]  }
0x60: {  	[tilespmem:s23+$0xFFFFFED0] =	vst v5;
	v7 =	vmul.f32 $8.000000000e+00, v7;
	v1 =	vld [tilespmem:s6+$0x130]  }
0x61: {  	v4 =	vmul.f32 $8.000000000e+00, v4;
	v5 =	vld [tilespmem:s6+$0xFFFFFEE0];
	[tilespmem:s23+$0x90] =	vst v0  }
0x62: {  	v0 =	vmul.f32 $8.000000000e+00, v2;
	v2 =	vld [tilespmem:s6+$0x20];
	[tilespmem:s23+$0xFFFFFF20] =	vst v7  }
0x63: {  	[tilespmem:s23+$0xD0] =	vst v4;
	v4 =	vmul.f32 $8.000000000e+00, v6;
	v6 =	vld [tilespmem:s6+$0x60]  }
0x64: {  	v7 =	vld [tilespmem:s6+$0xFFFFFF30];
	[tilespmem:s23+$0xFFFFFF60] =	vst v0;
	v3 =	vmul.f32 $8.000000000e+00, v3  }
0x65: {  	v0 =	vld [tilespmem:s6+$0xA0];
	[tilespmem:s23+$0xFFFFFFA0] =	vst v4;
	v1 =	vmul.f32 $8.000000000e+00, v1  }
0x66: {  	v4 =	vld [tilespmem:s6+$0xE0];
	v5 =	vmul.f32 $8.000000000e+00, v5;
	[tilespmem:s23+$0xFFFFFFE0] =	vst v3  }
0x67: {  	v8 =	vld [tilespmem:s6+$0xFFFFFF70];
	[tilespmem:s23+$0x130] =	vst v1;
	v1 =	vmul.f32 $8.000000000e+00, v2  }
0x68: {  	[tilespmem:s23+$0xFFFFFEE0] =	vst v5;
	v5 =	vld [tilespmem:s6+$0xFFFFFFB0];
	v2 =	vmul.f32 $8.000000000e+00, v6  }
0x69: {  	v6 =	vmul.f32 $8.000000000e+00, v7;
	v9 =	vld [tilespmem:s6+$0xFFFFFEF0];
	[tilespmem:s23+$0x20] =	vst v1  }
0x6a: {  	v3 =	vmul.f32 $8.000000000e+00, v0;
	v0 =	vld [tilespmem:s6+$0xFFFFFFF0];
	[tilespmem:s23+$0x60] =	vst v2  }
0x6b: {  	v4 =	vmul.f32 $8.000000000e+00, v4;
	[tilespmem:s23+$0xFFFFFF30] =	vst v6;
	v1 =	vld [tilespmem:s6+$0x30]  }
0x6c: {  	v7 =	vmul.f32 $8.000000000e+00, v8;
	[tilespmem:s23+$0xA0] =	vst v3;
	v2 =	vld [tilespmem:s6+$0x70]  }
0x6d: {  	[tilespmem:s23+$0xE0] =	vst v4;
	v3 =	vld [tilespmem:s6+$0xB0];
	v6 =	vmul.f32 $8.000000000e+00, v5  }
0x6e: {  	s22 =	sshll.u32 s21, $0x3;
	s2 =	simm.s32 $0x0;
	[tilespmem:s23+$0xFFFFFF70] =	vst v7;
	v4 =	vld [tilespmem:s6+$0xF0];
	s6 =	simm.s32 $0x73C0;
	v5 =	vmul.f32 $8.000000000e+00, v9  }
.LBB2_3:
0x6f: {  	v7 =	vld [tilespmem:s6+$0x100];
	s2 =	sadd.s32 $0xA, s2;
	[tilespmem:s23+$0xFFFFFFB0] =	vst v6;
	v0 =	vmul.f32 $8.000000000e+00, v0  }
0x70: {  	v6 =	vld [tilespmem:s6+$0xFFFFFF00];
	p1 =	slt.u32 s2, $0x28;
	[tilespmem:s23+$0xFFFFFEF0] =	vst v5;
	v1 =	vmul.f32 $8.000000000e+00, v1  }
0x71: {  	v5 =	vld [tilespmem:s6+$0xFFFFFF40];
	[tilespmem:s23+$0xFFFFFFF0] =	vst v0;
	v0 =	vmul.f32 $8.000000000e+00, v2  }
0x72: {  	v2 =	vld [tilespmem:s6+$0xFFFFFF80];
	[tilespmem:s23+$0x30] =	vst v1;
	v1 =	vmul.f32 $8.000000000e+00, v3  }
0x73: {  	v3 =	vld [tilespmem:s6+$0xFFFFFFC0];
	[tilespmem:s23+$0x70] =	vst v0;
	v0 =	vmul.f32 $8.000000000e+00, v4  }
0x74: {  	v4 =	vld [tilespmem:s6+$0x0];
	v7 =	vmul.f32 $8.000000000e+00, v7;
	[tilespmem:s23+$0xB0] =	vst v1  }
0x75: {  	v1 =	vmul.f32 $8.000000000e+00, v6;
	v6 =	vld [tilespmem:s6+$0x40];
	[tilespmem:s23+$0xF0] =	vst v0;
	s23 =	sadd.s32 $0x280, s23  }
0x76: {  	v0 =	vmul.f32 $8.000000000e+00, v5;
	v5 =	vld [tilespmem:s6+$0x80];
	[tilespmem:s23+$0x100] =	vst v7  }
0x77: {  	[tilespmem:s23+$0xFFFFFF00] =	vst v1;
	v1 =	vmul.f32 $8.000000000e+00, v2;
	v2 =	vld [tilespmem:s6+$0x110]  }
0x78: {  	[tilespmem:s23+$0xFFFFFF40] =	vst v0;
	v0 =	vmul.f32 $8.000000000e+00, v3;
	v3 =	vld [tilespmem:s6+$0xC0]  }
0x79: {  	v7 =	vld [tilespmem:s6+$0xFFFFFEC0];
	[tilespmem:s23+$0xFFFFFF80] =	vst v1;
	v1 =	vmul.f32 $8.000000000e+00, v4  }
0x7a: {  	v4 =	vld [tilespmem:s6+$0xFFFFFF10];
	[tilespmem:s23+$0xFFFFFFC0] =	vst v0;
	v0 =	vmul.f32 $8.000000000e+00, v6  }
0x7b: {  	v6 =	vld [tilespmem:s6+$0xFFFFFF50];
	[tilespmem:s23+$0x0] =	vst v1;
	v1 =	vmul.f32 $8.000000000e+00, v5  }
0x7c: {  	v5 =	vld [tilespmem:s6+$0xFFFFFF90];
	[tilespmem:s23+$0x40] =	vst v0;
	v0 =	vmul.f32 $8.000000000e+00, v2  }
0x7d: {  	v2 =	vld [tilespmem:s6+$0xFFFFFFD0];
	[tilespmem:s23+$0x80] =	vst v1;
	v1 =	vmul.f32 $8.000000000e+00, v3  }
0x7e: {  	v3 =	vmul.f32 $8.000000000e+00, v7;
	v7 =	vld [tilespmem:s6+$0x10];
	[tilespmem:s23+$0x110] =	vst v0  }
0x7f: {  	v0 =	vmul.f32 $8.000000000e+00, v4;
	[tilespmem:s23+$0xC0] =	vst v1;
	v1 =	vld [tilespmem:s6+$0x120]  }
0x80: {  	[tilespmem:s23+$0xFFFFFEC0] =	vst v3;
	v3 =	vmul.f32 $8.000000000e+00, v6;
	v4 =	vld [tilespmem:s6+$0x50]  }
0x81: {  	v6 =	vld [tilespmem:s6+$0xFFFFFED0];
	[tilespmem:s23+$0xFFFFFF10] =	vst v0;
	v0 =	vmul.f32 $8.000000000e+00, v5  }
0x82: {  	[tilespmem:s23+$0xFFFFFF50] =	vst v3;
	v2 =	vmul.f32 $8.000000000e+00, v2;
	v3 =	vld [tilespmem:s6+$0x90]  }
0x83: {  	[tilespmem:s23+$0xFFFFFF90] =	vst v0;
	v0 =	vmul.f32 $8.000000000e+00, v7;
	v5 =	vld [tilespmem:s6+$0xD0]  }
0x84: {  	v7 =	vld [tilespmem:s6+$0xFFFFFF20];
	[tilespmem:s23+$0xFFFFFFD0] =	vst v2;
	v1 =	vmul.f32 $8.000000000e+00, v1  }
0x85: {  	v2 =	vld [tilespmem:s6+$0xFFFFFF60];
	[tilespmem:s23+$0x10] =	vst v0;
	v0 =	vmul.f32 $8.000000000e+00, v4  }
0x86: {  	v4 =	vmul.f32 $8.000000000e+00, v6;
	v6 =	vld [tilespmem:s6+$0xFFFFFFA0];
	[tilespmem:s23+$0x120] =	vst v1  }
0x87: {  	[tilespmem:s23+$0x50] =	vst v0;
	v0 =	vmul.f32 $8.000000000e+00, v3;
	v1 =	vld [tilespmem:s6+$0x130]  }
0x88: {  	[tilespmem:s23+$0xFFFFFED0] =	vst v4;
	v3 =	vld [tilespmem:s6+$0xFFFFFFE0];
	v4 =	vmul.f32 $8.000000000e+00, v5  }
0x89: {  	v5 =	vld [tilespmem:s6+$0xFFFFFEE0];
	v7 =	vmul.f32 $8.000000000e+00, v7;
	[tilespmem:s23+$0x90] =	vst v0  }
0x8a: {  	v0 =	vmul.f32 $8.000000000e+00, v2;
	v2 =	vld [tilespmem:s6+$0x20];
	[tilespmem:s23+$0xD0] =	vst v4  }
0x8b: {  	[tilespmem:s23+$0xFFFFFF20] =	vst v7;
	v4 =	vmul.f32 $8.000000000e+00, v6;
	v6 =	vld [tilespmem:s6+$0x60]  }
0x8c: {  	[tilespmem:s23+$0xFFFFFF60] =	vst v0;
	v0 =	vld [tilespmem:s6+$0xA0];
	v1 =	vmul.f32 $8.000000000e+00, v1  }
0x8d: {  	[tilespmem:s23+$0xFFFFFFA0] =	vst v4;
	v3 =	vmul.f32 $8.000000000e+00, v3;
	v4 =	vld [tilespmem:s6+$0xE0]  }
0x8e: {  	v5 =	vmul.f32 $8.000000000e+00, v5;
	v7 =	vld [tilespmem:s6+$0xFFFFFF30];
	[tilespmem:s23+$0x130] =	vst v1  }
0x8f: {  	v8 =	vld [tilespmem:s6+$0xFFFFFF70];
	[tilespmem:s23+$0xFFFFFFE0] =	vst v3;
	v1 =	vmul.f32 $8.000000000e+00, v2  }
0x90: {  	[tilespmem:s23+$0xFFFFFEE0] =	vst v5;
	v3 =	vld [tilespmem:s6+$0xFFFFFFB0];
	v2 =	vmul.f32 $8.000000000e+00, v6  }
0x91: {  	v5 =	vld [tilespmem:s6+$0xFFFFFEF0];
	[tilespmem:s23+$0x20] =	vst v1;
	v6 =	vmul.f32 $8.000000000e+00, v0  }
.Ltmp2:
0x92: {  	v0 =	vld [tilespmem:s6+$0xFFFFFFF0];
	[tilespmem:s23+$0x60] =	vst v2;
	v4 =	vmul.f32 $8.000000000e+00, v4;
	(pc) =	sbr.rel @p1 .LBB2_3-.Ltmp2, $4  }
0x93: {  	v7 =	vmul.f32 $8.000000000e+00, v7;
	v1 =	vld [tilespmem:s6+$0x30];
	[tilespmem:s23+$0xA0] =	vst v6  }
0x94: {  	v8 =	vmul.f32 $8.000000000e+00, v8;
	v2 =	vld [tilespmem:s6+$0x70];
	[tilespmem:s23+$0xE0] =	vst v4  }
0x95: {  	[tilespmem:s23+$0xFFFFFF30] =	vst v7;
	v6 =	vmul.f32 $8.000000000e+00, v3;
	v3 =	vld [tilespmem:s6+$0xB0]  }
0x96: {  	v5 =	vmul.f32 $8.000000000e+00, v5;
	[tilespmem:s23+$0xFFFFFF70] =	vst v8;
	v4 =	vld [tilespmem:s6+$0xF0];
	s6 =	sadd.s32 $0x280, s6  }
0x97: {  	[tilespmem:s23+$0xFFFFFFB0] =	vst v6;
	v0 =	vmul.f32 $8.000000000e+00, v0  }
0x98: {  	[tilespmem:s23+$0xFFFFFEF0] =	vst v5;
	v1 =	vmul.f32 $8.000000000e+00, v1  }
0x99: {  	s2 =	sadd.s32 s3, s22;
	[tilespmem:s23+$0xFFFFFFF0] =	vst v0;
	v0 =	vmul.f32 $8.000000000e+00, v2  }
0x9a: {  	p1 =	seq.s32 s21, $0x3F;
	s2 =	smul.u32 $0x380, s2;
	[tilespmem:s23+$0x30] =	vst v1;
	v1 =	vmul.f32 $8.000000000e+00, v3  }
0x9b: {  	s6 =	smul.u32 @!p1 $0x700, s21;
	[tilespmem:s23+$0x70] =	vst v0;
	v0 =	vmul.f32 $8.000000000e+00, v4  }
0x9c: {  	[tilespmem:s23+$0xB0] =	vst v1  }
0x9d: {  	s2 =	sadd.s32 s5, s2;
	[tilespmem:s23+$0xF0] =	vst v0;
	s23 =	sshra.s32 @!p1 s6, $0x2  }
0x9e: {  	[hbm4b:s2+s26] =	stream.strided.scatter [tilespmem:s29], [sflag:$0x9], $0xC80, s28, s26, $0x38;
	[tilespmem:$0x13800] =	vst v63  }
0x9f: {  	s7 =	simm.s32 @!p1 $0x7000;
	s6 =	simm.s32 @!p1 $0x32;
	s2 =	sadd.s32 @!p1 $0x1C0, s23  }
0xa0: {  	[tilespmem:s7], [sflag:$0x1] =	stream.indirect.gather @!p1 [hbm4b:s4+s6], $0x40, s2, s6, $0xb8;
	[tilespmem:$0x13800] =	vst v63  }
0xa1: {  	_ =	swait.ge [sflag:s30], $0xC80  }
0xa2: {  	[sflag:s30] =	ssyncset.done $0x0  }
0xa3: {  	s2 =	simm.s32 @!p0 $0xA;
	[sflag:s30] =	ssyncadd.s32 $0xFFFFF380  }
0xa4: {  	_ =	swait.ge @!p0 [sflag:s2], $0xC80  }
0xa5: {  	[sflag:s2] =	ssyncset.done @!p0 $0x0  }
0xa6: {  	s8 =	simm.s32 $0x7DC0;
	[sflag:s2] =	ssyncadd.s32 @!p0 $0xFFFFF380  }
0xa7: {  	v0 =	vld [tilespmem:s8+$0x100]  }
0xa8: {  	v1 =	vld [tilespmem:s8+$0xFFFFFF00]  }
0xa9: {  	v2 =	vld [tilespmem:s8+$0xFFFFFF40]  }
0xaa: {  	v3 =	vld [tilespmem:s8+$0xFFFFFF80]  }
0xab: {  	v4 =	vld [tilespmem:s8+$0xFFFFFFC0]  }
0xac: {  	v5 =	vld [tilespmem:s8+$0x0];
	v0 =	vmul.f32 $8.000000000e+00, v0  }
0xad: {  	s2 =	simm.s32 $0xE1C0;
	v6 =	vld [tilespmem:s8+$0x40];
	v1 =	vmul.f32 $8.000000000e+00, v1  }
0xae: {  	v7 =	vld [tilespmem:s8+$0x80];
	v2 =	vmul.f32 $8.000000000e+00, v2;
	[tilespmem:s2+$0x100] =	vst v0  }
0xaf: {  	[tilespmem:s2+$0xFFFFFF00] =	vst v1;
	v0 =	vmul.f32 $8.000000000e+00, v3;
	v1 =	vld [tilespmem:s8+$0x110]  }
0xb0: {  	[tilespmem:s2+$0xFFFFFF40] =	vst v2;
	v2 =	vmul.f32 $8.000000000e+00, v4;
	v3 =	vld [tilespmem:s8+$0xC0]  }
0xb1: {  	v4 =	vld [tilespmem:s8+$0xFFFFFEC0];
	[tilespmem:s2+$0xFFFFFF80] =	vst v0;
	v0 =	vmul.f32 $8.000000000e+00, v5  }
0xb2: {  	v5 =	vld [tilespmem:s8+$0xFFFFFF10];
	[tilespmem:s2+$0xFFFFFFC0] =	vst v2;
	v2 =	vmul.f32 $8.000000000e+00, v6  }
0xb3: {  	v6 =	vld [tilespmem:s8+$0xFFFFFF50];
	[tilespmem:s2+$0x0] =	vst v0;
	v0 =	vmul.f32 $8.000000000e+00, v7  }
0xb4: {  	v7 =	vld [tilespmem:s8+$0xFFFFFF90];
	[tilespmem:s2+$0x40] =	vst v2;
	v1 =	vmul.f32 $8.000000000e+00, v1  }
0xb5: {  	v2 =	vld [tilespmem:s8+$0xFFFFFFD0];
	[tilespmem:s2+$0x80] =	vst v0;
	v0 =	vmul.f32 $8.000000000e+00, v3  }
0xb6: {  	v3 =	vmul.f32 $8.000000000e+00, v4;
	v4 =	vld [tilespmem:s8+$0x10];
	[tilespmem:s2+$0x110] =	vst v1  }
0xb7: {  	v1 =	vmul.f32 $8.000000000e+00, v5;
	[tilespmem:s2+$0xC0] =	vst v0;
	v0 =	vld [tilespmem:s8+$0x120]  }
0xb8: {  	[tilespmem:s2+$0xFFFFFEC0] =	vst v3;
	v3 =	vmul.f32 $8.000000000e+00, v6;
	v5 =	vld [tilespmem:s8+$0x50]  }
0xb9: {  	v6 =	vld [tilespmem:s8+$0xFFFFFED0];
	[tilespmem:s2+$0xFFFFFF10] =	vst v1;
	v1 =	vmul.f32 $8.000000000e+00, v7  }
0xba: {  	v2 =	vmul.f32 $8.000000000e+00, v2;
	[tilespmem:s2+$0xFFFFFF50] =	vst v3;
	v3 =	vld [tilespmem:s8+$0x90]  }
0xbb: {  	v7 =	vld [tilespmem:s8+$0xFFFFFF20];
	[tilespmem:s2+$0xFFFFFF90] =	vst v1;
	v1 =	vmul.f32 $8.000000000e+00, v4  }
0xbc: {  	[tilespmem:s2+$0xFFFFFFD0] =	vst v2;
	v4 =	vld [tilespmem:s8+$0xD0];
	v0 =	vmul.f32 $8.000000000e+00, v0  }
0xbd: {  	v2 =	vld [tilespmem:s8+$0xFFFFFF60];
	[tilespmem:s2+$0x10] =	vst v1;
	v1 =	vmul.f32 $8.000000000e+00, v5  }
0xbe: {  	v5 =	vmul.f32 $8.000000000e+00, v6;
	v6 =	vld [tilespmem:s8+$0xFFFFFFA0];
	[tilespmem:s2+$0x120] =	vst v0  }
0xbf: {  	[tilespmem:s2+$0x50] =	vst v1;
	v0 =	vmul.f32 $8.000000000e+00, v3;
	v3 =	vld [tilespmem:s8+$0xFFFFFFE0]  }
0xc0: {  	[tilespmem:s2+$0xFFFFFED0] =	vst v5;
	v7 =	vmul.f32 $8.000000000e+00, v7;
	v1 =	vld [tilespmem:s8+$0x130]  }
0xc1: {  	v4 =	vmul.f32 $8.000000000e+00, v4;
	v5 =	vld [tilespmem:s8+$0xFFFFFEE0];
	[tilespmem:s2+$0x90] =	vst v0  }
0xc2: {  	v0 =	vmul.f32 $8.000000000e+00, v2;
	v2 =	vld [tilespmem:s8+$0x20];
	[tilespmem:s2+$0xFFFFFF20] =	vst v7  }
0xc3: {  	[tilespmem:s2+$0xD0] =	vst v4;
	v4 =	vmul.f32 $8.000000000e+00, v6;
	v6 =	vld [tilespmem:s8+$0x60]  }
0xc4: {  	v7 =	vld [tilespmem:s8+$0xFFFFFF30];
	[tilespmem:s2+$0xFFFFFF60] =	vst v0;
	v3 =	vmul.f32 $8.000000000e+00, v3  }
0xc5: {  	v0 =	vld [tilespmem:s8+$0xA0];
	[tilespmem:s2+$0xFFFFFFA0] =	vst v4;
	v1 =	vmul.f32 $8.000000000e+00, v1  }
0xc6: {  	v4 =	vld [tilespmem:s8+$0xE0];
	v5 =	vmul.f32 $8.000000000e+00, v5;
	[tilespmem:s2+$0xFFFFFFE0] =	vst v3  }
0xc7: {  	v8 =	vld [tilespmem:s8+$0xFFFFFF70];
	[tilespmem:s2+$0x130] =	vst v1;
	v1 =	vmul.f32 $8.000000000e+00, v2  }
0xc8: {  	[tilespmem:s2+$0xFFFFFEE0] =	vst v5;
	v5 =	vld [tilespmem:s8+$0xFFFFFFB0];
	v2 =	vmul.f32 $8.000000000e+00, v6  }
0xc9: {  	v6 =	vmul.f32 $8.000000000e+00, v7;
	v9 =	vld [tilespmem:s8+$0xFFFFFEF0];
	[tilespmem:s2+$0x20] =	vst v1  }
0xca: {  	v3 =	vmul.f32 $8.000000000e+00, v0;
	v0 =	vld [tilespmem:s8+$0xFFFFFFF0];
	[tilespmem:s2+$0x60] =	vst v2  }
0xcb: {  	v4 =	vmul.f32 $8.000000000e+00, v4;
	[tilespmem:s2+$0xFFFFFF30] =	vst v6;
	v1 =	vld [tilespmem:s8+$0x30]  }
0xcc: {  	v7 =	vmul.f32 $8.000000000e+00, v8;
	[tilespmem:s2+$0xA0] =	vst v3;
	v2 =	vld [tilespmem:s8+$0x70]  }
0xcd: {  	[tilespmem:s2+$0xE0] =	vst v4;
	v3 =	vld [tilespmem:s8+$0xB0];
	v6 =	vmul.f32 $8.000000000e+00, v5  }
0xce: {  	s6 =	sor.u32 $0x1, s22;
	s7 =	simm.s32 $0x0;
	[tilespmem:s2+$0xFFFFFF70] =	vst v7;
	v4 =	vld [tilespmem:s8+$0xF0];
	s8 =	simm.s32 $0x8040;
	v5 =	vmul.f32 $8.000000000e+00, v9  }
.LBB2_5:
0xcf: {  	v7 =	vld [tilespmem:s8+$0x100];
	s7 =	sadd.s32 $0xA, s7;
	[tilespmem:s2+$0xFFFFFFB0] =	vst v6;
	v0 =	vmul.f32 $8.000000000e+00, v0  }
0xd0: {  	v6 =	vld [tilespmem:s8+$0xFFFFFF00];
	p2 =	slt.u32 s7, $0x28;
	[tilespmem:s2+$0xFFFFFEF0] =	vst v5;
	v1 =	vmul.f32 $8.000000000e+00, v1  }
0xd1: {  	v5 =	vld [tilespmem:s8+$0xFFFFFF40];
	[tilespmem:s2+$0xFFFFFFF0] =	vst v0;
	v0 =	vmul.f32 $8.000000000e+00, v2  }
0xd2: {  	v2 =	vld [tilespmem:s8+$0xFFFFFF80];
	[tilespmem:s2+$0x30] =	vst v1;
	v1 =	vmul.f32 $8.000000000e+00, v3  }
0xd3: {  	v3 =	vld [tilespmem:s8+$0xFFFFFFC0];
	[tilespmem:s2+$0x70] =	vst v0;
	v0 =	vmul.f32 $8.000000000e+00, v4  }
0xd4: {  	v4 =	vld [tilespmem:s8+$0x0];
	v7 =	vmul.f32 $8.000000000e+00, v7;
	[tilespmem:s2+$0xB0] =	vst v1  }
0xd5: {  	v1 =	vmul.f32 $8.000000000e+00, v6;
	v6 =	vld [tilespmem:s8+$0x40];
	[tilespmem:s2+$0xF0] =	vst v0;
	s2 =	sadd.s32 $0x280, s2  }
0xd6: {  	v0 =	vmul.f32 $8.000000000e+00, v5;
	v5 =	vld [tilespmem:s8+$0x80];
	[tilespmem:s2+$0x100] =	vst v7  }
0xd7: {  	[tilespmem:s2+$0xFFFFFF00] =	vst v1;
	v1 =	vmul.f32 $8.000000000e+00, v2;
	v2 =	vld [tilespmem:s8+$0x110]  }
0xd8: {  	[tilespmem:s2+$0xFFFFFF40] =	vst v0;
	v0 =	vmul.f32 $8.000000000e+00, v3;
	v3 =	vld [tilespmem:s8+$0xC0]  }
0xd9: {  	v7 =	vld [tilespmem:s8+$0xFFFFFEC0];
	[tilespmem:s2+$0xFFFFFF80] =	vst v1;
	v1 =	vmul.f32 $8.000000000e+00, v4  }
0xda: {  	v4 =	vld [tilespmem:s8+$0xFFFFFF10];
	[tilespmem:s2+$0xFFFFFFC0] =	vst v0;
	v0 =	vmul.f32 $8.000000000e+00, v6  }
0xdb: {  	v6 =	vld [tilespmem:s8+$0xFFFFFF50];
	[tilespmem:s2+$0x0] =	vst v1;
	v1 =	vmul.f32 $8.000000000e+00, v5  }
0xdc: {  	v5 =	vld [tilespmem:s8+$0xFFFFFF90];
	[tilespmem:s2+$0x40] =	vst v0;
	v0 =	vmul.f32 $8.000000000e+00, v2  }
0xdd: {  	v2 =	vld [tilespmem:s8+$0xFFFFFFD0];
	[tilespmem:s2+$0x80] =	vst v1;
	v1 =	vmul.f32 $8.000000000e+00, v3  }
0xde: {  	v3 =	vmul.f32 $8.000000000e+00, v7;
	v7 =	vld [tilespmem:s8+$0x10];
	[tilespmem:s2+$0x110] =	vst v0  }
0xdf: {  	v0 =	vmul.f32 $8.000000000e+00, v4;
	[tilespmem:s2+$0xC0] =	vst v1;
	v1 =	vld [tilespmem:s8+$0x120]  }
0xe0: {  	[tilespmem:s2+$0xFFFFFEC0] =	vst v3;
	v3 =	vmul.f32 $8.000000000e+00, v6;
	v4 =	vld [tilespmem:s8+$0x50]  }
0xe1: {  	v6 =	vld [tilespmem:s8+$0xFFFFFED0];
	[tilespmem:s2+$0xFFFFFF10] =	vst v0;
	v0 =	vmul.f32 $8.000000000e+00, v5  }
0xe2: {  	[tilespmem:s2+$0xFFFFFF50] =	vst v3;
	v2 =	vmul.f32 $8.000000000e+00, v2;
	v3 =	vld [tilespmem:s8+$0x90]  }
0xe3: {  	[tilespmem:s2+$0xFFFFFF90] =	vst v0;
	v0 =	vmul.f32 $8.000000000e+00, v7;
	v5 =	vld [tilespmem:s8+$0xD0]  }
0xe4: {  	v7 =	vld [tilespmem:s8+$0xFFFFFF20];
	[tilespmem:s2+$0xFFFFFFD0] =	vst v2;
	v1 =	vmul.f32 $8.000000000e+00, v1  }
0xe5: {  	v2 =	vld [tilespmem:s8+$0xFFFFFF60];
	[tilespmem:s2+$0x10] =	vst v0;
	v0 =	vmul.f32 $8.000000000e+00, v4  }
0xe6: {  	v4 =	vmul.f32 $8.000000000e+00, v6;
	v6 =	vld [tilespmem:s8+$0xFFFFFFA0];
	[tilespmem:s2+$0x120] =	vst v1  }
0xe7: {  	[tilespmem:s2+$0x50] =	vst v0;
	v0 =	vmul.f32 $8.000000000e+00, v3;
	v1 =	vld [tilespmem:s8+$0x130]  }
0xe8: {  	[tilespmem:s2+$0xFFFFFED0] =	vst v4;
	v3 =	vld [tilespmem:s8+$0xFFFFFFE0];
	v4 =	vmul.f32 $8.000000000e+00, v5  }
0xe9: {  	v5 =	vld [tilespmem:s8+$0xFFFFFEE0];
	v7 =	vmul.f32 $8.000000000e+00, v7;
	[tilespmem:s2+$0x90] =	vst v0  }
0xea: {  	v0 =	vmul.f32 $8.000000000e+00, v2;
	v2 =	vld [tilespmem:s8+$0x20];
	[tilespmem:s2+$0xD0] =	vst v4  }
0xeb: {  	[tilespmem:s2+$0xFFFFFF20] =	vst v7;
	v4 =	vmul.f32 $8.000000000e+00, v6;
	v6 =	vld [tilespmem:s8+$0x60]  }
0xec: {  	[tilespmem:s2+$0xFFFFFF60] =	vst v0;
	v0 =	vld [tilespmem:s8+$0xA0];
	v1 =	vmul.f32 $8.000000000e+00, v1  }
0xed: {  	[tilespmem:s2+$0xFFFFFFA0] =	vst v4;
	v3 =	vmul.f32 $8.000000000e+00, v3;
	v4 =	vld [tilespmem:s8+$0xE0]  }
0xee: {  	v5 =	vmul.f32 $8.000000000e+00, v5;
	v7 =	vld [tilespmem:s8+$0xFFFFFF30];
	[tilespmem:s2+$0x130] =	vst v1  }
0xef: {  	v8 =	vld [tilespmem:s8+$0xFFFFFF70];
	[tilespmem:s2+$0xFFFFFFE0] =	vst v3;
	v1 =	vmul.f32 $8.000000000e+00, v2  }
0xf0: {  	[tilespmem:s2+$0xFFFFFEE0] =	vst v5;
	v3 =	vld [tilespmem:s8+$0xFFFFFFB0];
	v2 =	vmul.f32 $8.000000000e+00, v6  }
0xf1: {  	v5 =	vld [tilespmem:s8+$0xFFFFFEF0];
	[tilespmem:s2+$0x20] =	vst v1;
	v6 =	vmul.f32 $8.000000000e+00, v0  }
.Ltmp3:
0xf2: {  	v0 =	vld [tilespmem:s8+$0xFFFFFFF0];
	[tilespmem:s2+$0x60] =	vst v2;
	v4 =	vmul.f32 $8.000000000e+00, v4;
	(pc) =	sbr.rel @p2 .LBB2_5-.Ltmp3, $4  }
0xf3: {  	v7 =	vmul.f32 $8.000000000e+00, v7;
	v1 =	vld [tilespmem:s8+$0x30];
	[tilespmem:s2+$0xA0] =	vst v6  }
0xf4: {  	v8 =	vmul.f32 $8.000000000e+00, v8;
	v2 =	vld [tilespmem:s8+$0x70];
	[tilespmem:s2+$0xE0] =	vst v4  }
0xf5: {  	[tilespmem:s2+$0xFFFFFF30] =	vst v7;
	v6 =	vmul.f32 $8.000000000e+00, v3;
	v3 =	vld [tilespmem:s8+$0xB0]  }
0xf6: {  	v5 =	vmul.f32 $8.000000000e+00, v5;
	[tilespmem:s2+$0xFFFFFF70] =	vst v8;
	v4 =	vld [tilespmem:s8+$0xF0];
	s8 =	sadd.s32 $0x280, s8  }
0xf7: {  	[tilespmem:s2+$0xFFFFFFB0] =	vst v6;
	v0 =	vmul.f32 $8.000000000e+00, v0  }
0xf8: {  	[tilespmem:s2+$0xFFFFFEF0] =	vst v5;
	v1 =	vmul.f32 $8.000000000e+00, v1  }
0xf9: {  	[tilespmem:s2+$0xFFFFFFF0] =	vst v0;
	v0 =	vmul.f32 $8.000000000e+00, v2  }
0xfa: {  	s6 =	sadd.s32 s3, s6;
	[tilespmem:s2+$0x30] =	vst v1;
	v1 =	vmul.f32 $8.000000000e+00, v3  }
0xfb: {  	s6 =	smul.u32 $0x380, s6;
	[tilespmem:s2+$0x70] =	vst v0;
	v0 =	vmul.f32 $8.000000000e+00, v4  }
0xfc: {  	[tilespmem:s2+$0xB0] =	vst v1  }
0xfd: {  	s8 =	sadd.s32 s5, s6;
	[tilespmem:s2+$0xF0] =	vst v0  }
0xfe: {  	[hbm4b:s8+s26] =	stream.strided.scatter [tilespmem:s31], [sflag:$0xA], $0xC80, s28, s26, $0x38;
	[tilespmem:$0x13800] =	vst v63  }
0xff: {  	s7 =	simm.s32 @!p1 $0x7C80;
	s6 =	simm.s32 @!p1 $0x32;
	s2 =	sadd.s32 @!p1 $0x1F8, s23  }
0x100: {  	[tilespmem:s7], [sflag:$0x2] =	stream.indirect.gather @!p1 [hbm4b:s4+s6], $0x40, s2, s6, $0xb8;
	[tilespmem:$0x13800] =	vst v63  }
0x101: {  	_ =	swait.ge [sflag:s1], $0xC80  }
0x102: {  	[sflag:s1] =	ssyncset.done $0x0  }
0x103: {  	s2 =	simm.s32 @!p0 $0xB;
	[sflag:s1] =	ssyncadd.s32 $0xFFFFF380  }
0x104: {  	_ =	swait.ge @!p0 [sflag:s2], $0xC80  }
0x105: {  	[sflag:s2] =	ssyncset.done @!p0 $0x0  }
0x106: {  	s8 =	simm.s32 $0x8A40;
	[sflag:s2] =	ssyncadd.s32 @!p0 $0xFFFFF380  }
0x107: {  	v0 =	vld [tilespmem:s8+$0x100]  }
0x108: {  	v1 =	vld [tilespmem:s8+$0xFFFFFF00]  }
0x109: {  	v2 =	vld [tilespmem:s8+$0xFFFFFF40]  }
0x10a: {  	v3 =	vld [tilespmem:s8+$0xFFFFFF80]  }
0x10b: {  	v4 =	vld [tilespmem:s8+$0xFFFFFFC0]  }
0x10c: {  	v5 =	vld [tilespmem:s8+$0x0];
	v0 =	vmul.f32 $8.000000000e+00, v0  }
0x10d: {  	s2 =	simm.s32 $0xEE40;
	v6 =	vld [tilespmem:s8+$0x40];
	v1 =	vmul.f32 $8.000000000e+00, v1  }
0x10e: {  	v7 =	vld [tilespmem:s8+$0x80];
	v2 =	vmul.f32 $8.000000000e+00, v2;
	[tilespmem:s2+$0x100] =	vst v0  }
0x10f: {  	[tilespmem:s2+$0xFFFFFF00] =	vst v1;
	v0 =	vmul.f32 $8.000000000e+00, v3;
	v1 =	vld [tilespmem:s8+$0x110]  }
0x110: {  	[tilespmem:s2+$0xFFFFFF40] =	vst v2;
	v2 =	vmul.f32 $8.000000000e+00, v4;
	v3 =	vld [tilespmem:s8+$0xC0]  }
0x111: {  	v4 =	vld [tilespmem:s8+$0xFFFFFEC0];
	[tilespmem:s2+$0xFFFFFF80] =	vst v0;
	v0 =	vmul.f32 $8.000000000e+00, v5  }
0x112: {  	v5 =	vld [tilespmem:s8+$0xFFFFFF10];
	[tilespmem:s2+$0xFFFFFFC0] =	vst v2;
	v2 =	vmul.f32 $8.000000000e+00, v6  }
0x113: {  	v6 =	vld [tilespmem:s8+$0xFFFFFF50];
	[tilespmem:s2+$0x0] =	vst v0;
	v0 =	vmul.f32 $8.000000000e+00, v7  }
0x114: {  	v7 =	vld [tilespmem:s8+$0xFFFFFF90];
	[tilespmem:s2+$0x40] =	vst v2;
	v1 =	vmul.f32 $8.000000000e+00, v1  }
0x115: {  	v2 =	vld [tilespmem:s8+$0xFFFFFFD0];
	[tilespmem:s2+$0x80] =	vst v0;
	v0 =	vmul.f32 $8.000000000e+00, v3  }
0x116: {  	v3 =	vmul.f32 $8.000000000e+00, v4;
	v4 =	vld [tilespmem:s8+$0x10];
	[tilespmem:s2+$0x110] =	vst v1  }
0x117: {  	v1 =	vmul.f32 $8.000000000e+00, v5;
	[tilespmem:s2+$0xC0] =	vst v0;
	v0 =	vld [tilespmem:s8+$0x120]  }
0x118: {  	[tilespmem:s2+$0xFFFFFEC0] =	vst v3;
	v3 =	vmul.f32 $8.000000000e+00, v6;
	v5 =	vld [tilespmem:s8+$0x50]  }
0x119: {  	v6 =	vld [tilespmem:s8+$0xFFFFFED0];
	[tilespmem:s2+$0xFFFFFF10] =	vst v1;
	v1 =	vmul.f32 $8.000000000e+00, v7  }
0x11a: {  	v2 =	vmul.f32 $8.000000000e+00, v2;
	[tilespmem:s2+$0xFFFFFF50] =	vst v3;
	v3 =	vld [tilespmem:s8+$0x90]  }
0x11b: {  	v7 =	vld [tilespmem:s8+$0xFFFFFF20];
	[tilespmem:s2+$0xFFFFFF90] =	vst v1;
	v1 =	vmul.f32 $8.000000000e+00, v4  }
0x11c: {  	[tilespmem:s2+$0xFFFFFFD0] =	vst v2;
	v4 =	vld [tilespmem:s8+$0xD0];
	v0 =	vmul.f32 $8.000000000e+00, v0  }
0x11d: {  	v2 =	vld [tilespmem:s8+$0xFFFFFF60];
	[tilespmem:s2+$0x10] =	vst v1;
	v1 =	vmul.f32 $8.000000000e+00, v5  }
0x11e: {  	v5 =	vmul.f32 $8.000000000e+00, v6;
	v6 =	vld [tilespmem:s8+$0xFFFFFFA0];
	[tilespmem:s2+$0x120] =	vst v0  }
0x11f: {  	[tilespmem:s2+$0x50] =	vst v1;
	v0 =	vmul.f32 $8.000000000e+00, v3;
	v3 =	vld [tilespmem:s8+$0xFFFFFFE0]  }
0x120: {  	[tilespmem:s2+$0xFFFFFED0] =	vst v5;
	v7 =	vmul.f32 $8.000000000e+00, v7;
	v1 =	vld [tilespmem:s8+$0x130]  }
0x121: {  	v4 =	vmul.f32 $8.000000000e+00, v4;
	v5 =	vld [tilespmem:s8+$0xFFFFFEE0];
	[tilespmem:s2+$0x90] =	vst v0  }
0x122: {  	v0 =	vmul.f32 $8.000000000e+00, v2;
	v2 =	vld [tilespmem:s8+$0x20];
	[tilespmem:s2+$0xFFFFFF20] =	vst v7  }
0x123: {  	[tilespmem:s2+$0xD0] =	vst v4;
	v4 =	vmul.f32 $8.000000000e+00, v6;
	v6 =	vld [tilespmem:s8+$0x60]  }
0x124: {  	v7 =	vld [tilespmem:s8+$0xFFFFFF30];
	[tilespmem:s2+$0xFFFFFF60] =	vst v0;
	v3 =	vmul.f32 $8.000000000e+00, v3  }
0x125: {  	v0 =	vld [tilespmem:s8+$0xA0];
	[tilespmem:s2+$0xFFFFFFA0] =	vst v4;
	v1 =	vmul.f32 $8.000000000e+00, v1  }
0x126: {  	v4 =	vld [tilespmem:s8+$0xE0];
	v5 =	vmul.f32 $8.000000000e+00, v5;
	[tilespmem:s2+$0xFFFFFFE0] =	vst v3  }
0x127: {  	v8 =	vld [tilespmem:s8+$0xFFFFFF70];
	[tilespmem:s2+$0x130] =	vst v1;
	v1 =	vmul.f32 $8.000000000e+00, v2  }
0x128: {  	[tilespmem:s2+$0xFFFFFEE0] =	vst v5;
	v5 =	vld [tilespmem:s8+$0xFFFFFFB0];
	v2 =	vmul.f32 $8.000000000e+00, v6  }
0x129: {  	v6 =	vmul.f32 $8.000000000e+00, v7;
	v9 =	vld [tilespmem:s8+$0xFFFFFEF0];
	[tilespmem:s2+$0x20] =	vst v1  }
0x12a: {  	v3 =	vmul.f32 $8.000000000e+00, v0;
	v0 =	vld [tilespmem:s8+$0xFFFFFFF0];
	[tilespmem:s2+$0x60] =	vst v2  }
0x12b: {  	v4 =	vmul.f32 $8.000000000e+00, v4;
	[tilespmem:s2+$0xFFFFFF30] =	vst v6;
	v1 =	vld [tilespmem:s8+$0x30]  }
0x12c: {  	v7 =	vmul.f32 $8.000000000e+00, v8;
	[tilespmem:s2+$0xA0] =	vst v3;
	v2 =	vld [tilespmem:s8+$0x70]  }
0x12d: {  	[tilespmem:s2+$0xE0] =	vst v4;
	v3 =	vld [tilespmem:s8+$0xB0];
	v6 =	vmul.f32 $8.000000000e+00, v5  }
0x12e: {  	s6 =	sor.u32 $0x2, s22;
	s7 =	simm.s32 $0x0;
	[tilespmem:s2+$0xFFFFFF70] =	vst v7;
	v4 =	vld [tilespmem:s8+$0xF0];
	s8 =	simm.s32 $0x8CC0;
	v5 =	vmul.f32 $8.000000000e+00, v9  }
.LBB2_7:
0x12f: {  	v7 =	vld [tilespmem:s8+$0x100];
	s7 =	sadd.s32 $0xA, s7;
	[tilespmem:s2+$0xFFFFFFB0] =	vst v6;
	v0 =	vmul.f32 $8.000000000e+00, v0  }
0x130: {  	v6 =	vld [tilespmem:s8+$0xFFFFFF00];
	p2 =	slt.u32 s7, $0x28;
	[tilespmem:s2+$0xFFFFFEF0] =	vst v5;
	v1 =	vmul.f32 $8.000000000e+00, v1  }
0x131: {  	v5 =	vld [tilespmem:s8+$0xFFFFFF40];
	[tilespmem:s2+$0xFFFFFFF0] =	vst v0;
	v0 =	vmul.f32 $8.000000000e+00, v2  }
0x132: {  	v2 =	vld [tilespmem:s8+$0xFFFFFF80];
	[tilespmem:s2+$0x30] =	vst v1;
	v1 =	vmul.f32 $8.000000000e+00, v3  }
0x133: {  	v3 =	vld [tilespmem:s8+$0xFFFFFFC0];
	[tilespmem:s2+$0x70] =	vst v0;
	v0 =	vmul.f32 $8.000000000e+00, v4  }
0x134: {  	v4 =	vld [tilespmem:s8+$0x0];
	v7 =	vmul.f32 $8.000000000e+00, v7;
	[tilespmem:s2+$0xB0] =	vst v1  }
0x135: {  	v1 =	vmul.f32 $8.000000000e+00, v6;
	v6 =	vld [tilespmem:s8+$0x40];
	[tilespmem:s2+$0xF0] =	vst v0;
	s2 =	sadd.s32 $0x280, s2  }
0x136: {  	v0 =	vmul.f32 $8.000000000e+00, v5;
	v5 =	vld [tilespmem:s8+$0x80];
	[tilespmem:s2+$0x100] =	vst v7  }
0x137: {  	[tilespmem:s2+$0xFFFFFF00] =	vst v1;
	v1 =	vmul.f32 $8.000000000e+00, v2;
	v2 =	vld [tilespmem:s8+$0x110]  }
0x138: {  	[tilespmem:s2+$0xFFFFFF40] =	vst v0;
	v0 =	vmul.f32 $8.000000000e+00, v3;
	v3 =	vld [tilespmem:s8+$0xC0]  }
0x139: {  	v7 =	vld [tilespmem:s8+$0xFFFFFEC0];
	[tilespmem:s2+$0xFFFFFF80] =	vst v1;
	v1 =	vmul.f32 $8.000000000e+00, v4  }
0x13a: {  	v4 =	vld [tilespmem:s8+$0xFFFFFF10];
	[tilespmem:s2+$0xFFFFFFC0] =	vst v0;
	v0 =	vmul.f32 $8.000000000e+00, v6  }
0x13b: {  	v6 =	vld [tilespmem:s8+$0xFFFFFF50];
	[tilespmem:s2+$0x0] =	vst v1;
	v1 =	vmul.f32 $8.000000000e+00, v5  }
0x13c: {  	v5 =	vld [tilespmem:s8+$0xFFFFFF90];
	[tilespmem:s2+$0x40] =	vst v0;
	v0 =	vmul.f32 $8.000000000e+00, v2  }
0x13d: {  	v2 =	vld [tilespmem:s8+$0xFFFFFFD0];
	[tilespmem:s2+$0x80] =	vst v1;
	v1 =	vmul.f32 $8.000000000e+00, v3  }
0x13e: {  	v3 =	vmul.f32 $8.000000000e+00, v7;
	v7 =	vld [tilespmem:s8+$0x10];
	[tilespmem:s2+$0x110] =	vst v0  }
0x13f: {  	v0 =	vmul.f32 $8.000000000e+00, v4;
	[tilespmem:s2+$0xC0] =	vst v1;
	v1 =	vld [tilespmem:s8+$0x120]  }
0x140: {  	[tilespmem:s2+$0xFFFFFEC0] =	vst v3;
	v3 =	vmul.f32 $8.000000000e+00, v6;
	v4 =	vld [tilespmem:s8+$0x50]  }
0x141: {  	v6 =	vld [tilespmem:s8+$0xFFFFFED0];
	[tilespmem:s2+$0xFFFFFF10] =	vst v0;
	v0 =	vmul.f32 $8.000000000e+00, v5  }
0x142: {  	[tilespmem:s2+$0xFFFFFF50] =	vst v3;
	v2 =	vmul.f32 $8.000000000e+00, v2;
	v3 =	vld [tilespmem:s8+$0x90]  }
0x143: {  	[tilespmem:s2+$0xFFFFFF90] =	vst v0;
	v0 =	vmul.f32 $8.000000000e+00, v7;
	v5 =	vld [tilespmem:s8+$0xD0]  }
0x144: {  	v7 =	vld [tilespmem:s8+$0xFFFFFF20];
	[tilespmem:s2+$0xFFFFFFD0] =	vst v2;
	v1 =	vmul.f32 $8.000000000e+00, v1  }
0x145: {  	v2 =	vld [tilespmem:s8+$0xFFFFFF60];
	[tilespmem:s2+$0x10] =	vst v0;
	v0 =	vmul.f32 $8.000000000e+00, v4  }
0x146: {  	v4 =	vmul.f32 $8.000000000e+00, v6;
	v6 =	vld [tilespmem:s8+$0xFFFFFFA0];
	[tilespmem:s2+$0x120] =	vst v1  }
0x147: {  	[tilespmem:s2+$0x50] =	vst v0;
	v0 =	vmul.f32 $8.000000000e+00, v3;
	v1 =	vld [tilespmem:s8+$0x130]  }
0x148: {  	[tilespmem:s2+$0xFFFFFED0] =	vst v4;
	v3 =	vld [tilespmem:s8+$0xFFFFFFE0];
	v4 =	vmul.f32 $8.000000000e+00, v5  }
0x149: {  	v5 =	vld [tilespmem:s8+$0xFFFFFEE0];
	v7 =	vmul.f32 $8.000000000e+00, v7;
	[tilespmem:s2+$0x90] =	vst v0  }
0x14a: {  	v0 =	vmul.f32 $8.000000000e+00, v2;
	v2 =	vld [tilespmem:s8+$0x20];
	[tilespmem:s2+$0xD0] =	vst v4  }
0x14b: {  	[tilespmem:s2+$0xFFFFFF20] =	vst v7;
	v4 =	vmul.f32 $8.000000000e+00, v6;
	v6 =	vld [tilespmem:s8+$0x60]  }
0x14c: {  	[tilespmem:s2+$0xFFFFFF60] =	vst v0;
	v0 =	vld [tilespmem:s8+$0xA0];
	v1 =	vmul.f32 $8.000000000e+00, v1  }
0x14d: {  	[tilespmem:s2+$0xFFFFFFA0] =	vst v4;
	v3 =	vmul.f32 $8.000000000e+00, v3;
	v4 =	vld [tilespmem:s8+$0xE0]  }
0x14e: {  	v5 =	vmul.f32 $8.000000000e+00, v5;
	v7 =	vld [tilespmem:s8+$0xFFFFFF30];
	[tilespmem:s2+$0x130] =	vst v1  }
0x14f: {  	v8 =	vld [tilespmem:s8+$0xFFFFFF70];
	[tilespmem:s2+$0xFFFFFFE0] =	vst v3;
	v1 =	vmul.f32 $8.000000000e+00, v2  }
0x150: {  	[tilespmem:s2+$0xFFFFFEE0] =	vst v5;
	v3 =	vld [tilespmem:s8+$0xFFFFFFB0];
	v2 =	vmul.f32 $8.000000000e+00, v6  }
0x151: {  	v5 =	vld [tilespmem:s8+$0xFFFFFEF0];
	[tilespmem:s2+$0x20] =	vst v1;
	v6 =	vmul.f32 $8.000000000e+00, v0  }
.Ltmp4:
0x152: {  	v0 =	vld [tilespmem:s8+$0xFFFFFFF0];
	[tilespmem:s2+$0x60] =	vst v2;
	v4 =	vmul.f32 $8.000000000e+00, v4;
	(pc) =	sbr.rel @p2 .LBB2_7-.Ltmp4, $4  }
0x153: {  	v7 =	vmul.f32 $8.000000000e+00, v7;
	v1 =	vld [tilespmem:s8+$0x30];
	[tilespmem:s2+$0xA0] =	vst v6  }
0x154: {  	v8 =	vmul.f32 $8.000000000e+00, v8;
	v2 =	vld [tilespmem:s8+$0x70];
	[tilespmem:s2+$0xE0] =	vst v4  }
0x155: {  	[tilespmem:s2+$0xFFFFFF30] =	vst v7;
	v6 =	vmul.f32 $8.000000000e+00, v3;
	v3 =	vld [tilespmem:s8+$0xB0]  }
0x156: {  	v5 =	vmul.f32 $8.000000000e+00, v5;
	[tilespmem:s2+$0xFFFFFF70] =	vst v8;
	v4 =	vld [tilespmem:s8+$0xF0];
	s8 =	sadd.s32 $0x280, s8  }
0x157: {  	[tilespmem:s2+$0xFFFFFFB0] =	vst v6;
	v0 =	vmul.f32 $8.000000000e+00, v0  }
0x158: {  	[tilespmem:s2+$0xFFFFFEF0] =	vst v5;
	v1 =	vmul.f32 $8.000000000e+00, v1  }
0x159: {  	[tilespmem:s2+$0xFFFFFFF0] =	vst v0;
	v0 =	vmul.f32 $8.000000000e+00, v2  }
0x15a: {  	s6 =	sadd.s32 s3, s6;
	[tilespmem:s2+$0x30] =	vst v1;
	v1 =	vmul.f32 $8.000000000e+00, v3  }
0x15b: {  	s6 =	smul.u32 $0x380, s6;
	[tilespmem:s2+$0x70] =	vst v0;
	v0 =	vmul.f32 $8.000000000e+00, v4  }
0x15c: {  	[tilespmem:s2+$0xB0] =	vst v1  }
0x15d: {  	s8 =	sadd.s32 s5, s6;
	[tilespmem:s2+$0xF0] =	vst v0  }
0x15e: {  	[hbm4b:s8+s26] =	stream.strided.scatter [tilespmem:s0], [sflag:$0xB], $0xC80, s28, s26, $0x38;
	[tilespmem:$0x13800] =	vst v63  }
0x15f: {  	s7 =	simm.s32 @!p1 $0x8900;
	s6 =	simm.s32 @!p1 $0x32;
	s2 =	sadd.s32 @!p1 $0x230, s23  }
0x160: {  	[tilespmem:s7], [sflag:$0x3] =	stream.indirect.gather @!p1 [hbm4b:s4+s6], $0x40, s2, s6, $0xb8;
	[tilespmem:$0x13800] =	vst v63  }
0x161: {  	_ =	swait.ge [sflag:s10], $0xC80  }
0x162: {  	[sflag:s10] =	ssyncset.done $0x0  }
0x163: {  	s2 =	simm.s32 @!p0 $0xC;
	[sflag:s10] =	ssyncadd.s32 $0xFFFFF380  }
0x164: {  	_ =	swait.ge @!p0 [sflag:s2], $0xC80  }
0x165: {  	[sflag:s2] =	ssyncset.done @!p0 $0x0  }
0x166: {  	s8 =	simm.s32 $0x96C0;
	[sflag:s2] =	ssyncadd.s32 @!p0 $0xFFFFF380  }
0x167: {  	v0 =	vld [tilespmem:s8+$0x100]  }
0x168: {  	v1 =	vld [tilespmem:s8+$0xFFFFFF00]  }
0x169: {  	v2 =	vld [tilespmem:s8+$0xFFFFFF40]  }
0x16a: {  	v3 =	vld [tilespmem:s8+$0xFFFFFF80]  }
0x16b: {  	v4 =	vld [tilespmem:s8+$0xFFFFFFC0]  }
0x16c: {  	v5 =	vld [tilespmem:s8+$0x0];
	v0 =	vmul.f32 $8.000000000e+00, v0  }
0x16d: {  	s2 =	simm.s32 $0xFAC0;
	v6 =	vld [tilespmem:s8+$0x40];
	v1 =	vmul.f32 $8.000000000e+00, v1  }
0x16e: {  	v7 =	vld [tilespmem:s8+$0x80];
	v2 =	vmul.f32 $8.000000000e+00, v2;
	[tilespmem:s2+$0x100] =	vst v0  }
0x16f: {  	[tilespmem:s2+$0xFFFFFF00] =	vst v1;
	v0 =	vmul.f32 $8.000000000e+00, v3;
	v1 =	vld [tilespmem:s8+$0x110]  }
0x170: {  	[tilespmem:s2+$0xFFFFFF40] =	vst v2;
	v2 =	vmul.f32 $8.000000000e+00, v4;
	v3 =	vld [tilespmem:s8+$0xC0]  }
0x171: {  	v4 =	vld [tilespmem:s8+$0xFFFFFEC0];
	[tilespmem:s2+$0xFFFFFF80] =	vst v0;
	v0 =	vmul.f32 $8.000000000e+00, v5  }
0x172: {  	v5 =	vld [tilespmem:s8+$0xFFFFFF10];
	[tilespmem:s2+$0xFFFFFFC0] =	vst v2;
	v2 =	vmul.f32 $8.000000000e+00, v6  }
0x173: {  	v6 =	vld [tilespmem:s8+$0xFFFFFF50];
	[tilespmem:s2+$0x0] =	vst v0;
	v0 =	vmul.f32 $8.000000000e+00, v7  }
0x174: {  	v7 =	vld [tilespmem:s8+$0xFFFFFF90];
	[tilespmem:s2+$0x40] =	vst v2;
	v1 =	vmul.f32 $8.000000000e+00, v1  }
0x175: {  	v2 =	vld [tilespmem:s8+$0xFFFFFFD0];
	[tilespmem:s2+$0x80] =	vst v0;
	v0 =	vmul.f32 $8.000000000e+00, v3  }
0x176: {  	v3 =	vmul.f32 $8.000000000e+00, v4;
	v4 =	vld [tilespmem:s8+$0x10];
	[tilespmem:s2+$0x110] =	vst v1  }
0x177: {  	v1 =	vmul.f32 $8.000000000e+00, v5;
	[tilespmem:s2+$0xC0] =	vst v0;
	v0 =	vld [tilespmem:s8+$0x120]  }
0x178: {  	[tilespmem:s2+$0xFFFFFEC0] =	vst v3;
	v3 =	vmul.f32 $8.000000000e+00, v6;
	v5 =	vld [tilespmem:s8+$0x50]  }
0x179: {  	v6 =	vld [tilespmem:s8+$0xFFFFFED0];
	[tilespmem:s2+$0xFFFFFF10] =	vst v1;
	v1 =	vmul.f32 $8.000000000e+00, v7  }
0x17a: {  	v2 =	vmul.f32 $8.000000000e+00, v2;
	[tilespmem:s2+$0xFFFFFF50] =	vst v3;
	v3 =	vld [tilespmem:s8+$0x90]  }
0x17b: {  	v7 =	vld [tilespmem:s8+$0xFFFFFF20];
	[tilespmem:s2+$0xFFFFFF90] =	vst v1;
	v1 =	vmul.f32 $8.000000000e+00, v4  }
0x17c: {  	[tilespmem:s2+$0xFFFFFFD0] =	vst v2;
	v4 =	vld [tilespmem:s8+$0xD0];
	v0 =	vmul.f32 $8.000000000e+00, v0  }
0x17d: {  	v2 =	vld [tilespmem:s8+$0xFFFFFF60];
	[tilespmem:s2+$0x10] =	vst v1;
	v1 =	vmul.f32 $8.000000000e+00, v5  }
0x17e: {  	v5 =	vmul.f32 $8.000000000e+00, v6;
	v6 =	vld [tilespmem:s8+$0xFFFFFFA0];
	[tilespmem:s2+$0x120] =	vst v0  }
0x17f: {  	[tilespmem:s2+$0x50] =	vst v1;
	v0 =	vmul.f32 $8.000000000e+00, v3;
	v3 =	vld [tilespmem:s8+$0xFFFFFFE0]  }
0x180: {  	[tilespmem:s2+$0xFFFFFED0] =	vst v5;
	v7 =	vmul.f32 $8.000000000e+00, v7;
	v1 =	vld [tilespmem:s8+$0x130]  }
0x181: {  	v4 =	vmul.f32 $8.000000000e+00, v4;
	v5 =	vld [tilespmem:s8+$0xFFFFFEE0];
	[tilespmem:s2+$0x90] =	vst v0  }
0x182: {  	v0 =	vmul.f32 $8.000000000e+00, v2;
	v2 =	vld [tilespmem:s8+$0x20];
	[tilespmem:s2+$0xFFFFFF20] =	vst v7  }
0x183: {  	[tilespmem:s2+$0xD0] =	vst v4;
	v4 =	vmul.f32 $8.000000000e+00, v6;
	v6 =	vld [tilespmem:s8+$0x60]  }
0x184: {  	v7 =	vld [tilespmem:s8+$0xFFFFFF30];
	[tilespmem:s2+$0xFFFFFF60] =	vst v0;
	v3 =	vmul.f32 $8.000000000e+00, v3  }
0x185: {  	v0 =	vld [tilespmem:s8+$0xA0];
	[tilespmem:s2+$0xFFFFFFA0] =	vst v4;
	v1 =	vmul.f32 $8.000000000e+00, v1  }
0x186: {  	v4 =	vld [tilespmem:s8+$0xE0];
	v5 =	vmul.f32 $8.000000000e+00, v5;
	[tilespmem:s2+$0xFFFFFFE0] =	vst v3  }
0x187: {  	v8 =	vld [tilespmem:s8+$0xFFFFFF70];
	[tilespmem:s2+$0x130] =	vst v1;
	v1 =	vmul.f32 $8.000000000e+00, v2  }
0x188: {  	[tilespmem:s2+$0xFFFFFEE0] =	vst v5;
	v5 =	vld [tilespmem:s8+$0xFFFFFFB0];
	v2 =	vmul.f32 $8.000000000e+00, v6  }
0x189: {  	v6 =	vmul.f32 $8.000000000e+00, v7;
	v9 =	vld [tilespmem:s8+$0xFFFFFEF0];
	[tilespmem:s2+$0x20] =	vst v1  }
0x18a: {  	v3 =	vmul.f32 $8.000000000e+00, v0;
	v0 =	vld [tilespmem:s8+$0xFFFFFFF0];
	[tilespmem:s2+$0x60] =	vst v2  }
0x18b: {  	v4 =	vmul.f32 $8.000000000e+00, v4;
	[tilespmem:s2+$0xFFFFFF30] =	vst v6;
	v1 =	vld [tilespmem:s8+$0x30]  }
0x18c: {  	v7 =	vmul.f32 $8.000000000e+00, v8;
	[tilespmem:s2+$0xA0] =	vst v3;
	v2 =	vld [tilespmem:s8+$0x70]  }
0x18d: {  	[tilespmem:s2+$0xE0] =	vst v4;
	v3 =	vld [tilespmem:s8+$0xB0];
	v6 =	vmul.f32 $8.000000000e+00, v5  }
0x18e: {  	s6 =	sor.u32 $0x3, s22;
	s7 =	simm.s32 $0x0;
	[tilespmem:s2+$0xFFFFFF70] =	vst v7;
	v4 =	vld [tilespmem:s8+$0xF0];
	s8 =	simm.s32 $0x9940;
	v5 =	vmul.f32 $8.000000000e+00, v9  }
.LBB2_9:
0x18f: {  	v7 =	vld [tilespmem:s8+$0x100];
	s7 =	sadd.s32 $0xA, s7;
	[tilespmem:s2+$0xFFFFFFB0] =	vst v6;
	v0 =	vmul.f32 $8.000000000e+00, v0  }
0x190: {  	v6 =	vld [tilespmem:s8+$0xFFFFFF00];
	p2 =	slt.u32 s7, $0x28;
	[tilespmem:s2+$0xFFFFFEF0] =	vst v5;
	v1 =	vmul.f32 $8.000000000e+00, v1  }
0x191: {  	v5 =	vld [tilespmem:s8+$0xFFFFFF40];
	[tilespmem:s2+$0xFFFFFFF0] =	vst v0;
	v0 =	vmul.f32 $8.000000000e+00, v2  }
0x192: {  	v2 =	vld [tilespmem:s8+$0xFFFFFF80];
	[tilespmem:s2+$0x30] =	vst v1;
	v1 =	vmul.f32 $8.000000000e+00, v3  }
0x193: {  	v3 =	vld [tilespmem:s8+$0xFFFFFFC0];
	[tilespmem:s2+$0x70] =	vst v0;
	v0 =	vmul.f32 $8.000000000e+00, v4  }
0x194: {  	v4 =	vld [tilespmem:s8+$0x0];
	v7 =	vmul.f32 $8.000000000e+00, v7;
	[tilespmem:s2+$0xB0] =	vst v1  }
0x195: {  	v1 =	vmul.f32 $8.000000000e+00, v6;
	v6 =	vld [tilespmem:s8+$0x40];
	[tilespmem:s2+$0xF0] =	vst v0;
	s2 =	sadd.s32 $0x280, s2  }
0x196: {  	v0 =	vmul.f32 $8.000000000e+00, v5;
	v5 =	vld [tilespmem:s8+$0x80];
	[tilespmem:s2+$0x100] =	vst v7  }
0x197: {  	[tilespmem:s2+$0xFFFFFF00] =	vst v1;
	v1 =	vmul.f32 $8.000000000e+00, v2;
	v2 =	vld [tilespmem:s8+$0x110]  }
0x198: {  	[tilespmem:s2+$0xFFFFFF40] =	vst v0;
	v0 =	vmul.f32 $8.000000000e+00, v3;
	v3 =	vld [tilespmem:s8+$0xC0]  }
0x199: {  	v7 =	vld [tilespmem:s8+$0xFFFFFEC0];
	[tilespmem:s2+$0xFFFFFF80] =	vst v1;
	v1 =	vmul.f32 $8.000000000e+00, v4  }
0x19a: {  	v4 =	vld [tilespmem:s8+$0xFFFFFF10];
	[tilespmem:s2+$0xFFFFFFC0] =	vst v0;
	v0 =	vmul.f32 $8.000000000e+00, v6  }
0x19b: {  	v6 =	vld [tilespmem:s8+$0xFFFFFF50];
	[tilespmem:s2+$0x0] =	vst v1;
	v1 =	vmul.f32 $8.000000000e+00, v5  }
0x19c: {  	v5 =	vld [tilespmem:s8+$0xFFFFFF90];
	[tilespmem:s2+$0x40] =	vst v0;
	v0 =	vmul.f32 $8.000000000e+00, v2  }
0x19d: {  	v2 =	vld [tilespmem:s8+$0xFFFFFFD0];
	[tilespmem:s2+$0x80] =	vst v1;
	v1 =	vmul.f32 $8.000000000e+00, v3  }
0x19e: {  	v3 =	vmul.f32 $8.000000000e+00, v7;
	v7 =	vld [tilespmem:s8+$0x10];
	[tilespmem:s2+$0x110] =	vst v0  }
0x19f: {  	v0 =	vmul.f32 $8.000000000e+00, v4;
	[tilespmem:s2+$0xC0] =	vst v1;
	v1 =	vld [tilespmem:s8+$0x120]  }
0x1a0: {  	[tilespmem:s2+$0xFFFFFEC0] =	vst v3;
	v3 =	vmul.f32 $8.000000000e+00, v6;
	v4 =	vld [tilespmem:s8+$0x50]  }
0x1a1: {  	v6 =	vld [tilespmem:s8+$0xFFFFFED0];
	[tilespmem:s2+$0xFFFFFF10] =	vst v0;
	v0 =	vmul.f32 $8.000000000e+00, v5  }
0x1a2: {  	[tilespmem:s2+$0xFFFFFF50] =	vst v3;
	v2 =	vmul.f32 $8.000000000e+00, v2;
	v3 =	vld [tilespmem:s8+$0x90]  }
0x1a3: {  	[tilespmem:s2+$0xFFFFFF90] =	vst v0;
	v0 =	vmul.f32 $8.000000000e+00, v7;
	v5 =	vld [tilespmem:s8+$0xD0]  }
0x1a4: {  	v7 =	vld [tilespmem:s8+$0xFFFFFF20];
	[tilespmem:s2+$0xFFFFFFD0] =	vst v2;
	v1 =	vmul.f32 $8.000000000e+00, v1  }
0x1a5: {  	v2 =	vld [tilespmem:s8+$0xFFFFFF60];
	[tilespmem:s2+$0x10] =	vst v0;
	v0 =	vmul.f32 $8.000000000e+00, v4  }
0x1a6: {  	v4 =	vmul.f32 $8.000000000e+00, v6;
	v6 =	vld [tilespmem:s8+$0xFFFFFFA0];
	[tilespmem:s2+$0x120] =	vst v1  }
0x1a7: {  	[tilespmem:s2+$0x50] =	vst v0;
	v0 =	vmul.f32 $8.000000000e+00, v3;
	v1 =	vld [tilespmem:s8+$0x130]  }
0x1a8: {  	[tilespmem:s2+$0xFFFFFED0] =	vst v4;
	v3 =	vld [tilespmem:s8+$0xFFFFFFE0];
	v4 =	vmul.f32 $8.000000000e+00, v5  }
0x1a9: {  	v5 =	vld [tilespmem:s8+$0xFFFFFEE0];
	v7 =	vmul.f32 $8.000000000e+00, v7;
	[tilespmem:s2+$0x90] =	vst v0  }
0x1aa: {  	v0 =	vmul.f32 $8.000000000e+00, v2;
	v2 =	vld [tilespmem:s8+$0x20];
	[tilespmem:s2+$0xD0] =	vst v4  }
0x1ab: {  	[tilespmem:s2+$0xFFFFFF20] =	vst v7;
	v4 =	vmul.f32 $8.000000000e+00, v6;
	v6 =	vld [tilespmem:s8+$0x60]  }
0x1ac: {  	[tilespmem:s2+$0xFFFFFF60] =	vst v0;
	v0 =	vld [tilespmem:s8+$0xA0];
	v1 =	vmul.f32 $8.000000000e+00, v1  }
0x1ad: {  	[tilespmem:s2+$0xFFFFFFA0] =	vst v4;
	v3 =	vmul.f32 $8.000000000e+00, v3;
	v4 =	vld [tilespmem:s8+$0xE0]  }
0x1ae: {  	v5 =	vmul.f32 $8.000000000e+00, v5;
	v7 =	vld [tilespmem:s8+$0xFFFFFF30];
	[tilespmem:s2+$0x130] =	vst v1  }
0x1af: {  	v8 =	vld [tilespmem:s8+$0xFFFFFF70];
	[tilespmem:s2+$0xFFFFFFE0] =	vst v3;
	v1 =	vmul.f32 $8.000000000e+00, v2  }
0x1b0: {  	[tilespmem:s2+$0xFFFFFEE0] =	vst v5;
	v3 =	vld [tilespmem:s8+$0xFFFFFFB0];
	v2 =	vmul.f32 $8.000000000e+00, v6  }
0x1b1: {  	v5 =	vld [tilespmem:s8+$0xFFFFFEF0];
	[tilespmem:s2+$0x20] =	vst v1;
	v6 =	vmul.f32 $8.000000000e+00, v0  }
.Ltmp5:
0x1b2: {  	v0 =	vld [tilespmem:s8+$0xFFFFFFF0];
	[tilespmem:s2+$0x60] =	vst v2;
	v4 =	vmul.f32 $8.000000000e+00, v4;
	(pc) =	sbr.rel @p2 .LBB2_9-.Ltmp5, $4  }
0x1b3: {  	v7 =	vmul.f32 $8.000000000e+00, v7;
	v1 =	vld [tilespmem:s8+$0x30];
	[tilespmem:s2+$0xA0] =	vst v6  }
0x1b4: {  	v8 =	vmul.f32 $8.000000000e+00, v8;
	v2 =	vld [tilespmem:s8+$0x70];
	[tilespmem:s2+$0xE0] =	vst v4  }
0x1b5: {  	[tilespmem:s2+$0xFFFFFF30] =	vst v7;
	v6 =	vmul.f32 $8.000000000e+00, v3;
	v3 =	vld [tilespmem:s8+$0xB0]  }
0x1b6: {  	v5 =	vmul.f32 $8.000000000e+00, v5;
	[tilespmem:s2+$0xFFFFFF70] =	vst v8;
	v4 =	vld [tilespmem:s8+$0xF0];
	s8 =	sadd.s32 $0x280, s8  }
0x1b7: {  	[tilespmem:s2+$0xFFFFFFB0] =	vst v6;
	v0 =	vmul.f32 $8.000000000e+00, v0  }
0x1b8: {  	[tilespmem:s2+$0xFFFFFEF0] =	vst v5;
	v1 =	vmul.f32 $8.000000000e+00, v1  }
0x1b9: {  	[tilespmem:s2+$0xFFFFFFF0] =	vst v0;
	v0 =	vmul.f32 $8.000000000e+00, v2  }
0x1ba: {  	s6 =	sadd.s32 s3, s6;
	[tilespmem:s2+$0x30] =	vst v1;
	v1 =	vmul.f32 $8.000000000e+00, v3  }
0x1bb: {  	s6 =	smul.u32 $0x380, s6;
	[tilespmem:s2+$0x70] =	vst v0;
	v0 =	vmul.f32 $8.000000000e+00, v4  }
0x1bc: {  	[tilespmem:s2+$0xB0] =	vst v1  }
0x1bd: {  	s8 =	sadd.s32 s5, s6;
	[tilespmem:s2+$0xF0] =	vst v0  }
0x1be: {  	[hbm4b:s8+s26] =	stream.strided.scatter [tilespmem:s11], [sflag:$0xC], $0xC80, s28, s26, $0x38;
	[tilespmem:$0x13800] =	vst v63  }
0x1bf: {  	s7 =	simm.s32 @!p1 $0x9580;
	s6 =	simm.s32 @!p1 $0x32;
	s2 =	sadd.s32 @!p1 $0x268, s23  }
0x1c0: {  	[tilespmem:s7], [sflag:$0x4] =	stream.indirect.gather @!p1 [hbm4b:s4+s6], $0x40, s2, s6, $0xb8;
	[tilespmem:$0x13800] =	vst v63  }
0x1c1: {  	_ =	swait.ge [sflag:s12], $0xC80  }
0x1c2: {  	[sflag:s12] =	ssyncset.done $0x0  }
0x1c3: {  	s2 =	simm.s32 @!p0 $0xD;
	[sflag:s12] =	ssyncadd.s32 $0xFFFFF380  }
0x1c4: {  	_ =	swait.ge @!p0 [sflag:s2], $0xC80  }
0x1c5: {  	[sflag:s2] =	ssyncset.done @!p0 $0x0  }
0x1c6: {  	s8 =	simm.s32 $0xA340;
	[sflag:s2] =	ssyncadd.s32 @!p0 $0xFFFFF380  }
0x1c7: {  	v0 =	vld [tilespmem:s8+$0x100]  }
0x1c8: {  	v1 =	vld [tilespmem:s8+$0xFFFFFF00]  }
0x1c9: {  	v2 =	vld [tilespmem:s8+$0xFFFFFF40]  }
0x1ca: {  	v3 =	vld [tilespmem:s8+$0xFFFFFF80]  }
0x1cb: {  	v4 =	vld [tilespmem:s8+$0xFFFFFFC0]  }
0x1cc: {  	v5 =	vld [tilespmem:s8+$0x0];
	v0 =	vmul.f32 $8.000000000e+00, v0  }
0x1cd: {  	s2 =	simm.s32 $0x10740;
	v6 =	vld [tilespmem:s8+$0x40];
	v1 =	vmul.f32 $8.000000000e+00, v1  }
0x1ce: {  	v7 =	vld [tilespmem:s8+$0x80];
	v2 =	vmul.f32 $8.000000000e+00, v2;
	[tilespmem:s2+$0x100] =	vst v0  }
0x1cf: {  	[tilespmem:s2+$0xFFFFFF00] =	vst v1;
	v0 =	vmul.f32 $8.000000000e+00, v3;
	v1 =	vld [tilespmem:s8+$0x110]  }
0x1d0: {  	[tilespmem:s2+$0xFFFFFF40] =	vst v2;
	v2 =	vmul.f32 $8.000000000e+00, v4;
	v3 =	vld [tilespmem:s8+$0xC0]  }
0x1d1: {  	v4 =	vld [tilespmem:s8+$0xFFFFFEC0];
	[tilespmem:s2+$0xFFFFFF80] =	vst v0;
	v0 =	vmul.f32 $8.000000000e+00, v5  }
0x1d2: {  	v5 =	vld [tilespmem:s8+$0xFFFFFF10];
	[tilespmem:s2+$0xFFFFFFC0] =	vst v2;
	v2 =	vmul.f32 $8.000000000e+00, v6  }
0x1d3: {  	v6 =	vld [tilespmem:s8+$0xFFFFFF50];
	[tilespmem:s2+$0x0] =	vst v0;
	v0 =	vmul.f32 $8.000000000e+00, v7  }
0x1d4: {  	v7 =	vld [tilespmem:s8+$0xFFFFFF90];
	[tilespmem:s2+$0x40] =	vst v2;
	v1 =	vmul.f32 $8.000000000e+00, v1  }
0x1d5: {  	v2 =	vld [tilespmem:s8+$0xFFFFFFD0];
	[tilespmem:s2+$0x80] =	vst v0;
	v0 =	vmul.f32 $8.000000000e+00, v3  }
0x1d6: {  	v3 =	vmul.f32 $8.000000000e+00, v4;
	v4 =	vld [tilespmem:s8+$0x10];
	[tilespmem:s2+$0x110] =	vst v1  }
0x1d7: {  	v1 =	vmul.f32 $8.000000000e+00, v5;
	[tilespmem:s2+$0xC0] =	vst v0;
	v0 =	vld [tilespmem:s8+$0x120]  }
0x1d8: {  	[tilespmem:s2+$0xFFFFFEC0] =	vst v3;
	v3 =	vmul.f32 $8.000000000e+00, v6;
	v5 =	vld [tilespmem:s8+$0x50]  }
0x1d9: {  	v6 =	vld [tilespmem:s8+$0xFFFFFED0];
	[tilespmem:s2+$0xFFFFFF10] =	vst v1;
	v1 =	vmul.f32 $8.000000000e+00, v7  }
0x1da: {  	v2 =	vmul.f32 $8.000000000e+00, v2;
	[tilespmem:s2+$0xFFFFFF50] =	vst v3;
	v3 =	vld [tilespmem:s8+$0x90]  }
0x1db: {  	v7 =	vld [tilespmem:s8+$0xFFFFFF20];
	[tilespmem:s2+$0xFFFFFF90] =	vst v1;
	v1 =	vmul.f32 $8.000000000e+00, v4  }
0x1dc: {  	[tilespmem:s2+$0xFFFFFFD0] =	vst v2;
	v4 =	vld [tilespmem:s8+$0xD0];
	v0 =	vmul.f32 $8.000000000e+00, v0  }
0x1dd: {  	v2 =	vld [tilespmem:s8+$0xFFFFFF60];
	[tilespmem:s2+$0x10] =	vst v1;
	v1 =	vmul.f32 $8.000000000e+00, v5  }
0x1de: {  	v5 =	vmul.f32 $8.000000000e+00, v6;
	v6 =	vld [tilespmem:s8+$0xFFFFFFA0];
	[tilespmem:s2+$0x120] =	vst v0  }
0x1df: {  	[tilespmem:s2+$0x50] =	vst v1;
	v0 =	vmul.f32 $8.000000000e+00, v3;
	v3 =	vld [tilespmem:s8+$0xFFFFFFE0]  }
0x1e0: {  	[tilespmem:s2+$0xFFFFFED0] =	vst v5;
	v7 =	vmul.f32 $8.000000000e+00, v7;
	v1 =	vld [tilespmem:s8+$0x130]  }
0x1e1: {  	v4 =	vmul.f32 $8.000000000e+00, v4;
	v5 =	vld [tilespmem:s8+$0xFFFFFEE0];
	[tilespmem:s2+$0x90] =	vst v0  }
0x1e2: {  	v0 =	vmul.f32 $8.000000000e+00, v2;
	v2 =	vld [tilespmem:s8+$0x20];
	[tilespmem:s2+$0xFFFFFF20] =	vst v7  }
0x1e3: {  	[tilespmem:s2+$0xD0] =	vst v4;
	v4 =	vmul.f32 $8.000000000e+00, v6;
	v6 =	vld [tilespmem:s8+$0x60]  }
0x1e4: {  	v7 =	vld [tilespmem:s8+$0xFFFFFF30];
	[tilespmem:s2+$0xFFFFFF60] =	vst v0;
	v3 =	vmul.f32 $8.000000000e+00, v3  }
0x1e5: {  	v0 =	vld [tilespmem:s8+$0xA0];
	[tilespmem:s2+$0xFFFFFFA0] =	vst v4;
	v1 =	vmul.f32 $8.000000000e+00, v1  }
0x1e6: {  	v4 =	vld [tilespmem:s8+$0xE0];
	v5 =	vmul.f32 $8.000000000e+00, v5;
	[tilespmem:s2+$0xFFFFFFE0] =	vst v3  }
0x1e7: {  	v8 =	vld [tilespmem:s8+$0xFFFFFF70];
	[tilespmem:s2+$0x130] =	vst v1;
	v1 =	vmul.f32 $8.000000000e+00, v2  }
0x1e8: {  	[tilespmem:s2+$0xFFFFFEE0] =	vst v5;
	v5 =	vld [tilespmem:s8+$0xFFFFFFB0];
	v2 =	vmul.f32 $8.000000000e+00, v6  }
0x1e9: {  	v6 =	vmul.f32 $8.000000000e+00, v7;
	v9 =	vld [tilespmem:s8+$0xFFFFFEF0];
	[tilespmem:s2+$0x20] =	vst v1  }
0x1ea: {  	v3 =	vmul.f32 $8.000000000e+00, v0;
	v0 =	vld [tilespmem:s8+$0xFFFFFFF0];
	[tilespmem:s2+$0x60] =	vst v2  }
0x1eb: {  	v4 =	vmul.f32 $8.000000000e+00, v4;
	[tilespmem:s2+$0xFFFFFF30] =	vst v6;
	v1 =	vld [tilespmem:s8+$0x30]  }
0x1ec: {  	v7 =	vmul.f32 $8.000000000e+00, v8;
	[tilespmem:s2+$0xA0] =	vst v3;
	v2 =	vld [tilespmem:s8+$0x70]  }
0x1ed: {  	[tilespmem:s2+$0xE0] =	vst v4;
	v3 =	vld [tilespmem:s8+$0xB0];
	v6 =	vmul.f32 $8.000000000e+00, v5  }
0x1ee: {  	s6 =	sor.u32 $0x4, s22;
	s7 =	simm.s32 $0x0;
	[tilespmem:s2+$0xFFFFFF70] =	vst v7;
	v4 =	vld [tilespmem:s8+$0xF0];
	s8 =	simm.s32 $0xA5C0;
	v5 =	vmul.f32 $8.000000000e+00, v9  }
.LBB2_11:
0x1ef: {  	v7 =	vld [tilespmem:s8+$0x100];
	s7 =	sadd.s32 $0xA, s7;
	[tilespmem:s2+$0xFFFFFFB0] =	vst v6;
	v0 =	vmul.f32 $8.000000000e+00, v0  }
0x1f0: {  	v6 =	vld [tilespmem:s8+$0xFFFFFF00];
	p2 =	slt.u32 s7, $0x28;
	[tilespmem:s2+$0xFFFFFEF0] =	vst v5;
	v1 =	vmul.f32 $8.000000000e+00, v1  }
0x1f1: {  	v5 =	vld [tilespmem:s8+$0xFFFFFF40];
	[tilespmem:s2+$0xFFFFFFF0] =	vst v0;
	v0 =	vmul.f32 $8.000000000e+00, v2  }
0x1f2: {  	v2 =	vld [tilespmem:s8+$0xFFFFFF80];
	[tilespmem:s2+$0x30] =	vst v1;
	v1 =	vmul.f32 $8.000000000e+00, v3  }
0x1f3: {  	v3 =	vld [tilespmem:s8+$0xFFFFFFC0];
	[tilespmem:s2+$0x70] =	vst v0;
	v0 =	vmul.f32 $8.000000000e+00, v4  }
0x1f4: {  	v4 =	vld [tilespmem:s8+$0x0];
	v7 =	vmul.f32 $8.000000000e+00, v7;
	[tilespmem:s2+$0xB0] =	vst v1  }
0x1f5: {  	v1 =	vmul.f32 $8.000000000e+00, v6;
	v6 =	vld [tilespmem:s8+$0x40];
	[tilespmem:s2+$0xF0] =	vst v0;
	s2 =	sadd.s32 $0x280, s2  }
0x1f6: {  	v0 =	vmul.f32 $8.000000000e+00, v5;
	v5 =	vld [tilespmem:s8+$0x80];
	[tilespmem:s2+$0x100] =	vst v7  }
0x1f7: {  	[tilespmem:s2+$0xFFFFFF00] =	vst v1;
	v1 =	vmul.f32 $8.000000000e+00, v2;
	v2 =	vld [tilespmem:s8+$0x110]  }
0x1f8: {  	[tilespmem:s2+$0xFFFFFF40] =	vst v0;
	v0 =	vmul.f32 $8.000000000e+00, v3;
	v3 =	vld [tilespmem:s8+$0xC0]  }
0x1f9: {  	v7 =	vld [tilespmem:s8+$0xFFFFFEC0];
	[tilespmem:s2+$0xFFFFFF80] =	vst v1;
	v1 =	vmul.f32 $8.000000000e+00, v4  }
0x1fa: {  	v4 =	vld [tilespmem:s8+$0xFFFFFF10];
	[tilespmem:s2+$0xFFFFFFC0] =	vst v0;
	v0 =	vmul.f32 $8.000000000e+00, v6  }
0x1fb: {  	v6 =	vld [tilespmem:s8+$0xFFFFFF50];
	[tilespmem:s2+$0x0] =	vst v1;
	v1 =	vmul.f32 $8.000000000e+00, v5  }
0x1fc: {  	v5 =	vld [tilespmem:s8+$0xFFFFFF90];
	[tilespmem:s2+$0x40] =	vst v0;
	v0 =	vmul.f32 $8.000000000e+00, v2  }
0x1fd: {  	v2 =	vld [tilespmem:s8+$0xFFFFFFD0];
	[tilespmem:s2+$0x80] =	vst v1;
	v1 =	vmul.f32 $8.000000000e+00, v3  }
0x1fe: {  	v3 =	vmul.f32 $8.000000000e+00, v7;
	v7 =	vld [tilespmem:s8+$0x10];
	[tilespmem:s2+$0x110] =	vst v0  }
0x1ff: {  	v0 =	vmul.f32 $8.000000000e+00, v4;
	[tilespmem:s2+$0xC0] =	vst v1;
	v1 =	vld [tilespmem:s8+$0x120]  }
0x200: {  	[tilespmem:s2+$0xFFFFFEC0] =	vst v3;
	v3 =	vmul.f32 $8.000000000e+00, v6;
	v4 =	vld [tilespmem:s8+$0x50]  }
0x201: {  	v6 =	vld [tilespmem:s8+$0xFFFFFED0];
	[tilespmem:s2+$0xFFFFFF10] =	vst v0;
	v0 =	vmul.f32 $8.000000000e+00, v5  }
0x202: {  	[tilespmem:s2+$0xFFFFFF50] =	vst v3;
	v2 =	vmul.f32 $8.000000000e+00, v2;
	v3 =	vld [tilespmem:s8+$0x90]  }
0x203: {  	[tilespmem:s2+$0xFFFFFF90] =	vst v0;
	v0 =	vmul.f32 $8.000000000e+00, v7;
	v5 =	vld [tilespmem:s8+$0xD0]  }
0x204: {  	v7 =	vld [tilespmem:s8+$0xFFFFFF20];
	[tilespmem:s2+$0xFFFFFFD0] =	vst v2;
	v1 =	vmul.f32 $8.000000000e+00, v1  }
0x205: {  	v2 =	vld [tilespmem:s8+$0xFFFFFF60];
	[tilespmem:s2+$0x10] =	vst v0;
	v0 =	vmul.f32 $8.000000000e+00, v4  }
0x206: {  	v4 =	vmul.f32 $8.000000000e+00, v6;
	v6 =	vld [tilespmem:s8+$0xFFFFFFA0];
	[tilespmem:s2+$0x120] =	vst v1  }
0x207: {  	[tilespmem:s2+$0x50] =	vst v0;
	v0 =	vmul.f32 $8.000000000e+00, v3;
	v1 =	vld [tilespmem:s8+$0x130]  }
0x208: {  	[tilespmem:s2+$0xFFFFFED0] =	vst v4;
	v3 =	vld [tilespmem:s8+$0xFFFFFFE0];
	v4 =	vmul.f32 $8.000000000e+00, v5  }
0x209: {  	v5 =	vld [tilespmem:s8+$0xFFFFFEE0];
	v7 =	vmul.f32 $8.000000000e+00, v7;
	[tilespmem:s2+$0x90] =	vst v0  }
0x20a: {  	v0 =	vmul.f32 $8.000000000e+00, v2;
	v2 =	vld [tilespmem:s8+$0x20];
	[tilespmem:s2+$0xD0] =	vst v4  }
0x20b: {  	[tilespmem:s2+$0xFFFFFF20] =	vst v7;
	v4 =	vmul.f32 $8.000000000e+00, v6;
	v6 =	vld [tilespmem:s8+$0x60]  }
0x20c: {  	[tilespmem:s2+$0xFFFFFF60] =	vst v0;
	v0 =	vld [tilespmem:s8+$0xA0];
	v1 =	vmul.f32 $8.000000000e+00, v1  }
0x20d: {  	[tilespmem:s2+$0xFFFFFFA0] =	vst v4;
	v3 =	vmul.f32 $8.000000000e+00, v3;
	v4 =	vld [tilespmem:s8+$0xE0]  }
0x20e: {  	v5 =	vmul.f32 $8.000000000e+00, v5;
	v7 =	vld [tilespmem:s8+$0xFFFFFF30];
	[tilespmem:s2+$0x130] =	vst v1  }
0x20f: {  	v8 =	vld [tilespmem:s8+$0xFFFFFF70];
	[tilespmem:s2+$0xFFFFFFE0] =	vst v3;
	v1 =	vmul.f32 $8.000000000e+00, v2  }
0x210: {  	[tilespmem:s2+$0xFFFFFEE0] =	vst v5;
	v3 =	vld [tilespmem:s8+$0xFFFFFFB0];
	v2 =	vmul.f32 $8.000000000e+00, v6  }
0x211: {  	v5 =	vld [tilespmem:s8+$0xFFFFFEF0];
	[tilespmem:s2+$0x20] =	vst v1;
	v6 =	vmul.f32 $8.000000000e+00, v0  }
.Ltmp6:
0x212: {  	v0 =	vld [tilespmem:s8+$0xFFFFFFF0];
	[tilespmem:s2+$0x60] =	vst v2;
	v4 =	vmul.f32 $8.000000000e+00, v4;
	(pc) =	sbr.rel @p2 .LBB2_11-.Ltmp6, $4  }
0x213: {  	v7 =	vmul.f32 $8.000000000e+00, v7;
	v1 =	vld [tilespmem:s8+$0x30];
	[tilespmem:s2+$0xA0] =	vst v6  }
0x214: {  	v8 =	vmul.f32 $8.000000000e+00, v8;
	v2 =	vld [tilespmem:s8+$0x70];
	[tilespmem:s2+$0xE0] =	vst v4  }
0x215: {  	[tilespmem:s2+$0xFFFFFF30] =	vst v7;
	v6 =	vmul.f32 $8.000000000e+00, v3;
	v3 =	vld [tilespmem:s8+$0xB0]  }
0x216: {  	v5 =	vmul.f32 $8.000000000e+00, v5;
	[tilespmem:s2+$0xFFFFFF70] =	vst v8;
	v4 =	vld [tilespmem:s8+$0xF0];
	s8 =	sadd.s32 $0x280, s8  }
0x217: {  	[tilespmem:s2+$0xFFFFFFB0] =	vst v6;
	v0 =	vmul.f32 $8.000000000e+00, v0  }
0x218: {  	[tilespmem:s2+$0xFFFFFEF0] =	vst v5;
	v1 =	vmul.f32 $8.000000000e+00, v1  }
0x219: {  	[tilespmem:s2+$0xFFFFFFF0] =	vst v0;
	v0 =	vmul.f32 $8.000000000e+00, v2  }
0x21a: {  	s6 =	sadd.s32 s3, s6;
	[tilespmem:s2+$0x30] =	vst v1;
	v1 =	vmul.f32 $8.000000000e+00, v3  }
0x21b: {  	s6 =	smul.u32 $0x380, s6;
	[tilespmem:s2+$0x70] =	vst v0;
	v0 =	vmul.f32 $8.000000000e+00, v4  }
0x21c: {  	[tilespmem:s2+$0xB0] =	vst v1  }
0x21d: {  	s8 =	sadd.s32 s5, s6;
	[tilespmem:s2+$0xF0] =	vst v0  }
0x21e: {  	[hbm4b:s8+s26] =	stream.strided.scatter [tilespmem:s13], [sflag:$0xD], $0xC80, s28, s26, $0x38;
	[tilespmem:$0x13800] =	vst v63  }
0x21f: {  	s7 =	simm.s32 @!p1 $0xA200;
	s6 =	simm.s32 @!p1 $0x32;
	s2 =	sadd.s32 @!p1 $0x2A0, s23  }
0x220: {  	[tilespmem:s7], [sflag:$0x5] =	stream.indirect.gather @!p1 [hbm4b:s4+s6], $0x40, s2, s6, $0xb8;
	[tilespmem:$0x13800] =	vst v63  }
0x221: {  	_ =	swait.ge [sflag:s14], $0xC80  }
0x222: {  	[sflag:s14] =	ssyncset.done $0x0  }
0x223: {  	s2 =	simm.s32 @!p0 $0xE;
	[sflag:s14] =	ssyncadd.s32 $0xFFFFF380  }
0x224: {  	_ =	swait.ge @!p0 [sflag:s2], $0xC80  }
0x225: {  	[sflag:s2] =	ssyncset.done @!p0 $0x0  }
0x226: {  	s8 =	simm.s32 $0xAFC0;
	[sflag:s2] =	ssyncadd.s32 @!p0 $0xFFFFF380  }
0x227: {  	v0 =	vld [tilespmem:s8+$0x100]  }
0x228: {  	v1 =	vld [tilespmem:s8+$0xFFFFFF00]  }
0x229: {  	v2 =	vld [tilespmem:s8+$0xFFFFFF40]  }
0x22a: {  	v3 =	vld [tilespmem:s8+$0xFFFFFF80]  }
0x22b: {  	v4 =	vld [tilespmem:s8+$0xFFFFFFC0]  }
0x22c: {  	v5 =	vld [tilespmem:s8+$0x0];
	v0 =	vmul.f32 $8.000000000e+00, v0  }
0x22d: {  	s2 =	simm.s32 $0x113C0;
	v6 =	vld [tilespmem:s8+$0x40];
	v1 =	vmul.f32 $8.000000000e+00, v1  }
0x22e: {  	v7 =	vld [tilespmem:s8+$0x80];
	v2 =	vmul.f32 $8.000000000e+00, v2;
	[tilespmem:s2+$0x100] =	vst v0  }
0x22f: {  	[tilespmem:s2+$0xFFFFFF00] =	vst v1;
	v0 =	vmul.f32 $8.000000000e+00, v3;
	v1 =	vld [tilespmem:s8+$0x110]  }
0x230: {  	[tilespmem:s2+$0xFFFFFF40] =	vst v2;
	v2 =	vmul.f32 $8.000000000e+00, v4;
	v3 =	vld [tilespmem:s8+$0xC0]  }
0x231: {  	v4 =	vld [tilespmem:s8+$0xFFFFFEC0];
	[tilespmem:s2+$0xFFFFFF80] =	vst v0;
	v0 =	vmul.f32 $8.000000000e+00, v5  }
0x232: {  	v5 =	vld [tilespmem:s8+$0xFFFFFF10];
	[tilespmem:s2+$0xFFFFFFC0] =	vst v2;
	v2 =	vmul.f32 $8.000000000e+00, v6  }
0x233: {  	v6 =	vld [tilespmem:s8+$0xFFFFFF50];
	[tilespmem:s2+$0x0] =	vst v0;
	v0 =	vmul.f32 $8.000000000e+00, v7  }
0x234: {  	v7 =	vld [tilespmem:s8+$0xFFFFFF90];
	[tilespmem:s2+$0x40] =	vst v2;
	v1 =	vmul.f32 $8.000000000e+00, v1  }
0x235: {  	v2 =	vld [tilespmem:s8+$0xFFFFFFD0];
	[tilespmem:s2+$0x80] =	vst v0;
	v0 =	vmul.f32 $8.000000000e+00, v3  }
0x236: {  	v3 =	vmul.f32 $8.000000000e+00, v4;
	v4 =	vld [tilespmem:s8+$0x10];
	[tilespmem:s2+$0x110] =	vst v1  }
0x237: {  	v1 =	vmul.f32 $8.000000000e+00, v5;
	[tilespmem:s2+$0xC0] =	vst v0;
	v0 =	vld [tilespmem:s8+$0x120]  }
0x238: {  	[tilespmem:s2+$0xFFFFFEC0] =	vst v3;
	v3 =	vmul.f32 $8.000000000e+00, v6;
	v5 =	vld [tilespmem:s8+$0x50]  }
0x239: {  	v6 =	vld [tilespmem:s8+$0xFFFFFED0];
	[tilespmem:s2+$0xFFFFFF10] =	vst v1;
	v1 =	vmul.f32 $8.000000000e+00, v7  }
0x23a: {  	v2 =	vmul.f32 $8.000000000e+00, v2;
	[tilespmem:s2+$0xFFFFFF50] =	vst v3;
	v3 =	vld [tilespmem:s8+$0x90]  }
0x23b: {  	v7 =	vld [tilespmem:s8+$0xFFFFFF20];
	[tilespmem:s2+$0xFFFFFF90] =	vst v1;
	v1 =	vmul.f32 $8.000000000e+00, v4  }
0x23c: {  	[tilespmem:s2+$0xFFFFFFD0] =	vst v2;
	v4 =	vld [tilespmem:s8+$0xD0];
	v0 =	vmul.f32 $8.000000000e+00, v0  }
0x23d: {  	v2 =	vld [tilespmem:s8+$0xFFFFFF60];
	[tilespmem:s2+$0x10] =	vst v1;
	v1 =	vmul.f32 $8.000000000e+00, v5  }
0x23e: {  	v5 =	vmul.f32 $8.000000000e+00, v6;
	v6 =	vld [tilespmem:s8+$0xFFFFFFA0];
	[tilespmem:s2+$0x120] =	vst v0  }
0x23f: {  	[tilespmem:s2+$0x50] =	vst v1;
	v0 =	vmul.f32 $8.000000000e+00, v3;
	v3 =	vld [tilespmem:s8+$0xFFFFFFE0]  }
0x240: {  	[tilespmem:s2+$0xFFFFFED0] =	vst v5;
	v7 =	vmul.f32 $8.000000000e+00, v7;
	v1 =	vld [tilespmem:s8+$0x130]  }
0x241: {  	v4 =	vmul.f32 $8.000000000e+00, v4;
	v5 =	vld [tilespmem:s8+$0xFFFFFEE0];
	[tilespmem:s2+$0x90] =	vst v0  }
0x242: {  	v0 =	vmul.f32 $8.000000000e+00, v2;
	v2 =	vld [tilespmem:s8+$0x20];
	[tilespmem:s2+$0xFFFFFF20] =	vst v7  }
0x243: {  	[tilespmem:s2+$0xD0] =	vst v4;
	v4 =	vmul.f32 $8.000000000e+00, v6;
	v6 =	vld [tilespmem:s8+$0x60]  }
0x244: {  	v7 =	vld [tilespmem:s8+$0xFFFFFF30];
	[tilespmem:s2+$0xFFFFFF60] =	vst v0;
	v3 =	vmul.f32 $8.000000000e+00, v3  }
0x245: {  	v0 =	vld [tilespmem:s8+$0xA0];
	[tilespmem:s2+$0xFFFFFFA0] =	vst v4;
	v1 =	vmul.f32 $8.000000000e+00, v1  }
0x246: {  	v4 =	vld [tilespmem:s8+$0xE0];
	v5 =	vmul.f32 $8.000000000e+00, v5;
	[tilespmem:s2+$0xFFFFFFE0] =	vst v3  }
0x247: {  	v8 =	vld [tilespmem:s8+$0xFFFFFF70];
	[tilespmem:s2+$0x130] =	vst v1;
	v1 =	vmul.f32 $8.000000000e+00, v2  }
0x248: {  	[tilespmem:s2+$0xFFFFFEE0] =	vst v5;
	v5 =	vld [tilespmem:s8+$0xFFFFFFB0];
	v2 =	vmul.f32 $8.000000000e+00, v6  }
0x249: {  	v6 =	vmul.f32 $8.000000000e+00, v7;
	v9 =	vld [tilespmem:s8+$0xFFFFFEF0];
	[tilespmem:s2+$0x20] =	vst v1  }
0x24a: {  	v3 =	vmul.f32 $8.000000000e+00, v0;
	v0 =	vld [tilespmem:s8+$0xFFFFFFF0];
	[tilespmem:s2+$0x60] =	vst v2  }
0x24b: {  	v4 =	vmul.f32 $8.000000000e+00, v4;
	[tilespmem:s2+$0xFFFFFF30] =	vst v6;
	v1 =	vld [tilespmem:s8+$0x30]  }
0x24c: {  	v7 =	vmul.f32 $8.000000000e+00, v8;
	[tilespmem:s2+$0xA0] =	vst v3;
	v2 =	vld [tilespmem:s8+$0x70]  }
0x24d: {  	[tilespmem:s2+$0xE0] =	vst v4;
	v3 =	vld [tilespmem:s8+$0xB0];
	v6 =	vmul.f32 $8.000000000e+00, v5  }
0x24e: {  	s6 =	sor.u32 $0x5, s22;
	s7 =	simm.s32 $0x0;
	[tilespmem:s2+$0xFFFFFF70] =	vst v7;
	v4 =	vld [tilespmem:s8+$0xF0];
	s8 =	simm.s32 $0xB240;
	v5 =	vmul.f32 $8.000000000e+00, v9  }
.LBB2_13:
0x24f: {  	v7 =	vld [tilespmem:s8+$0x100];
	s7 =	sadd.s32 $0xA, s7;
	[tilespmem:s2+$0xFFFFFFB0] =	vst v6;
	v0 =	vmul.f32 $8.000000000e+00, v0  }
0x250: {  	v6 =	vld [tilespmem:s8+$0xFFFFFF00];
	p2 =	slt.u32 s7, $0x28;
	[tilespmem:s2+$0xFFFFFEF0] =	vst v5;
	v1 =	vmul.f32 $8.000000000e+00, v1  }
0x251: {  	v5 =	vld [tilespmem:s8+$0xFFFFFF40];
	[tilespmem:s2+$0xFFFFFFF0] =	vst v0;
	v0 =	vmul.f32 $8.000000000e+00, v2  }
0x252: {  	v2 =	vld [tilespmem:s8+$0xFFFFFF80];
	[tilespmem:s2+$0x30] =	vst v1;
	v1 =	vmul.f32 $8.000000000e+00, v3  }
0x253: {  	v3 =	vld [tilespmem:s8+$0xFFFFFFC0];
	[tilespmem:s2+$0x70] =	vst v0;
	v0 =	vmul.f32 $8.000000000e+00, v4  }
0x254: {  	v4 =	vld [tilespmem:s8+$0x0];
	v7 =	vmul.f32 $8.000000000e+00, v7;
	[tilespmem:s2+$0xB0] =	vst v1  }
0x255: {  	v1 =	vmul.f32 $8.000000000e+00, v6;
	v6 =	vld [tilespmem:s8+$0x40];
	[tilespmem:s2+$0xF0] =	vst v0;
	s2 =	sadd.s32 $0x280, s2  }
0x256: {  	v0 =	vmul.f32 $8.000000000e+00, v5;
	v5 =	vld [tilespmem:s8+$0x80];
	[tilespmem:s2+$0x100] =	vst v7  }
0x257: {  	[tilespmem:s2+$0xFFFFFF00] =	vst v1;
	v1 =	vmul.f32 $8.000000000e+00, v2;
	v2 =	vld [tilespmem:s8+$0x110]  }
0x258: {  	[tilespmem:s2+$0xFFFFFF40] =	vst v0;
	v0 =	vmul.f32 $8.000000000e+00, v3;
	v3 =	vld [tilespmem:s8+$0xC0]  }
0x259: {  	v7 =	vld [tilespmem:s8+$0xFFFFFEC0];
	[tilespmem:s2+$0xFFFFFF80] =	vst v1;
	v1 =	vmul.f32 $8.000000000e+00, v4  }
0x25a: {  	v4 =	vld [tilespmem:s8+$0xFFFFFF10];
	[tilespmem:s2+$0xFFFFFFC0] =	vst v0;
	v0 =	vmul.f32 $8.000000000e+00, v6  }
0x25b: {  	v6 =	vld [tilespmem:s8+$0xFFFFFF50];
	[tilespmem:s2+$0x0] =	vst v1;
	v1 =	vmul.f32 $8.000000000e+00, v5  }
0x25c: {  	v5 =	vld [tilespmem:s8+$0xFFFFFF90];
	[tilespmem:s2+$0x40] =	vst v0;
	v0 =	vmul.f32 $8.000000000e+00, v2  }
0x25d: {  	v2 =	vld [tilespmem:s8+$0xFFFFFFD0];
	[tilespmem:s2+$0x80] =	vst v1;
	v1 =	vmul.f32 $8.000000000e+00, v3  }
0x25e: {  	v3 =	vmul.f32 $8.000000000e+00, v7;
	v7 =	vld [tilespmem:s8+$0x10];
	[tilespmem:s2+$0x110] =	vst v0  }
0x25f: {  	v0 =	vmul.f32 $8.000000000e+00, v4;
	[tilespmem:s2+$0xC0] =	vst v1;
	v1 =	vld [tilespmem:s8+$0x120]  }
0x260: {  	[tilespmem:s2+$0xFFFFFEC0] =	vst v3;
	v3 =	vmul.f32 $8.000000000e+00, v6;
	v4 =	vld [tilespmem:s8+$0x50]  }
0x261: {  	v6 =	vld [tilespmem:s8+$0xFFFFFED0];
	[tilespmem:s2+$0xFFFFFF10] =	vst v0;
	v0 =	vmul.f32 $8.000000000e+00, v5  }
0x262: {  	[tilespmem:s2+$0xFFFFFF50] =	vst v3;
	v2 =	vmul.f32 $8.000000000e+00, v2;
	v3 =	vld [tilespmem:s8+$0x90]  }
0x263: {  	[tilespmem:s2+$0xFFFFFF90] =	vst v0;
	v0 =	vmul.f32 $8.000000000e+00, v7;
	v5 =	vld [tilespmem:s8+$0xD0]  }
0x264: {  	v7 =	vld [tilespmem:s8+$0xFFFFFF20];
	[tilespmem:s2+$0xFFFFFFD0] =	vst v2;
	v1 =	vmul.f32 $8.000000000e+00, v1  }
0x265: {  	v2 =	vld [tilespmem:s8+$0xFFFFFF60];
	[tilespmem:s2+$0x10] =	vst v0;
	v0 =	vmul.f32 $8.000000000e+00, v4  }
0x266: {  	v4 =	vmul.f32 $8.000000000e+00, v6;
	v6 =	vld [tilespmem:s8+$0xFFFFFFA0];
	[tilespmem:s2+$0x120] =	vst v1  }
0x267: {  	[tilespmem:s2+$0x50] =	vst v0;
	v0 =	vmul.f32 $8.000000000e+00, v3;
	v1 =	vld [tilespmem:s8+$0x130]  }
0x268: {  	[tilespmem:s2+$0xFFFFFED0] =	vst v4;
	v3 =	vld [tilespmem:s8+$0xFFFFFFE0];
	v4 =	vmul.f32 $8.000000000e+00, v5  }
0x269: {  	v5 =	vld [tilespmem:s8+$0xFFFFFEE0];
	v7 =	vmul.f32 $8.000000000e+00, v7;
	[tilespmem:s2+$0x90] =	vst v0  }
0x26a: {  	v0 =	vmul.f32 $8.000000000e+00, v2;
	v2 =	vld [tilespmem:s8+$0x20];
	[tilespmem:s2+$0xD0] =	vst v4  }
0x26b: {  	[tilespmem:s2+$0xFFFFFF20] =	vst v7;
	v4 =	vmul.f32 $8.000000000e+00, v6;
	v6 =	vld [tilespmem:s8+$0x60]  }
0x26c: {  	[tilespmem:s2+$0xFFFFFF60] =	vst v0;
	v0 =	vld [tilespmem:s8+$0xA0];
	v1 =	vmul.f32 $8.000000000e+00, v1  }
0x26d: {  	[tilespmem:s2+$0xFFFFFFA0] =	vst v4;
	v3 =	vmul.f32 $8.000000000e+00, v3;
	v4 =	vld [tilespmem:s8+$0xE0]  }
0x26e: {  	v5 =	vmul.f32 $8.000000000e+00, v5;
	v7 =	vld [tilespmem:s8+$0xFFFFFF30];
	[tilespmem:s2+$0x130] =	vst v1  }
0x26f: {  	v8 =	vld [tilespmem:s8+$0xFFFFFF70];
	[tilespmem:s2+$0xFFFFFFE0] =	vst v3;
	v1 =	vmul.f32 $8.000000000e+00, v2  }
0x270: {  	[tilespmem:s2+$0xFFFFFEE0] =	vst v5;
	v3 =	vld [tilespmem:s8+$0xFFFFFFB0];
	v2 =	vmul.f32 $8.000000000e+00, v6  }
0x271: {  	v5 =	vld [tilespmem:s8+$0xFFFFFEF0];
	[tilespmem:s2+$0x20] =	vst v1;
	v6 =	vmul.f32 $8.000000000e+00, v0  }
.Ltmp7:
0x272: {  	v0 =	vld [tilespmem:s8+$0xFFFFFFF0];
	[tilespmem:s2+$0x60] =	vst v2;
	v4 =	vmul.f32 $8.000000000e+00, v4;
	(pc) =	sbr.rel @p2 .LBB2_13-.Ltmp7, $4  }
0x273: {  	v7 =	vmul.f32 $8.000000000e+00, v7;
	v1 =	vld [tilespmem:s8+$0x30];
	[tilespmem:s2+$0xA0] =	vst v6  }
0x274: {  	v8 =	vmul.f32 $8.000000000e+00, v8;
	v2 =	vld [tilespmem:s8+$0x70];
	[tilespmem:s2+$0xE0] =	vst v4  }
0x275: {  	[tilespmem:s2+$0xFFFFFF30] =	vst v7;
	v6 =	vmul.f32 $8.000000000e+00, v3;
	v3 =	vld [tilespmem:s8+$0xB0]  }
0x276: {  	v5 =	vmul.f32 $8.000000000e+00, v5;
	[tilespmem:s2+$0xFFFFFF70] =	vst v8;
	v4 =	vld [tilespmem:s8+$0xF0];
	s8 =	sadd.s32 $0x280, s8  }
0x277: {  	[tilespmem:s2+$0xFFFFFFB0] =	vst v6;
	v0 =	vmul.f32 $8.000000000e+00, v0  }
0x278: {  	[tilespmem:s2+$0xFFFFFEF0] =	vst v5;
	v1 =	vmul.f32 $8.000000000e+00, v1  }
0x279: {  	[tilespmem:s2+$0xFFFFFFF0] =	vst v0;
	v0 =	vmul.f32 $8.000000000e+00, v2  }
0x27a: {  	s6 =	sadd.s32 s3, s6;
	[tilespmem:s2+$0x30] =	vst v1;
	v1 =	vmul.f32 $8.000000000e+00, v3  }
0x27b: {  	s6 =	smul.u32 $0x380, s6;
	[tilespmem:s2+$0x70] =	vst v0;
	v0 =	vmul.f32 $8.000000000e+00, v4  }
0x27c: {  	[tilespmem:s2+$0xB0] =	vst v1  }
0x27d: {  	s8 =	sadd.s32 s5, s6;
	[tilespmem:s2+$0xF0] =	vst v0  }
0x27e: {  	[hbm4b:s8+s26] =	stream.strided.scatter [tilespmem:s15], [sflag:$0xE], $0xC80, s28, s26, $0x38;
	[tilespmem:$0x13800] =	vst v63  }
0x27f: {  	s7 =	simm.s32 @!p1 $0xAE80;
	s6 =	simm.s32 @!p1 $0x32;
	s2 =	sadd.s32 @!p1 $0x2D8, s23  }
0x280: {  	[tilespmem:s7], [sflag:$0x6] =	stream.indirect.gather @!p1 [hbm4b:s4+s6], $0x40, s2, s6, $0xb8;
	[tilespmem:$0x13800] =	vst v63  }
0x281: {  	_ =	swait.ge [sflag:s16], $0xC80  }
0x282: {  	[sflag:s16] =	ssyncset.done $0x0  }
0x283: {  	s2 =	simm.s32 @!p0 $0xF;
	[sflag:s16] =	ssyncadd.s32 $0xFFFFF380  }
0x284: {  	_ =	swait.ge @!p0 [sflag:s2], $0xC80  }
0x285: {  	[sflag:s2] =	ssyncset.done @!p0 $0x0  }
0x286: {  	s8 =	simm.s32 $0xBC40;
	[sflag:s2] =	ssyncadd.s32 @!p0 $0xFFFFF380  }
0x287: {  	v0 =	vld [tilespmem:s8+$0x100]  }
0x288: {  	v1 =	vld [tilespmem:s8+$0xFFFFFF00]  }
0x289: {  	v2 =	vld [tilespmem:s8+$0xFFFFFF40]  }
0x28a: {  	v3 =	vld [tilespmem:s8+$0xFFFFFF80]  }
0x28b: {  	v4 =	vld [tilespmem:s8+$0xFFFFFFC0]  }
0x28c: {  	v5 =	vld [tilespmem:s8+$0x0];
	v0 =	vmul.f32 $8.000000000e+00, v0  }
0x28d: {  	s2 =	simm.s32 $0x12040;
	v6 =	vld [tilespmem:s8+$0x40];
	v1 =	vmul.f32 $8.000000000e+00, v1  }
0x28e: {  	v7 =	vld [tilespmem:s8+$0x80];
	v2 =	vmul.f32 $8.000000000e+00, v2;
	[tilespmem:s2+$0x100] =	vst v0  }
0x28f: {  	[tilespmem:s2+$0xFFFFFF00] =	vst v1;
	v0 =	vmul.f32 $8.000000000e+00, v3;
	v1 =	vld [tilespmem:s8+$0x110]  }
0x290: {  	[tilespmem:s2+$0xFFFFFF40] =	vst v2;
	v2 =	vmul.f32 $8.000000000e+00, v4;
	v3 =	vld [tilespmem:s8+$0xC0]  }
0x291: {  	v4 =	vld [tilespmem:s8+$0xFFFFFEC0];
	[tilespmem:s2+$0xFFFFFF80] =	vst v0;
	v0 =	vmul.f32 $8.000000000e+00, v5  }
0x292: {  	v5 =	vld [tilespmem:s8+$0xFFFFFF10];
	[tilespmem:s2+$0xFFFFFFC0] =	vst v2;
	v2 =	vmul.f32 $8.000000000e+00, v6  }
0x293: {  	v6 =	vld [tilespmem:s8+$0xFFFFFF50];
	[tilespmem:s2+$0x0] =	vst v0;
	v0 =	vmul.f32 $8.000000000e+00, v7  }
0x294: {  	v7 =	vld [tilespmem:s8+$0xFFFFFF90];
	[tilespmem:s2+$0x40] =	vst v2;
	v1 =	vmul.f32 $8.000000000e+00, v1  }
0x295: {  	v2 =	vld [tilespmem:s8+$0xFFFFFFD0];
	[tilespmem:s2+$0x80] =	vst v0;
	v0 =	vmul.f32 $8.000000000e+00, v3  }
0x296: {  	v3 =	vmul.f32 $8.000000000e+00, v4;
	v4 =	vld [tilespmem:s8+$0x10];
	[tilespmem:s2+$0x110] =	vst v1  }
0x297: {  	v1 =	vmul.f32 $8.000000000e+00, v5;
	[tilespmem:s2+$0xC0] =	vst v0;
	v0 =	vld [tilespmem:s8+$0x120]  }
0x298: {  	[tilespmem:s2+$0xFFFFFEC0] =	vst v3;
	v3 =	vmul.f32 $8.000000000e+00, v6;
	v5 =	vld [tilespmem:s8+$0x50]  }
0x299: {  	v6 =	vld [tilespmem:s8+$0xFFFFFED0];
	[tilespmem:s2+$0xFFFFFF10] =	vst v1;
	v1 =	vmul.f32 $8.000000000e+00, v7  }
0x29a: {  	v2 =	vmul.f32 $8.000000000e+00, v2;
	[tilespmem:s2+$0xFFFFFF50] =	vst v3;
	v3 =	vld [tilespmem:s8+$0x90]  }
0x29b: {  	v7 =	vld [tilespmem:s8+$0xFFFFFF20];
	[tilespmem:s2+$0xFFFFFF90] =	vst v1;
	v1 =	vmul.f32 $8.000000000e+00, v4  }
0x29c: {  	[tilespmem:s2+$0xFFFFFFD0] =	vst v2;
	v4 =	vld [tilespmem:s8+$0xD0];
	v0 =	vmul.f32 $8.000000000e+00, v0  }
0x29d: {  	v2 =	vld [tilespmem:s8+$0xFFFFFF60];
	[tilespmem:s2+$0x10] =	vst v1;
	v1 =	vmul.f32 $8.000000000e+00, v5  }
0x29e: {  	v5 =	vmul.f32 $8.000000000e+00, v6;
	v6 =	vld [tilespmem:s8+$0xFFFFFFA0];
	[tilespmem:s2+$0x120] =	vst v0  }
0x29f: {  	[tilespmem:s2+$0x50] =	vst v1;
	v0 =	vmul.f32 $8.000000000e+00, v3;
	v3 =	vld [tilespmem:s8+$0xFFFFFFE0]  }
0x2a0: {  	[tilespmem:s2+$0xFFFFFED0] =	vst v5;
	v7 =	vmul.f32 $8.000000000e+00, v7;
	v1 =	vld [tilespmem:s8+$0x130]  }
0x2a1: {  	v4 =	vmul.f32 $8.000000000e+00, v4;
	v5 =	vld [tilespmem:s8+$0xFFFFFEE0];
	[tilespmem:s2+$0x90] =	vst v0  }
0x2a2: {  	v0 =	vmul.f32 $8.000000000e+00, v2;
	v2 =	vld [tilespmem:s8+$0x20];
	[tilespmem:s2+$0xFFFFFF20] =	vst v7  }
0x2a3: {  	[tilespmem:s2+$0xD0] =	vst v4;
	v4 =	vmul.f32 $8.000000000e+00, v6;
	v6 =	vld [tilespmem:s8+$0x60]  }
0x2a4: {  	v7 =	vld [tilespmem:s8+$0xFFFFFF30];
	[tilespmem:s2+$0xFFFFFF60] =	vst v0;
	v3 =	vmul.f32 $8.000000000e+00, v3  }
0x2a5: {  	v0 =	vld [tilespmem:s8+$0xA0];
	[tilespmem:s2+$0xFFFFFFA0] =	vst v4;
	v1 =	vmul.f32 $8.000000000e+00, v1  }
0x2a6: {  	v4 =	vld [tilespmem:s8+$0xE0];
	v5 =	vmul.f32 $8.000000000e+00, v5;
	[tilespmem:s2+$0xFFFFFFE0] =	vst v3  }
0x2a7: {  	v8 =	vld [tilespmem:s8+$0xFFFFFF70];
	[tilespmem:s2+$0x130] =	vst v1;
	v1 =	vmul.f32 $8.000000000e+00, v2  }
0x2a8: {  	[tilespmem:s2+$0xFFFFFEE0] =	vst v5;
	v5 =	vld [tilespmem:s8+$0xFFFFFFB0];
	v2 =	vmul.f32 $8.000000000e+00, v6  }
0x2a9: {  	v6 =	vmul.f32 $8.000000000e+00, v7;
	v9 =	vld [tilespmem:s8+$0xFFFFFEF0];
	[tilespmem:s2+$0x20] =	vst v1  }
0x2aa: {  	v3 =	vmul.f32 $8.000000000e+00, v0;
	v0 =	vld [tilespmem:s8+$0xFFFFFFF0];
	[tilespmem:s2+$0x60] =	vst v2  }
0x2ab: {  	v4 =	vmul.f32 $8.000000000e+00, v4;
	[tilespmem:s2+$0xFFFFFF30] =	vst v6;
	v1 =	vld [tilespmem:s8+$0x30]  }
0x2ac: {  	v7 =	vmul.f32 $8.000000000e+00, v8;
	[tilespmem:s2+$0xA0] =	vst v3;
	v2 =	vld [tilespmem:s8+$0x70]  }
0x2ad: {  	[tilespmem:s2+$0xE0] =	vst v4;
	v3 =	vld [tilespmem:s8+$0xB0];
	v6 =	vmul.f32 $8.000000000e+00, v5  }
0x2ae: {  	s6 =	sor.u32 $0x6, s22;
	s7 =	simm.s32 $0x0;
	[tilespmem:s2+$0xFFFFFF70] =	vst v7;
	v4 =	vld [tilespmem:s8+$0xF0];
	s8 =	simm.s32 $0xBEC0;
	v5 =	vmul.f32 $8.000000000e+00, v9  }
.LBB2_15:
0x2af: {  	v7 =	vld [tilespmem:s8+$0x100];
	s7 =	sadd.s32 $0xA, s7;
	[tilespmem:s2+$0xFFFFFFB0] =	vst v6;
	v0 =	vmul.f32 $8.000000000e+00, v0  }
0x2b0: {  	v6 =	vld [tilespmem:s8+$0xFFFFFF00];
	p2 =	slt.u32 s7, $0x28;
	[tilespmem:s2+$0xFFFFFEF0] =	vst v5;
	v1 =	vmul.f32 $8.000000000e+00, v1  }
0x2b1: {  	v5 =	vld [tilespmem:s8+$0xFFFFFF40];
	[tilespmem:s2+$0xFFFFFFF0] =	vst v0;
	v0 =	vmul.f32 $8.000000000e+00, v2  }
0x2b2: {  	v2 =	vld [tilespmem:s8+$0xFFFFFF80];
	[tilespmem:s2+$0x30] =	vst v1;
	v1 =	vmul.f32 $8.000000000e+00, v3  }
0x2b3: {  	v3 =	vld [tilespmem:s8+$0xFFFFFFC0];
	[tilespmem:s2+$0x70] =	vst v0;
	v0 =	vmul.f32 $8.000000000e+00, v4  }
0x2b4: {  	v4 =	vld [tilespmem:s8+$0x0];
	v7 =	vmul.f32 $8.000000000e+00, v7;
	[tilespmem:s2+$0xB0] =	vst v1  }
0x2b5: {  	v1 =	vmul.f32 $8.000000000e+00, v6;
	v6 =	vld [tilespmem:s8+$0x40];
	[tilespmem:s2+$0xF0] =	vst v0;
	s2 =	sadd.s32 $0x280, s2  }
0x2b6: {  	v0 =	vmul.f32 $8.000000000e+00, v5;
	v5 =	vld [tilespmem:s8+$0x80];
	[tilespmem:s2+$0x100] =	vst v7  }
0x2b7: {  	[tilespmem:s2+$0xFFFFFF00] =	vst v1;
	v1 =	vmul.f32 $8.000000000e+00, v2;
	v2 =	vld [tilespmem:s8+$0x110]  }
0x2b8: {  	[tilespmem:s2+$0xFFFFFF40] =	vst v0;
	v0 =	vmul.f32 $8.000000000e+00, v3;
	v3 =	vld [tilespmem:s8+$0xC0]  }
0x2b9: {  	v7 =	vld [tilespmem:s8+$0xFFFFFEC0];
	[tilespmem:s2+$0xFFFFFF80] =	vst v1;
	v1 =	vmul.f32 $8.000000000e+00, v4  }
0x2ba: {  	v4 =	vld [tilespmem:s8+$0xFFFFFF10];
	[tilespmem:s2+$0xFFFFFFC0] =	vst v0;
	v0 =	vmul.f32 $8.000000000e+00, v6  }
0x2bb: {  	v6 =	vld [tilespmem:s8+$0xFFFFFF50];
	[tilespmem:s2+$0x0] =	vst v1;
	v1 =	vmul.f32 $8.000000000e+00, v5  }
0x2bc: {  	v5 =	vld [tilespmem:s8+$0xFFFFFF90];
	[tilespmem:s2+$0x40] =	vst v0;
	v0 =	vmul.f32 $8.000000000e+00, v2  }
0x2bd: {  	v2 =	vld [tilespmem:s8+$0xFFFFFFD0];
	[tilespmem:s2+$0x80] =	vst v1;
	v1 =	vmul.f32 $8.000000000e+00, v3  }
0x2be: {  	v3 =	vmul.f32 $8.000000000e+00, v7;
	v7 =	vld [tilespmem:s8+$0x10];
	[tilespmem:s2+$0x110] =	vst v0  }
0x2bf: {  	v0 =	vmul.f32 $8.000000000e+00, v4;
	[tilespmem:s2+$0xC0] =	vst v1;
	v1 =	vld [tilespmem:s8+$0x120]  }
0x2c0: {  	[tilespmem:s2+$0xFFFFFEC0] =	vst v3;
	v3 =	vmul.f32 $8.000000000e+00, v6;
	v4 =	vld [tilespmem:s8+$0x50]  }
0x2c1: {  	v6 =	vld [tilespmem:s8+$0xFFFFFED0];
	[tilespmem:s2+$0xFFFFFF10] =	vst v0;
	v0 =	vmul.f32 $8.000000000e+00, v5  }
0x2c2: {  	[tilespmem:s2+$0xFFFFFF50] =	vst v3;
	v2 =	vmul.f32 $8.000000000e+00, v2;
	v3 =	vld [tilespmem:s8+$0x90]  }
0x2c3: {  	[tilespmem:s2+$0xFFFFFF90] =	vst v0;
	v0 =	vmul.f32 $8.000000000e+00, v7;
	v5 =	vld [tilespmem:s8+$0xD0]  }
0x2c4: {  	v7 =	vld [tilespmem:s8+$0xFFFFFF20];
	[tilespmem:s2+$0xFFFFFFD0] =	vst v2;
	v1 =	vmul.f32 $8.000000000e+00, v1  }
0x2c5: {  	v2 =	vld [tilespmem:s8+$0xFFFFFF60];
	[tilespmem:s2+$0x10] =	vst v0;
	v0 =	vmul.f32 $8.000000000e+00, v4  }
0x2c6: {  	v4 =	vmul.f32 $8.000000000e+00, v6;
	v6 =	vld [tilespmem:s8+$0xFFFFFFA0];
	[tilespmem:s2+$0x120] =	vst v1  }
0x2c7: {  	[tilespmem:s2+$0x50] =	vst v0;
	v0 =	vmul.f32 $8.000000000e+00, v3;
	v1 =	vld [tilespmem:s8+$0x130]  }
0x2c8: {  	[tilespmem:s2+$0xFFFFFED0] =	vst v4;
	v3 =	vld [tilespmem:s8+$0xFFFFFFE0];
	v4 =	vmul.f32 $8.000000000e+00, v5  }
0x2c9: {  	v5 =	vld [tilespmem:s8+$0xFFFFFEE0];
	v7 =	vmul.f32 $8.000000000e+00, v7;
	[tilespmem:s2+$0x90] =	vst v0  }
0x2ca: {  	v0 =	vmul.f32 $8.000000000e+00, v2;
	v2 =	vld [tilespmem:s8+$0x20];
	[tilespmem:s2+$0xD0] =	vst v4  }
0x2cb: {  	[tilespmem:s2+$0xFFFFFF20] =	vst v7;
	v4 =	vmul.f32 $8.000000000e+00, v6;
	v6 =	vld [tilespmem:s8+$0x60]  }
0x2cc: {  	[tilespmem:s2+$0xFFFFFF60] =	vst v0;
	v0 =	vld [tilespmem:s8+$0xA0];
	v1 =	vmul.f32 $8.000000000e+00, v1  }
0x2cd: {  	[tilespmem:s2+$0xFFFFFFA0] =	vst v4;
	v3 =	vmul.f32 $8.000000000e+00, v3;
	v4 =	vld [tilespmem:s8+$0xE0]  }
0x2ce: {  	v5 =	vmul.f32 $8.000000000e+00, v5;
	v7 =	vld [tilespmem:s8+$0xFFFFFF30];
	[tilespmem:s2+$0x130] =	vst v1  }
0x2cf: {  	v8 =	vld [tilespmem:s8+$0xFFFFFF70];
	[tilespmem:s2+$0xFFFFFFE0] =	vst v3;
	v1 =	vmul.f32 $8.000000000e+00, v2  }
0x2d0: {  	[tilespmem:s2+$0xFFFFFEE0] =	vst v5;
	v3 =	vld [tilespmem:s8+$0xFFFFFFB0];
	v2 =	vmul.f32 $8.000000000e+00, v6  }
0x2d1: {  	v5 =	vld [tilespmem:s8+$0xFFFFFEF0];
	[tilespmem:s2+$0x20] =	vst v1;
	v6 =	vmul.f32 $8.000000000e+00, v0  }
.Ltmp8:
0x2d2: {  	v0 =	vld [tilespmem:s8+$0xFFFFFFF0];
	[tilespmem:s2+$0x60] =	vst v2;
	v4 =	vmul.f32 $8.000000000e+00, v4;
	(pc) =	sbr.rel @p2 .LBB2_15-.Ltmp8, $4  }
0x2d3: {  	v7 =	vmul.f32 $8.000000000e+00, v7;
	v1 =	vld [tilespmem:s8+$0x30];
	[tilespmem:s2+$0xA0] =	vst v6  }
0x2d4: {  	v8 =	vmul.f32 $8.000000000e+00, v8;
	v2 =	vld [tilespmem:s8+$0x70];
	[tilespmem:s2+$0xE0] =	vst v4  }
0x2d5: {  	[tilespmem:s2+$0xFFFFFF30] =	vst v7;
	v6 =	vmul.f32 $8.000000000e+00, v3;
	v3 =	vld [tilespmem:s8+$0xB0]  }
0x2d6: {  	v5 =	vmul.f32 $8.000000000e+00, v5;
	[tilespmem:s2+$0xFFFFFF70] =	vst v8;
	v4 =	vld [tilespmem:s8+$0xF0];
	s8 =	sadd.s32 $0x280, s8  }
0x2d7: {  	[tilespmem:s2+$0xFFFFFFB0] =	vst v6;
	v0 =	vmul.f32 $8.000000000e+00, v0  }
0x2d8: {  	[tilespmem:s2+$0xFFFFFEF0] =	vst v5;
	v1 =	vmul.f32 $8.000000000e+00, v1  }
0x2d9: {  	[tilespmem:s2+$0xFFFFFFF0] =	vst v0;
	v0 =	vmul.f32 $8.000000000e+00, v2  }
0x2da: {  	s6 =	sadd.s32 s3, s6;
	[tilespmem:s2+$0x30] =	vst v1;
	v1 =	vmul.f32 $8.000000000e+00, v3  }
0x2db: {  	s6 =	smul.u32 $0x380, s6;
	[tilespmem:s2+$0x70] =	vst v0;
	v0 =	vmul.f32 $8.000000000e+00, v4  }
0x2dc: {  	[tilespmem:s2+$0xB0] =	vst v1  }
0x2dd: {  	s8 =	sadd.s32 s5, s6;
	[tilespmem:s2+$0xF0] =	vst v0  }
0x2de: {  	[hbm4b:s8+s26] =	stream.strided.scatter [tilespmem:s17], [sflag:$0xF], $0xC80, s28, s26, $0x38;
	[tilespmem:$0x13800] =	vst v63  }
0x2df: {  	s7 =	simm.s32 @!p1 $0xBB00;
	s6 =	simm.s32 @!p1 $0x32;
	s2 =	sadd.s32 @!p1 $0x310, s23  }
0x2e0: {  	[tilespmem:s7], [sflag:$0x7] =	stream.indirect.gather @!p1 [hbm4b:s4+s6], $0x40, s2, s6, $0xb8;
	[tilespmem:$0x13800] =	vst v63  }
0x2e1: {  	_ =	swait.ge [sflag:s18], $0xC80  }
0x2e2: {  	[sflag:s18] =	ssyncset.done $0x0  }
0x2e3: {  	s2 =	simm.s32 @!p0 $0x10;
	[sflag:s18] =	ssyncadd.s32 $0xFFFFF380  }
0x2e4: {  	_ =	swait.ge @!p0 [sflag:s2], $0xC80  }
0x2e5: {  	[sflag:s2] =	ssyncset.done @!p0 $0x0  }
0x2e6: {  	s8 =	simm.s32 $0xC8C0;
	[sflag:s2] =	ssyncadd.s32 @!p0 $0xFFFFF380  }
0x2e7: {  	v0 =	vld [tilespmem:s8+$0x100]  }
0x2e8: {  	v1 =	vld [tilespmem:s8+$0xFFFFFF00]  }
0x2e9: {  	v2 =	vld [tilespmem:s8+$0xFFFFFF40]  }
0x2ea: {  	v3 =	vld [tilespmem:s8+$0xFFFFFF80]  }
0x2eb: {  	v4 =	vld [tilespmem:s8+$0xFFFFFFC0]  }
0x2ec: {  	v5 =	vld [tilespmem:s8+$0x0];
	v0 =	vmul.f32 $8.000000000e+00, v0  }
0x2ed: {  	s2 =	simm.s32 $0x12CC0;
	v6 =	vld [tilespmem:s8+$0x40];
	v1 =	vmul.f32 $8.000000000e+00, v1  }
0x2ee: {  	v7 =	vld [tilespmem:s8+$0x80];
	v2 =	vmul.f32 $8.000000000e+00, v2;
	[tilespmem:s2+$0x100] =	vst v0  }
0x2ef: {  	[tilespmem:s2+$0xFFFFFF00] =	vst v1;
	v0 =	vmul.f32 $8.000000000e+00, v3;
	v1 =	vld [tilespmem:s8+$0x110]  }
0x2f0: {  	[tilespmem:s2+$0xFFFFFF40] =	vst v2;
	v2 =	vmul.f32 $8.000000000e+00, v4;
	v3 =	vld [tilespmem:s8+$0xC0]  }
0x2f1: {  	v4 =	vld [tilespmem:s8+$0xFFFFFEC0];
	[tilespmem:s2+$0xFFFFFF80] =	vst v0;
	v0 =	vmul.f32 $8.000000000e+00, v5  }
0x2f2: {  	v5 =	vld [tilespmem:s8+$0xFFFFFF10];
	[tilespmem:s2+$0xFFFFFFC0] =	vst v2;
	v2 =	vmul.f32 $8.000000000e+00, v6  }
0x2f3: {  	v6 =	vld [tilespmem:s8+$0xFFFFFF50];
	[tilespmem:s2+$0x0] =	vst v0;
	v0 =	vmul.f32 $8.000000000e+00, v7  }
0x2f4: {  	v7 =	vld [tilespmem:s8+$0xFFFFFF90];
	[tilespmem:s2+$0x40] =	vst v2;
	v1 =	vmul.f32 $8.000000000e+00, v1  }
0x2f5: {  	v2 =	vld [tilespmem:s8+$0xFFFFFFD0];
	[tilespmem:s2+$0x80] =	vst v0;
	v0 =	vmul.f32 $8.000000000e+00, v3  }
0x2f6: {  	v3 =	vmul.f32 $8.000000000e+00, v4;
	v4 =	vld [tilespmem:s8+$0x10];
	[tilespmem:s2+$0x110] =	vst v1  }
0x2f7: {  	v1 =	vmul.f32 $8.000000000e+00, v5;
	[tilespmem:s2+$0xC0] =	vst v0;
	v0 =	vld [tilespmem:s8+$0x120]  }
0x2f8: {  	[tilespmem:s2+$0xFFFFFEC0] =	vst v3;
	v3 =	vmul.f32 $8.000000000e+00, v6;
	v5 =	vld [tilespmem:s8+$0x50]  }
0x2f9: {  	v6 =	vld [tilespmem:s8+$0xFFFFFED0];
	[tilespmem:s2+$0xFFFFFF10] =	vst v1;
	v1 =	vmul.f32 $8.000000000e+00, v7  }
0x2fa: {  	v2 =	vmul.f32 $8.000000000e+00, v2;
	[tilespmem:s2+$0xFFFFFF50] =	vst v3;
	v3 =	vld [tilespmem:s8+$0x90]  }
0x2fb: {  	v7 =	vld [tilespmem:s8+$0xFFFFFF20];
	[tilespmem:s2+$0xFFFFFF90] =	vst v1;
	v1 =	vmul.f32 $8.000000000e+00, v4  }
0x2fc: {  	[tilespmem:s2+$0xFFFFFFD0] =	vst v2;
	v4 =	vld [tilespmem:s8+$0xD0];
	v0 =	vmul.f32 $8.000000000e+00, v0  }
0x2fd: {  	v2 =	vld [tilespmem:s8+$0xFFFFFF60];
	[tilespmem:s2+$0x10] =	vst v1;
	v1 =	vmul.f32 $8.000000000e+00, v5  }
0x2fe: {  	v5 =	vmul.f32 $8.000000000e+00, v6;
	v6 =	vld [tilespmem:s8+$0xFFFFFFA0];
	[tilespmem:s2+$0x120] =	vst v0  }
0x2ff: {  	[tilespmem:s2+$0x50] =	vst v1;
	v0 =	vmul.f32 $8.000000000e+00, v3;
	v3 =	vld [tilespmem:s8+$0xFFFFFFE0]  }
0x300: {  	[tilespmem:s2+$0xFFFFFED0] =	vst v5;
	v7 =	vmul.f32 $8.000000000e+00, v7;
	v1 =	vld [tilespmem:s8+$0x130]  }
0x301: {  	v4 =	vmul.f32 $8.000000000e+00, v4;
	v5 =	vld [tilespmem:s8+$0xFFFFFEE0];
	[tilespmem:s2+$0x90] =	vst v0  }
0x302: {  	v0 =	vmul.f32 $8.000000000e+00, v2;
	v2 =	vld [tilespmem:s8+$0x20];
	[tilespmem:s2+$0xFFFFFF20] =	vst v7  }
0x303: {  	[tilespmem:s2+$0xD0] =	vst v4;
	v4 =	vmul.f32 $8.000000000e+00, v6;
	v6 =	vld [tilespmem:s8+$0x60]  }
0x304: {  	v7 =	vld [tilespmem:s8+$0xFFFFFF30];
	[tilespmem:s2+$0xFFFFFF60] =	vst v0;
	v3 =	vmul.f32 $8.000000000e+00, v3  }
0x305: {  	v0 =	vld [tilespmem:s8+$0xA0];
	[tilespmem:s2+$0xFFFFFFA0] =	vst v4;
	v1 =	vmul.f32 $8.000000000e+00, v1  }
0x306: {  	v4 =	vld [tilespmem:s8+$0xE0];
	v5 =	vmul.f32 $8.000000000e+00, v5;
	[tilespmem:s2+$0xFFFFFFE0] =	vst v3  }
0x307: {  	v8 =	vld [tilespmem:s8+$0xFFFFFF70];
	[tilespmem:s2+$0x130] =	vst v1;
	v1 =	vmul.f32 $8.000000000e+00, v2  }
0x308: {  	[tilespmem:s2+$0xFFFFFEE0] =	vst v5;
	v5 =	vld [tilespmem:s8+$0xFFFFFFB0];
	v2 =	vmul.f32 $8.000000000e+00, v6  }
0x309: {  	v6 =	vmul.f32 $8.000000000e+00, v7;
	v9 =	vld [tilespmem:s8+$0xFFFFFEF0];
	[tilespmem:s2+$0x20] =	vst v1  }
0x30a: {  	v3 =	vmul.f32 $8.000000000e+00, v0;
	v0 =	vld [tilespmem:s8+$0xFFFFFFF0];
	[tilespmem:s2+$0x60] =	vst v2  }
0x30b: {  	v4 =	vmul.f32 $8.000000000e+00, v4;
	[tilespmem:s2+$0xFFFFFF30] =	vst v6;
	v1 =	vld [tilespmem:s8+$0x30]  }
0x30c: {  	v7 =	vmul.f32 $8.000000000e+00, v8;
	[tilespmem:s2+$0xA0] =	vst v3;
	v2 =	vld [tilespmem:s8+$0x70]  }
0x30d: {  	[tilespmem:s2+$0xE0] =	vst v4;
	v3 =	vld [tilespmem:s8+$0xB0];
	v6 =	vmul.f32 $8.000000000e+00, v5  }
0x30e: {  	s6 =	sor.u32 $0x7, s22;
	s7 =	simm.s32 $0x0;
	[tilespmem:s2+$0xFFFFFF70] =	vst v7;
	v4 =	vld [tilespmem:s8+$0xF0];
	s8 =	simm.s32 $0xCB40;
	v5 =	vmul.f32 $8.000000000e+00, v9  }
.LBB2_17:
0x30f: {  	v7 =	vld [tilespmem:s8+$0x100];
	s7 =	sadd.s32 $0xA, s7;
	[tilespmem:s2+$0xFFFFFFB0] =	vst v6;
	v0 =	vmul.f32 $8.000000000e+00, v0  }
0x310: {  	v6 =	vld [tilespmem:s8+$0xFFFFFF00];
	p0 =	slt.u32 s7, $0x28;
	[tilespmem:s2+$0xFFFFFEF0] =	vst v5;
	v1 =	vmul.f32 $8.000000000e+00, v1  }
0x311: {  	v5 =	vld [tilespmem:s8+$0xFFFFFF40];
	[tilespmem:s2+$0xFFFFFFF0] =	vst v0;
	v0 =	vmul.f32 $8.000000000e+00, v2  }
0x312: {  	v2 =	vld [tilespmem:s8+$0xFFFFFF80];
	[tilespmem:s2+$0x30] =	vst v1;
	v1 =	vmul.f32 $8.000000000e+00, v3  }
0x313: {  	v3 =	vld [tilespmem:s8+$0xFFFFFFC0];
	[tilespmem:s2+$0x70] =	vst v0;
	v0 =	vmul.f32 $8.000000000e+00, v4  }
0x314: {  	v4 =	vld [tilespmem:s8+$0x0];
	v7 =	vmul.f32 $8.000000000e+00, v7;
	[tilespmem:s2+$0xB0] =	vst v1  }
0x315: {  	v1 =	vmul.f32 $8.000000000e+00, v6;
	v6 =	vld [tilespmem:s8+$0x40];
	[tilespmem:s2+$0xF0] =	vst v0;
	s2 =	sadd.s32 $0x280, s2  }
0x316: {  	v0 =	vmul.f32 $8.000000000e+00, v5;
	v5 =	vld [tilespmem:s8+$0x80];
	[tilespmem:s2+$0x100] =	vst v7  }
0x317: {  	[tilespmem:s2+$0xFFFFFF00] =	vst v1;
	v1 =	vmul.f32 $8.000000000e+00, v2;
	v2 =	vld [tilespmem:s8+$0x110]  }
0x318: {  	[tilespmem:s2+$0xFFFFFF40] =	vst v0;
	v0 =	vmul.f32 $8.000000000e+00, v3;
	v3 =	vld [tilespmem:s8+$0xC0]  }
0x319: {  	v7 =	vld [tilespmem:s8+$0xFFFFFEC0];
	[tilespmem:s2+$0xFFFFFF80] =	vst v1;
	v1 =	vmul.f32 $8.000000000e+00, v4  }
0x31a: {  	v4 =	vld [tilespmem:s8+$0xFFFFFF10];
	[tilespmem:s2+$0xFFFFFFC0] =	vst v0;
	v0 =	vmul.f32 $8.000000000e+00, v6  }
0x31b: {  	v6 =	vld [tilespmem:s8+$0xFFFFFF50];
	[tilespmem:s2+$0x0] =	vst v1;
	v1 =	vmul.f32 $8.000000000e+00, v5  }
0x31c: {  	v5 =	vld [tilespmem:s8+$0xFFFFFF90];
	[tilespmem:s2+$0x40] =	vst v0;
	v0 =	vmul.f32 $8.000000000e+00, v2  }
0x31d: {  	v2 =	vld [tilespmem:s8+$0xFFFFFFD0];
	[tilespmem:s2+$0x80] =	vst v1;
	v1 =	vmul.f32 $8.000000000e+00, v3  }
0x31e: {  	v3 =	vmul.f32 $8.000000000e+00, v7;
	v7 =	vld [tilespmem:s8+$0x10];
	[tilespmem:s2+$0x110] =	vst v0  }
0x31f: {  	v0 =	vmul.f32 $8.000000000e+00, v4;
	[tilespmem:s2+$0xC0] =	vst v1;
	v1 =	vld [tilespmem:s8+$0x120]  }
0x320: {  	[tilespmem:s2+$0xFFFFFEC0] =	vst v3;
	v3 =	vmul.f32 $8.000000000e+00, v6;
	v4 =	vld [tilespmem:s8+$0x50]  }
0x321: {  	v6 =	vld [tilespmem:s8+$0xFFFFFED0];
	[tilespmem:s2+$0xFFFFFF10] =	vst v0;
	v0 =	vmul.f32 $8.000000000e+00, v5  }
0x322: {  	[tilespmem:s2+$0xFFFFFF50] =	vst v3;
	v2 =	vmul.f32 $8.000000000e+00, v2;
	v3 =	vld [tilespmem:s8+$0x90]  }
0x323: {  	[tilespmem:s2+$0xFFFFFF90] =	vst v0;
	v0 =	vmul.f32 $8.000000000e+00, v7;
	v5 =	vld [tilespmem:s8+$0xD0]  }
0x324: {  	v7 =	vld [tilespmem:s8+$0xFFFFFF20];
	[tilespmem:s2+$0xFFFFFFD0] =	vst v2;
	v1 =	vmul.f32 $8.000000000e+00, v1  }
0x325: {  	v2 =	vld [tilespmem:s8+$0xFFFFFF60];
	[tilespmem:s2+$0x10] =	vst v0;
	v0 =	vmul.f32 $8.000000000e+00, v4  }
0x326: {  	v4 =	vmul.f32 $8.000000000e+00, v6;
	v6 =	vld [tilespmem:s8+$0xFFFFFFA0];
	[tilespmem:s2+$0x120] =	vst v1  }
0x327: {  	[tilespmem:s2+$0x50] =	vst v0;
	v0 =	vmul.f32 $8.000000000e+00, v3;
	v1 =	vld [tilespmem:s8+$0x130]  }
0x328: {  	[tilespmem:s2+$0xFFFFFED0] =	vst v4;
	v3 =	vld [tilespmem:s8+$0xFFFFFFE0];
	v4 =	vmul.f32 $8.000000000e+00, v5  }
0x329: {  	v5 =	vld [tilespmem:s8+$0xFFFFFEE0];
	v7 =	vmul.f32 $8.000000000e+00, v7;
	[tilespmem:s2+$0x90] =	vst v0  }
0x32a: {  	v0 =	vmul.f32 $8.000000000e+00, v2;
	v2 =	vld [tilespmem:s8+$0x20];
	[tilespmem:s2+$0xD0] =	vst v4  }
0x32b: {  	[tilespmem:s2+$0xFFFFFF20] =	vst v7;
	v4 =	vmul.f32 $8.000000000e+00, v6;
	v6 =	vld [tilespmem:s8+$0x60]  }
0x32c: {  	[tilespmem:s2+$0xFFFFFF60] =	vst v0;
	v0 =	vld [tilespmem:s8+$0xA0];
	v1 =	vmul.f32 $8.000000000e+00, v1  }
0x32d: {  	[tilespmem:s2+$0xFFFFFFA0] =	vst v4;
	v3 =	vmul.f32 $8.000000000e+00, v3;
	v4 =	vld [tilespmem:s8+$0xE0]  }
0x32e: {  	v5 =	vmul.f32 $8.000000000e+00, v5;
	v7 =	vld [tilespmem:s8+$0xFFFFFF30];
	[tilespmem:s2+$0x130] =	vst v1  }
0x32f: {  	v8 =	vld [tilespmem:s8+$0xFFFFFF70];
	[tilespmem:s2+$0xFFFFFFE0] =	vst v3;
	v1 =	vmul.f32 $8.000000000e+00, v2  }
0x330: {  	[tilespmem:s2+$0xFFFFFEE0] =	vst v5;
	v3 =	vld [tilespmem:s8+$0xFFFFFFB0];
	v2 =	vmul.f32 $8.000000000e+00, v6  }
0x331: {  	v5 =	vld [tilespmem:s8+$0xFFFFFEF0];
	[tilespmem:s2+$0x20] =	vst v1;
	v6 =	vmul.f32 $8.000000000e+00, v0  }
.Ltmp9:
0x332: {  	v0 =	vld [tilespmem:s8+$0xFFFFFFF0];
	[tilespmem:s2+$0x60] =	vst v2;
	v4 =	vmul.f32 $8.000000000e+00, v4;
	(pc) =	sbr.rel @p0 .LBB2_17-.Ltmp9, $4  }
0x333: {  	v7 =	vmul.f32 $8.000000000e+00, v7;
	v1 =	vld [tilespmem:s8+$0x30];
	[tilespmem:s2+$0xA0] =	vst v6  }
0x334: {  	v8 =	vmul.f32 $8.000000000e+00, v8;
	v2 =	vld [tilespmem:s8+$0x70];
	[tilespmem:s2+$0xE0] =	vst v4  }
0x335: {  	[tilespmem:s2+$0xFFFFFF30] =	vst v7;
	v6 =	vmul.f32 $8.000000000e+00, v3;
	v3 =	vld [tilespmem:s8+$0xB0]  }
0x336: {  	v5 =	vmul.f32 $8.000000000e+00, v5;
	[tilespmem:s2+$0xFFFFFF70] =	vst v8;
	v4 =	vld [tilespmem:s8+$0xF0];
	s8 =	sadd.s32 $0x280, s8  }
0x337: {  	[tilespmem:s2+$0xFFFFFFB0] =	vst v6;
	v0 =	vmul.f32 $8.000000000e+00, v0  }
0x338: {  	[tilespmem:s2+$0xFFFFFEF0] =	vst v5;
	v1 =	vmul.f32 $8.000000000e+00, v1  }
0x339: {  	[tilespmem:s2+$0xFFFFFFF0] =	vst v0;
	v61 =	vmul.f32 $8.000000000e+00, v2  }
.Ltmp10:
0x33a: {  	s6 =	sadd.s32 s3, s6;
	[tilespmem:s2+$0x30] =	vst v1;
	v62 =	vmul.f32 $8.000000000e+00, v3;
	(pc) =	sbr.rel @p1 .LBB2_20-.Ltmp10, $4  }
0x33b: {  	s6 =	smul.u32 $0x380, s6;
	[tilespmem:s2+$0x70] =	vst v61;
	v63 =	vmul.f32 $8.000000000e+00, v4  }
0x33c: {  	[tilespmem:s2+$0xB0] =	vst v62  }
0x33d: {  	s23 =	sadd.s32 s5, s6;
	[tilespmem:s2+$0xF0] =	vst v63  }
0x33e: {  	[hbm4b:s23+s26] =	stream.strided.scatter [tilespmem:s19], [sflag:$0x10], $0xC80, s28, s26, $0x38;
	[tilespmem:$0x13800] =	vst v63  }
0x33f: {  	s2 =	smul.u32 $0x700, s21  }
.Ltmp11:
0x340: {  	_ = 	snop;
	(pc) =	sbr.rel .LBB2_2-.Ltmp11, $4  }
0x341: {  	_ = 	snop  }
0x342: {  	s2 =	sshra.s32 s2, $0x2  }
0x343: {  	s21 =	sadd.s32 $0x1, s21;
	s2 =	sadd.s32 $0x348, s2  }
0x344: {  	[tilespmem:s24], [sflag:$0x8] =	stream.indirect.gather [hbm4b:s4+s9], $0x40, s2, s9, $0xb8;
	[tilespmem:$0x13800] =	vst v63  }
.LBB2_21:
0x345: {  	_ =	sfence.sel $0x180000  }
0x346: {  	[bflag:$0x0] =	sbarrier.arrive $0xFFFF  }
0x347: {  	_ =	strace $0x90000047  }
0x348: {  	s0 =	stileid.u32;
	[bflag:$0x2] =	sbarrier.arrive $0xFFFF  }
0x349: {  	p0 =	sne.s32 s0, $0x0;
	s0 =	rddreg [dreg:$0x2]  }
0x34a: {  	s0 =	sadd.s32 @!p0 $0x100000, s0  }
0x34b: {  	[sflag:s0] =	ssyncadd.tile.s32 @!p0 $0x1;
	_ =	shalt  }
.Lfunc_end2:
_tile_overlayer_lowered:
.L_overlay_start_2:
0x34c: {  	(tag) =	ssettag $0x2  }
0x34d: {  	s0 =	rddreg [dreg:$0x0];
	s2 =	stileid.u32  }
0x34e: {  	s1 =	rddreg [dreg:$0x1];
	p0 =	sne.s32 s2, $0x0  }
0x34f: {  	s3 =	rddreg [dreg:$0x2];
	[bflag:$0x3] =	sbarrier.arrive $0xFFFF;
	s2 =	simm.s32 @!p0 $0x1C11  }
0x350: {  	[timem:s3], [sflag:s2] =	dma.local @!p0 [hbm:s0], s1  }
0x351: {  	s0 =	simm.s32 @!p0 $0x11  }
0x352: {  	_ =	swait.ge @!p0 [sflag:s0], s1  }
0x353: {  	s1 =	ssub.s32 @!p0 $0x0, s1;
	[sflag:s0] =	ssyncset.done @!p0 $0x0  }
0x354: {  	[sflag:s0] =	ssyncadd.s32 @!p0 s1  }
0x355: {  	[bflag:$0x3] =	sbarrier.arrive $0xFFFF  }
0x356: {  	_ =	shalt  }

// kernel: sparse-core-data-format-call.cloned.1.call-start
scs
called_computation_lowered:
.L_overlay_start_0:
0x0: {  	s2 =	sld [smem:$0x3FD9]  }
0x1: {  	s3 =	sld [smem:$0x3FFE];
	_ =	sdelay $0x1  }
0x2: {  	s1 =	srdreg.scid  }
0x3: {  	s0 =	sand.u32 $0x1, s1  }
0x4: {  	s18 =	sshll.u32 s0, $0xA;
	s2 =	sadd.s32 s3, s2  }
0x5: {  	s2 =	sadd.s32 s2, s18  }
0x6: {  	[smem:$0x3FC6] =	sst s2  }
0x7: {  	_ = 	snop  }
0x8: {  	s2 =	sld [smem:$0x3FD0];
	(tm) =	ssettm $0x1  }
0x9: {  	s19 =	sld [smem:$0x3FFB];
	_ =	sdelay $0x3  }
0xa: {  	_ =	strace s19  }
0xb: {  	s3 =	sld [smem:$0x3FFC];
	_ =	sdelay $0x3  }
0xc: {  	_ =	strace s3  }
0xd: {  	s3 =	sld [smem:$0x3FFD];
	_ =	sdelay $0x3  }
0xe: {  	_ =	strace s3  }
0xf: {  	_ =	strace $0x8FFFFFFF  }
0x10: {  	s20 =	sld [smem:$0x3FDB];
	_ =	sdelay $0x1  }
0x11: {  	s4 =	simm.s32 $_scs_section_size  }
0x12: {  	s5 =	simm.s32 $_size__tile_overlayer_lowered;
	s6 =	simm.s32 $_tile_overlayer_lowered  }
0x13: {  	s23 =	simm.s32 $0x1BFF;
	s22 =	sshll.u32 s6, $0x1;
	s3 =	sadd.s32 s4, s20  }
0x14: {  	s7 =	simm.s32 $0x0;
	s21 =	sshll.u32 s5, $0x1;
	s5 =	sadd.s32 s22, s3  }
0x15: {  	[timem:s7], [sflag:s23] =	dma.local [hbm:s5], s21  }
0x16: {  	_ =	swait.ge [sflag:s23], s21  }
0x17: {  	s4 =	ssub.s32 $0x0, s21;
	[sflag:s23] =	ssyncset.done $0x0  }
0x18: {  	[sflag:s23] =	ssyncadd.s32 s4;
	_ =	sdelay $0x1  }
0x19: {  	s24 =	simm.s32 $0x1B8B  }
0x1a: {  	_ =	swait.ge [sflag:s24], $0x1  }
0x1b: {  	[sflag:s24] =	ssyncset.done $0x0  }
0x1c: {  	s26 =	simm.s32 $0x1B8E;
	s25 =	sld [smem:$0x3FFE];
	[sflag:s24] =	ssyncadd.s32 $0xFFFFFFFF  }
0x1d: {  	s27 =	simm.s32 $execute0_lowered;
	[smem:$0x3FD2] =	sst s26  }
0x1e: {  	s5 =	sshll.u32 s27, $0x1;
	_ =	strace $0x80000049;
	[dreg:$0x1] =	wrdreg $0xFFFFFFFF  }
0x1f: {  	s28 =	simm.s32 $_size_execute0_lowered;
	s3 =	sadd.s32 s3, s5;
	[dreg:$0x0] =	wrdreg $0x0  }
0x20: {  	s5 =	sshll.u32 s28, $0x1;
	[dreg:$0x2] =	wrdreg s3  }
0x21: {  	[dreg:$0x3] =	wrdreg s5  }
0x22: {  	[dreg:$0x4] =	wrdreg $0xC0  }
0x23: {  	_ =	task [dreg:s7], $0x5FFFF  }
0x24: {  	[dreg:$0x1] =	wrdreg $0xFFFFFFFF  }
0x25: {  	[dreg:$0x0] =	wrdreg $0x60  }
0x26: {  	[dreg:$0x2] =	wrdreg s25  }
0x27: {  	[dreg:$0x3] =	wrdreg s2  }
0x28: {  	[dreg:$0x4] =	wrdreg $0x9  }
0x29: {  	_ =	task.clear_ibuf [dreg:s7], $0x5FFFF;
	_ =	strace $0x90000049  }
0x2a: {  	s29 =	simm.s32 $0x9;
	_ =	strace $0x8000004B  }
0x2b: {  	_ =	swait.ge [sflag:s29], $0x1  }
0x2c: {  	[sflag:s29] =	ssyncadd.s32 $0xFFFFFFFF  }
0x2d: {  	_ =	strace $0x9000004B  }
0x2e: {  	_ =	sfence  }
0x2f: {  	s30 =	sld [smem:$0x0];
	_ =	sdelay $0x2  }
0x30: {  	s31 =	sshll.u32 s1, $0xD;
	s1 =	sshrl.u32 s1, $0x2  }
0x31: {  	s3 =	sand.u32 $0x4000, s31;
	s1 =	sadd.s32 s1, s30  }
0x32: {  	s0 =	sor.u32 s3, s0;
	s1 =	sshll.u32 s1, $0x11  }
0x33: {  	s0 =	sor.u32 s1, s0  }
0x34: {  	s0 =	sadd.s32 $0x8F2B, s0  }
0x35: {  	[sflag:s0] =	ssyncadd.remote.s32 $0x1  }
0x36: {  	_ =	sfence.sel $0xFFFF  }
0x37: {  	[dreg:$0x0] =	wrdreg $0xFFFFFFFF;
	(pc) =	sbr.abs _section_cstart, $3  }
0x38: {  	[dreg:$0x1] =	wrdreg $0xFFFFFFFF  }
0x39: {  	_ =	task.clear_ibuf [dreg:s7], $0x2FFFF;
	_ =	strace $0x9FFFFFFF  }
0x3a: {  	(tm) =	ssettm $0x7FFFFFFF  }
0x3b: {  	_ =	shalt  }
tec
execute0_lowered:
.L_overlay_start_1:
0x0: {  	(tag) =	ssettag $0x1  }
0x1: {  	s0 =	srdreg.scid  }
0x2: {  	s1 =	sshll.u32 s0, $0x4  }
0x3: {  	s0 =	stileid.u32;
	s1 =	sand.u32 $0x10, s1  }
0x4: {  	s1 =	sor.u32 s0, s1  }
0x5: {  	s6 =	rddreg [dreg:$0x0];
	s4 =	simm.s32 $0x1;
	s2 =	sshll.u32 s1, $0x7  }
0x6: {  	s7 =	simm.s32 $0x2;
	s12 =	simm.s32 $0x0;
	s1 =	ssub.s32 $0x4000, s2  }
0x7: {  	s8 =	simm.s32 $0x20000;
	s13 =	simm.s32 $0x0;
	s3 =	sand.u32 $0xF80, s1  }
0x8: {  	s9 =	simm.s32 $0x0;
	s5 =	sshrl.u32 s1, $0xC;
	p0 =	sne.s32 s3, $0x0  }
.Ltmp0:
0x9: {  	s1 =	rddreg [dreg:$0x2];
	s4 =	simm.s32 @!p0 $0x0;
	(pc) =	sbr.rel .LBB1_1-.Ltmp0, $4  }
0xa: {  	s11 =	simm.s32 $0x0;
	s3 =	rddreg [dreg:$0x1];
	s5 =	sadd.s32 s4, s5  }
0xb: {  	_ =	strace $0x8000004A;
	s4 =	simm.s32 $0x1;
	s5 =	smul.u32 $0x32, s5  }
0xc: {  	s6 =	sadd.s32 $0xA00, s6;
	s10 =	smov.u32 s2;
	[sflag:s4] =	ssyncpa.u1 $0x0  }
0xd: {  	p0 =	por $0x0, $0x0;
	[sflag:s7] =	ssyncpa.u1 $0x0;
	s7 =	sor.u32 $0x1, s5  }
.LBB1_4:
0xe: {  	s16 =	sshll.u32 s13, $0x3;
	s17 =	sand.u32 $0x78, s13  }
0xf: {  	s30 =	sand.u32 $0x1F800, s13;
	s12 =	sshll.u32 s12, $0x11;
	s16 =	sand.u32 $0x3C00, s16  }
0x10: {  	[tilespmem:s15+$0x810 ss:$0x81] =	vst.msk $0xffff, v2;
	s31 =	sand.u32 $0x7, s13;
	s16 =	sor.u32 s17, s16;
	s17 =	sadd.s32 s3, s30  }
0x11: {  	[tilespmem:s15+$0x1020 ss:$0x81] =	vst.msk $0xffff, v0;
	s13 =	sshll.u32 s31, $0x12;
	s12 =	sadd.s32 s12, s17;
	s16 =	sshrl.u32 s16, $0x3  }
0x12: {  	[tilespmem:s15+$0x0 ss:$0x81] =	vst.msk $0xffff, v1;
	s13 =	sor.u32 $0x400, s13;
	s12 =	sadd.s32 s16, s12  }
0x13: {  	[hbm4b:s12+s13] =	stream.strided.scatter [tilespmem:s14], [sflag:$0x2], $0x2000, s8, s13, $0x20;
	[tilespmem:$0x8080] =	vst v63  }
.LBB1_5:
0x14: {  	s14 =	sadd.s32 $0x1, s9  }
0x15: {  	s12 =	sadd.s32 $0x1000, s10;
	s16 =	smov.u32 s10;
	p2 =	sgt.s32 s14, $0x31  }
0x16: {  	s16 =	smov.u32 @p2 s12  }
0x17: {  	s14 =	simm.s32 @p2 $0x0;
	p2 =	sgt.s32 s16, $0x3FFF  }
0x18: {  	s16 =	smov.u32 @p2 s2;
	p2 =	sne.s32 s11, s7  }
.Ltmp1:
0x19: {  	p1 =	slt.u32 s11, $0x2;
	(pc) =	sbr.rel @!p2 .LBB1_6-.Ltmp1, $4  }
0x1a: {  	s15 =	simm.s32 @!p1 $0x2  }
0x1b: {  	s13 =	smov.u32 s10;
	p0 =	por !p0, !p0;
	_ =	swait.ge @!p1 [sflag:s15], $0x2000  }
0x1c: {  	s12 =	smov.u32 s9;
	[sflag:s15] =	ssyncset.done @!p1 $0x0;
	s9 =	smov.u32 s14  }
0x1d: {  	s11 =	sadd.s32 $0x1, s11;
	[sflag:s15] =	ssyncadd.s32 @!p1 $0xFFFFE000;
	s10 =	smov.u32 s16  }
.LBB1_1:
0x1e: {  	p1 =	sge.u32 s11, s5  }
0x1f: {  	s14 =	sand.u32 @!p1 $0x1FFFFFF, s9  }
0x20: {  	s15 =	smulhi.u32 @!p1 $0x4924925, s14;
	_ =	sdelay $0x1  }
0x21: {  	s15 =	smul.u32 @!p1 $0x38, s15  }
0x22: {  	s16 =	sxor.u32 @!p1 $0xFFFFFFFF, s11;
	s17 =	smul.u32 @!p1 $0x380, s10  }
0x23: {  	s31 =	sadd.s32 $0xFFFFFFFF, s11;
	s16 =	sshll.u32 @!p1 s16, $0xD;
	s14 =	ssub.s32 @!p1 s14, s15  }
0x24: {  	s15 =	sand.u32 @!p1 $0x2000, s16;
	s16 =	sadd.s32 @!p1 s6, s17;
	s14 =	sshll.u32 @!p1 s14, $0x4  }
0x25: {  	s17 =	simm.s32 @!p1 $0x1C00;
	s14 =	sadd.s32 @!p1 s14, s16;
	s16 =	simm.s32 @!p1 $0x40  }
0x26: {  	[tilespmem:s15], [sflag:$0x1] =	stream.strided.gather @!p1 [hbm4b:s14+s16], $0x2000, s17, s16, $0x38;
	[tilespmem:$0x8080] =	vst v63  }
0x27: {  	p1 =	sge.u32 s31, s5  }
.Ltmp2:
0x28: {  	_ = 	snop;
	(pc) =	sbr.rel @p1 .LBB1_5-.Ltmp2, $1  }
0x29: {  	_ =	sdelay $0x3  }
0x2a: {  	s14 =	simm.s32 $0x1  }
0x2b: {  	_ =	swait.ge [sflag:s4], $0x2000;
	s14 =	simm.s32 @!p0 $0x0  }
0x2c: {  	[sflag:s4] =	ssyncset.done $0x0;
	s15 =	sshll.u32 s14, $0xD  }
0x2d: {  	[sflag:s4] =	ssyncadd.s32 $0xFFFFE000;
	s18 =	sor.u32 $0x20, s15  }
0x2e: {  	s14 =	smul.u32 $0x8100, s14;
	v3 =	vld [tilespmem:s18+$0x10]  }
0x2f: {  	s30 =	sand.u32 $0x1, s11;
	v2 =	vld [tilespmem:s18+$0xFFFFFFF0]  }
0x30: {  	s15 =	smul.u32 $0x8100, s30;
	s14 =	sshrl.u32 s14, $0x2;
	v0 =	vld [tilespmem:s18+$0x0]  }
0x31: {  	v1 =	vld [tilespmem:s18+$0xFFFFFFE0];
	s16 =	sor.u32 $0x4000, s14  }
0x32: {  	s31 =	sshrl.u32 s15, $0x2;
	s15 =	sadd.s32 $0x0, s16  }
0x33: {  	s17 =	simm.s32 $0x4;
	s18 =	sadd.s32 $0x40, s18;
	s14 =	sor.u32 $0x4000, s31;
	[tilespmem:s15+$0x1830 ss:$0x81] =	vst.msk $0xffff, v3  }
.LBB1_3:
0x34: {  	v3 =	vld [tilespmem:s18+$0x10];
	p1 =	sne.s32 s17, $0x1FC;
	[tilespmem:s15+$0x810 ss:$0x81] =	vst.msk $0xffff, v2;
	s19 =	smov.u32 s17;
	s17 =	sadd.s32 $0x4, s17  }
.Ltmp3:
0x35: {  	v2 =	vld [tilespmem:s18+$0xFFFFFFF0];
	[tilespmem:s15+$0x1020 ss:$0x81] =	vst.msk $0xffff, v0;
	(pc) =	sbr.rel @p1 .LBB1_3-.Ltmp3, $4  }
0x36: {  	v0 =	vld [tilespmem:s18+$0x0];
	[tilespmem:s15+$0x0 ss:$0x81] =	vst.msk $0xffff, v1  }
0x37: {  	s15 =	sshra.s32 s19, $0x2;
	v1 =	vld [tilespmem:s18+$0xFFFFFFE0]  }
0x38: {  	s15 =	sadd.s32 s15, s16  }
0x39: {  	s18 =	sadd.s32 $0x40, s18;
	[tilespmem:s15+$0x1830 ss:$0x81] =	vst.msk $0xffff, v3  }
.Ltmp4:
0x3a: {  	_ = 	snop;
	(pc) =	sbr.rel .LBB1_4-.Ltmp4, $1  }
0x3b: {  	_ =	sdelay $0x3  }
.LBB1_6:
0x3c: {  	_ =	sfence.sel $0x180000  }
0x3d: {  	s2 =	simm.s32 $0x1;
	[bflag:$0x0] =	sbarrier.arrive $0xFFFF  }
0x3e: {  	s31 =	simm.s32 $0x2;
	[sflag:s2] =	ssyncpa.u1 $0x1  }
0x3f: {  	[sflag:s31] =	ssyncpa.u1 $0x1  }
0x40: {  	p0 =	sne.s32 s0, $0x0;
	_ =	strace $0x9000004A  }
0x41: {  	s0 =	sadd.s32 @!p0 $0x100000, s1;
	[bflag:$0x2] =	sbarrier.arrive $0xFFFF  }
0x42: {  	[sflag:s0] =	ssyncadd.tile.s32 @!p0 $0x1;
	_ =	shalt  }
.Lfunc_end1:
_tile_overlayer_lowered:
.L_overlay_start_2:
0x43: {  	(tag) =	ssettag $0x2  }
0x44: {  	s0 =	rddreg [dreg:$0x0];
	s2 =	stileid.u32  }
0x45: {  	s1 =	rddreg [dreg:$0x1];
	p0 =	sne.s32 s2, $0x0  }
0x46: {  	s3 =	rddreg [dreg:$0x2];
	[bflag:$0x3] =	sbarrier.arrive $0xFFFF;
	s2 =	simm.s32 @!p0 $0x1C01  }
0x47: {  	[timem:s3], [sflag:s2] =	dma.local @!p0 [hbm:s0], s1  }
0x48: {  	s0 =	simm.s32 @!p0 $0x1  }
0x49: {  	_ =	swait.ge @!p0 [sflag:s0], s1  }
0x4a: {  	s1 =	ssub.s32 @!p0 $0x0, s1;
	[sflag:s0] =	ssyncset.done @!p0 $0x0  }
0x4b: {  	[sflag:s0] =	ssyncadd.s32 @!p0 s1  }
0x4c: {  	[bflag:$0x3] =	sbarrier.arrive $0xFFFF  }
0x4d: {  	_ =	shalt  }

</sc_bundles>
